<compile_context>
chip_gen: v7x
topology: tpu7x:2x2x1
jax: 0.10.2.dev20260603
libtpu: 0.0.44.dev20260713+nightly
codegen_flags: <defaults>
</compile_context>

<pallas_src>
import functools

import jax
import jax.numpy as jnp
from jax import lax
from jax.experimental import pallas as pl
from jax.experimental.pallas import tpu as pltpu
from jax.experimental.pallas import tpu_sc as plsc

N = 10000
F = 128
E = 160000

ROW_BLOCK = 400

SC_CORES = 2
SC_SUBCORES = 16
NWORKERS = SC_CORES * SC_SUBCORES
EDGES_PER_WORKER = E // NWORKERS
CHUNK = 200
NCHUNKS = EDGES_PER_WORKER // CHUNK
NGROUPS = (CHUNK + 15) // 16


def _gc_layer(adj, x, wn, ws, b, *, relu):

    def body(adj_ref, xb_ref, xf_ref, wn_ref, ws_ref, b_ref, out_ref, sup_s):
        @pl.when(pl.program_id(0) == 0)
        def _init():
            sup_s[...] = jnp.dot(xf_ref[...], wn_ref[...],
                                 preferred_element_type=jnp.float32)

        acc = jnp.dot(adj_ref[...], sup_s[...],
                      preferred_element_type=jnp.float32)
        slf = jnp.dot(xb_ref[...], ws_ref[...],
                      preferred_element_type=jnp.float32)
        r = acc + slf + b_ref[...]
        if relu:
            r = jnp.maximum(r, 0.0)
        out_ref[...] = r

    grid = (N // ROW_BLOCK,)
    return pl.pallas_call(
        body,
        grid=grid,
        in_specs=[
            pl.BlockSpec((ROW_BLOCK, N), lambda i: (i, 0)),
            pl.BlockSpec((ROW_BLOCK, F), lambda i: (i, 0)),
            pl.BlockSpec((N, F), lambda i: (0, 0)),
            pl.BlockSpec((F, F), lambda i: (0, 0)),
            pl.BlockSpec((F, F), lambda i: (0, 0)),
            pl.BlockSpec((1, F), lambda i: (0, 0)),
        ],
        out_specs=pl.BlockSpec((ROW_BLOCK, F), lambda i: (i, 0)),
        out_shape=jax.ShapeDtypeStruct((N, F), jnp.float32),
        scratch_shapes=[pltpu.VMEM((N, F), jnp.float32)],
        compiler_params=pltpu.CompilerParams(
            dimension_semantics=("arbitrary",),
            vmem_limit_bytes=64 * 1024 * 1024,
        ),
    )(adj, x, x, wn, ws, b.reshape(1, F))


def _gc_layer3(adj, x, wn, ws, b, wa, wb, fb):

    def body(adj_ref, xb_ref, xf_ref, wn_ref, ws_ref, b_ref,
             wa_ref, wb_ref, fb_ref, z_ref, zx_ref, zy_ref, sup_s):
        @pl.when(pl.program_id(0) == 0)
        def _init():
            sup_s[...] = jnp.dot(xf_ref[...], wn_ref[...],
                                 preferred_element_type=jnp.float32)

        acc = jnp.dot(adj_ref[...], sup_s[...],
                      preferred_element_type=jnp.float32)
        slf = jnp.dot(xb_ref[...], ws_ref[...],
                      preferred_element_type=jnp.float32)
        z = acc + slf + b_ref[...]
        z_ref[...] = z
        zx_ref[...] = jnp.dot(z, wa_ref[...], preferred_element_type=jnp.float32)
        zy_ref[...] = jnp.dot(z, wb_ref[...],
                              preferred_element_type=jnp.float32) + fb_ref[...]

    grid = (N // ROW_BLOCK,)
    blk = pl.BlockSpec((ROW_BLOCK, F), lambda i: (i, 0))
    wspec = pl.BlockSpec((F, F), lambda i: (0, 0))
    return pl.pallas_call(
        body,
        grid=grid,
        in_specs=[
            pl.BlockSpec((ROW_BLOCK, N), lambda i: (i, 0)),
            blk,
            pl.BlockSpec((N, F), lambda i: (0, 0)),
            wspec,
            wspec,
            pl.BlockSpec((1, F), lambda i: (0, 0)),
            wspec,
            wspec,
            pl.BlockSpec((1, F), lambda i: (0, 0)),
        ],
        out_specs=(blk, blk, blk),
        out_shape=(
            jax.ShapeDtypeStruct((N, F), jnp.float32),
            jax.ShapeDtypeStruct((N, F), jnp.float32),
            jax.ShapeDtypeStruct((N, F), jnp.float32),
        ),
        scratch_shapes=[pltpu.VMEM((N, F), jnp.float32)],
        compiler_params=pltpu.CompilerParams(
            dimension_semantics=("arbitrary",),
            vmem_limit_bytes=64 * 1024 * 1024,
        ),
    )(adj, x, x, wn, ws, b.reshape(1, F), wa, wb, fb.reshape(1, F))


def _decode(zx, zy, x_idx, y_idx, w2, b16):

    mesh = plsc.VectorSubcoreMesh(core_axis_name="c", subcore_axis_name="s")

    @functools.partial(
        pl.kernel,
        out_type=jax.ShapeDtypeStruct((E,), jnp.float32),
        mesh=mesh,
        scratch_types=[
            pltpu.VMEM((CHUNK,), jnp.int32),
            pltpu.VMEM((CHUNK,), jnp.int32),
            pltpu.VMEM((CHUNK,), jnp.int32),
            pltpu.VMEM((CHUNK,), jnp.int32),
            pltpu.VMEM((CHUNK, F), jnp.float32),
            pltpu.VMEM((CHUNK, F), jnp.float32),
            pltpu.VMEM((CHUNK, F), jnp.float32),
            pltpu.VMEM((CHUNK, F), jnp.float32),
            pltpu.VMEM((F,), jnp.float32),
            pltpu.VMEM((16,), jnp.float32),
            pltpu.VMEM((16, 16), jnp.float32),
            pltpu.VMEM((CHUNK,), jnp.float32),
            pltpu.VMEM((CHUNK,), jnp.float32),
            pltpu.SemaphoreType.DMA,
            pltpu.SemaphoreType.DMA,
            pltpu.SemaphoreType.DMA,
            pltpu.SemaphoreType.DMA,
        ],
    )
    def decode(zx_hbm, zy_hbm, xi_hbm, yi_hbm, w2_hbm, b16_hbm, out_hbm,
               xi0, yi0, xi1, yi1, bx0, by0, bx1, by1,
               w2_v, b16_v, accb, out0, out1, sem0, sem1, sem_o0, sem_o1):
        wid = lax.axis_index("s") * SC_CORES + lax.axis_index("c")
        base = wid * EDGES_PER_WORKER
        pltpu.sync_copy(w2_hbm, w2_v)
        pltpu.sync_copy(b16_hbm, b16_v)
        lanes = lax.iota(jnp.int32, 16)
        stages = [(jnp.bitwise_xor(lanes, s), (lanes & s) == 0) for s in (1, 2, 4, 8)]
        w2v = [w2_v[pl.ds(j * 16, 16)] for j in range(F // 16)]
        b16r = b16_v[...]
        sets = ((xi0, yi0, bx0, by0, sem0, out0, sem_o0),
                (xi1, yi1, bx1, by1, sem1, out1, sem_o1))

        def issue(c, st):
            xi, yi, bx, by, sem = st[:5]
            cb = base + c * CHUNK
            pltpu.sync_copy(xi_hbm.at[pl.ds(cb, CHUNK)], xi)
            pltpu.sync_copy(yi_hbm.at[pl.ds(cb, CHUNK)], yi)
            pltpu.async_copy(zx_hbm.at[xi], bx, sem)
            pltpu.async_copy(zy_hbm.at[yi], by, sem)

        def drain(st):
            xi, yi, bx, by, sem = st[:5]
            pltpu.make_async_copy(zx_hbm.at[xi], bx, sem).wait()
            pltpu.make_async_copy(zy_hbm.at[yi], by, sem).wait()

        def compute(c, st):
            _, _, bx, by, _, out_v, sem_o = st
            @pl.when(c >= 2)
            def _drain_out():
                cb2 = base + (c - 2) * CHUNK
                pltpu.make_async_copy(
                    out_v, out_hbm.at[pl.ds(cb2, CHUNK)], sem_o).wait()

            def group_body(g, gcarry):
                s0 = jnp.minimum(g * 16, CHUNK - 16)

                @plsc.parallel_loop(0, 16, step=1, unroll=4)
                def edge_body(t):
                    e = s0 + t
                    acc = jnp.zeros((16,), jnp.float32)
                    for j in range(F // 16):
                        vx = bx[e, pl.ds(j * 16, 16)]
                        vy = by[e, pl.ds(j * 16, 16)]
                        h = jnp.maximum(vx + vy, 0.0)
                        acc = acc + h * w2v[j]
                    accb[t, :] = acc
                stack = []
                for t in range(16):
                    vec, lev = accb[t, :], 0
                    while stack and stack[-1][0] == lev:
                        u = stack.pop()[1]
                        idxv, msk = stages[lev]
                        pu = u.at[idxv].get(mode="promise_in_bounds")
                        pv = vec.at[idxv].get(mode="promise_in_bounds")
                        vec = jnp.where(msk, u + pu, vec + pv)
                        lev += 1
                    stack.append((lev, vec))
                tot = stack[0][1] + b16r
                out_v[pl.ds(s0, 16)] = 1.0 / (1.0 + jnp.exp(-tot))
                return gcarry

            lax.fori_loop(0, NGROUPS, group_body, 0)
            pltpu.async_copy(out_v, out_hbm.at[pl.ds(base + c * CHUNK, CHUNK)],
                             sem_o)

        issue(0, sets[0])

        @pl.loop(0, NCHUNKS, step=2)
        def _outer(c0):
            for b in range(2):
                c = c0 + b

                @pl.when(c < NCHUNKS)
                def _chunk():
                    @pl.when(c + 1 < NCHUNKS)
                    def _prefetch():
                        issue(c + 1, sets[1 - b])

                    drain(sets[b])
                    compute(c, sets[b])

        for c in (NCHUNKS - 2, NCHUNKS - 1):
            st = sets[c % 2]
            pltpu.make_async_copy(
                st[5], out_hbm.at[pl.ds(base + c * CHUNK, CHUNK)], st[6]).wait()

    return decode(zx, zy, x_idx, y_idx, w2, b16)


def kernel(inputs, adj, x_idx, y_idx,
           gc1_wn, gc1_ws, gc1_b,
           gc2_wn, gc2_ws, gc2_b,
           gc3_wn, gc3_ws, gc3_b,
           fc1_w, fc1_b, fc2_w, fc2_b):
    h1 = _gc_layer(adj, inputs, gc1_wn, gc1_ws, gc1_b, relu=True)
    h2 = _gc_layer(adj, h1, gc2_wn, gc2_ws, gc2_b, relu=True)
    z, zx, zy = _gc_layer3(adj, h2, gc3_wn, gc3_ws, gc3_b,
                           fc1_w[:F], fc1_w[F:], fc1_b)
    w2 = fc2_w.reshape(F)
    b16 = jnp.broadcast_to(fc2_b, (16,))
    out = _decode(zx, zy, x_idx, y_idx, w2, b16)
    return (out.reshape(E, 1), z)

# --- scband reference (transcript-rebuilt; emitter-appended) ---
"""Pipeline reference for scband-gae-53008486367982 (READ-ONLY COPY).

The authoritative reference and input builder live on the scoring server;
editing this copy changes nothing except your own understanding.
"""

import jax, jax.numpy as jnp
import numpy as np

N = 10000
NFEAT = 128
NHID = 128
E = 160000


def setup_inputs(seed: int = 0) -> dict:
    key = jax.random.key(seed)
    ks = jax.random.split(key, 24)
    inp = {}
    inp["inputs"] = jax.random.normal(ks[0], (N, NFEAT), dtype=jnp.float32)
    inp["adj"] = jax.random.uniform(ks[1], (N, N), dtype=jnp.float32)
    inp["x_idx"] = jax.random.randint(ks[2], (E,), 0, N, dtype=jnp.int64) if jax.config.jax_enable_x64 else jax.random.randint(ks[2], (E,), 0, N, dtype=jnp.int32)
    inp["y_idx"] = jax.random.randint(ks[3], (E,), 0, N, dtype=jnp.int32)
    inp["x_idx"] = jax.random.randint(ks[2], (E,), 0, N, dtype=jnp.int32)

    stdv = 1.0 / np.sqrt(NHID)

    def u(k, shape, s):
        return jax.random.uniform(k, shape, dtype=jnp.float32, minval=-s, maxval=s)

    # GraphConvolutionFirstOrder params (weight_neighbor, weight_self, bias), init uniform(-1/sqrt(out), 1/sqrt(out))
    inp["gc1_wn"] = u(ks[4], (NFEAT, NHID), stdv)
    inp["gc1_ws"] = u(ks[5], (NFEAT, NHID), stdv)
    inp["gc1_b"] = u(ks[6], (NHID,), stdv)
    inp["gc2_wn"] = u(ks[7], (NHID, NHID), stdv)
    inp["gc2_ws"] = u(ks[8], (NHID, NHID), stdv)
    inp["gc2_b"] = u(ks[9], (NHID,), stdv)
    inp["gc3_wn"] = u(ks[10], (NHID, NHID), stdv)
    inp["gc3_ws"] = u(ks[11], (NHID, NHID), stdv)
    inp["gc3_b"] = u(ks[12], (NHID,), stdv)

    # MLPDecoder: fc1 Linear(2*nhid -> nhid), fc2 Linear(nhid -> 1), torch default init
    s1 = 1.0 / np.sqrt(2 * NHID)
    inp["fc1_w"] = u(ks[13], (2 * NHID, NHID), s1)
    inp["fc1_b"] = u(ks[14], (NHID,), s1)
    s2 = 1.0 / np.sqrt(NHID)
    inp["fc2_w"] = u(ks[15], (NHID, 1), s2)
    inp["fc2_b"] = u(ks[16], (1,), s2)
    return inp


def reference(inputs, adj, x_idx, y_idx,
              gc1_wn, gc1_ws, gc1_b,
              gc2_wn, gc2_ws, gc2_b,
              gc3_wn, gc3_ws, gc3_b,
              fc1_w, fc1_b, fc2_w, fc2_b):
    # GraphConvolutionFirstOrder: act_self = x @ W_self; act_neighbor = adj @ (x @ W_nb)
    def gc(x, wn, ws, b):
        act_self = x @ ws
        support_neighbor = x @ wn
        act_neighbor = adj @ support_neighbor
        return act_self + act_neighbor + b

    # encode (dropout=0.0 / eval mode -> identity)
    h = jax.nn.relu(gc(inputs, gc1_wn, gc1_ws, gc1_b))
    h = jax.nn.relu(gc(h, gc2_wn, gc2_ws, gc2_b))
    z = gc(h, gc3_wn, gc3_ws, gc3_b)

    # decode (MLPDecoder)
    xe = z[x_idx]
    ye = z[y_idx]
    hcat = jnp.concatenate((xe, ye), axis=1)
    hd = jax.nn.relu(hcat @ fc1_w + fc1_b)
    out = jax.nn.sigmoid(hd @ fc2_w + fc2_b)
    return (out, z)

if __name__ == "__main__":
    import jax
    _d = setup_inputs()
    print(jax.jit(kernel)(*tuple(_d.values())))

</pallas_src>

<mosaic_0001>
#map = affine_map<(d0, d1) -> (0, 0)>
#map1 = affine_map<(d0, d1) -> (0)>
module attributes {stable_mosaic.version = 14 : i64} {
  func.func @decode(%arg0: i32, %arg1: i32, %arg2: memref<10000x128xf32, #tpu.memory_space<hbm>>, %arg3: memref<10000x128xf32, #tpu.memory_space<hbm>>, %arg4: memref<160000xi32, #tpu.memory_space<hbm>>, %arg5: memref<160000xi32, #tpu.memory_space<hbm>>, %arg6: memref<128xf32, #tpu.memory_space<hbm>>, %arg7: memref<16xf32, #tpu.memory_space<hbm>>, %arg8: memref<160000xf32, #tpu.memory_space<hbm>>, %arg9: memref<200xi32, #tpu.memory_space<vmem>>, %arg10: memref<200xi32, #tpu.memory_space<vmem>>, %arg11: memref<200xi32, #tpu.memory_space<vmem>>, %arg12: memref<200xi32, #tpu.memory_space<vmem>>, %arg13: memref<200x128xf32, #tpu.memory_space<vmem>>, %arg14: memref<200x128xf32, #tpu.memory_space<vmem>>, %arg15: memref<200x128xf32, #tpu.memory_space<vmem>>, %arg16: memref<200x128xf32, #tpu.memory_space<vmem>>, %arg17: memref<128xf32, #tpu.memory_space<vmem>>, %arg18: memref<16xf32, #tpu.memory_space<vmem>>, %arg19: memref<16x16xf32, #tpu.memory_space<vmem>>, %arg20: memref<200xf32, #tpu.memory_space<vmem>>, %arg21: memref<200xf32, #tpu.memory_space<vmem>>, %arg22: memref<!tpu.dma_semaphore, #tpu.memory_space<semaphore_mem>>, %arg23: memref<!tpu.dma_semaphore, #tpu.memory_space<semaphore_mem>>, %arg24: memref<!tpu.dma_semaphore, #tpu.memory_space<semaphore_mem>>, %arg25: memref<!tpu.dma_semaphore, #tpu.memory_space<semaphore_mem>>) attributes {dimension_semantics = [#tpu.dimension_semantics<core_parallel>, #tpu.dimension_semantics<subcore_parallel>], iteration_bounds = array<i64: 2, 16>, scalar_prefetch = 0 : i64, scratch_operands = 17 : i64, tpu.core_type = #tpu.core_type<sc_vector_subcore>, window_params = [{transform_indices = #map}, {transform_indices = #map}, {transform_indices = #map1}, {transform_indices = #map1}, {transform_indices = #map1}, {transform_indices = #map1}, {transform_indices = #map1}]} {
    %mul3A = arith.constant 2 : i32
    %mul3A_0 = arith.muli %arg1, %mul3A : i32
    %add3A = arith.addi %mul3A_0, %arg0 : i32
    %mul3A_1 = arith.constant 5000 : i32
    %mul3A_2 = arith.muli %add3A, %mul3A_1 : i32
    "tpu.region"() ({
      %run_scoped3A = tpu.sem_alloc : memref<!tpu.dma_semaphore, #tpu.memory_space<semaphore_mem>>
      tpu.enqueue_dma source(%arg6 : memref<128xf32, #tpu.memory_space<hbm>>) target(%arg17 : memref<128xf32, #tpu.memory_space<vmem>>) target_semaphore(%run_scoped3A : memref<!tpu.dma_semaphore, #tpu.memory_space<semaphore_mem>>)
      tpu.wait_dma2 semaphore(%run_scoped3A : memref<!tpu.dma_semaphore, #tpu.memory_space<semaphore_mem>>) src(%arg6 : memref<128xf32, #tpu.memory_space<hbm>>) dst(%arg17 : memref<128xf32, #tpu.memory_space<vmem>>)
      tpu.yield
    }) : () -> ()
    "tpu.region"() ({
      %run_scoped3A = tpu.sem_alloc : memref<!tpu.dma_semaphore, #tpu.memory_space<semaphore_mem>>
      tpu.enqueue_dma source(%arg7 : memref<16xf32, #tpu.memory_space<hbm>>) target(%arg18 : memref<16xf32, #tpu.memory_space<vmem>>) target_semaphore(%run_scoped3A : memref<!tpu.dma_semaphore, #tpu.memory_space<semaphore_mem>>)
      tpu.wait_dma2 semaphore(%run_scoped3A : memref<!tpu.dma_semaphore, #tpu.memory_space<semaphore_mem>>) src(%arg7 : memref<16xf32, #tpu.memory_space<hbm>>) dst(%arg18 : memref<16xf32, #tpu.memory_space<vmem>>)
      tpu.yield
    }) : () -> ()
    %iota3A = tpu.iota {dimensions = array<i32: 0>} : vector<16xi32>
    %xor3A = arith.constant 1 : i32
    %xor3A_3 = vector.broadcast %xor3A : i32 to vector<16xi32>
    %xor3A_4 = arith.xori %iota3A, %xor3A_3 : vector<16xi32>
    %and3A = arith.constant 1 : i32
    %and3A_5 = vector.broadcast %and3A : i32 to vector<16xi32>
    %and3A_6 = arith.andi %iota3A, %and3A_5 : vector<16xi32>
    %eq3A = arith.constant 0 : i32
    %eq3A_7 = vector.broadcast %eq3A : i32 to vector<16xi32>
    %eq3A_8 = arith.cmpi eq, %and3A_6, %eq3A_7 : vector<16xi32>
    %xor3A_9 = arith.constant 2 : i32
    %xor3A_10 = vector.broadcast %xor3A_9 : i32 to vector<16xi32>
    %xor3A_11 = arith.xori %iota3A, %xor3A_10 : vector<16xi32>
    %and3A_12 = arith.constant 2 : i32
    %and3A_13 = vector.broadcast %and3A_12 : i32 to vector<16xi32>
    %and3A_14 = arith.andi %iota3A, %and3A_13 : vector<16xi32>
    %eq3A_15 = arith.constant 0 : i32
    %eq3A_16 = vector.broadcast %eq3A_15 : i32 to vector<16xi32>
    %eq3A_17 = arith.cmpi eq, %and3A_14, %eq3A_16 : vector<16xi32>
    %xor3A_18 = arith.constant 4 : i32
    %xor3A_19 = vector.broadcast %xor3A_18 : i32 to vector<16xi32>
    %xor3A_20 = arith.xori %iota3A, %xor3A_19 : vector<16xi32>
    %and3A_21 = arith.constant 4 : i32
    %and3A_22 = vector.broadcast %and3A_21 : i32 to vector<16xi32>
    %and3A_23 = arith.andi %iota3A, %and3A_22 : vector<16xi32>
    %eq3A_24 = arith.constant 0 : i32
    %eq3A_25 = vector.broadcast %eq3A_24 : i32 to vector<16xi32>
    %eq3A_26 = arith.cmpi eq, %and3A_23, %eq3A_25 : vector<16xi32>
    %xor3A_27 = arith.constant 8 : i32
    %xor3A_28 = vector.broadcast %xor3A_27 : i32 to vector<16xi32>
    %xor3A_29 = arith.xori %iota3A, %xor3A_28 : vector<16xi32>
    %and3A_30 = arith.constant 8 : i32
    %and3A_31 = vector.broadcast %and3A_30 : i32 to vector<16xi32>
    %and3A_32 = arith.andi %iota3A, %and3A_31 : vector<16xi32>
    %eq3A_33 = arith.constant 0 : i32
    %eq3A_34 = vector.broadcast %eq3A_33 : i32 to vector<16xi32>
    %eq3A_35 = arith.cmpi eq, %and3A_32, %eq3A_34 : vector<16xi32>
    %get3A = arith.constant 0 : index
    %get3A_36 = tpu.vector_load %arg17[%get3A] {strides = array<i32>} : memref<128xf32, #tpu.memory_space<vmem>>, vector<16xf32>,
    %get3A_37 = vector.shape_cast %get3A_36 : vector<16xf32> to vector<16xf32>
    %get3A_38 = arith.constant 16 : index
    %get3A_39 = tpu.vector_load %arg17[%get3A_38] {strides = array<i32>} : memref<128xf32, #tpu.memory_space<vmem>>, vector<16xf32>,
    %get3A_40 = vector.shape_cast %get3A_39 : vector<16xf32> to vector<16xf32>
    %get3A_41 = arith.constant 32 : index
    %get3A_42 = tpu.vector_load %arg17[%get3A_41] {strides = array<i32>} : memref<128xf32, #tpu.memory_space<vmem>>, vector<16xf32>,
    %get3A_43 = vector.shape_cast %get3A_42 : vector<16xf32> to vector<16xf32>
    %get3A_44 = arith.constant 48 : index
    %get3A_45 = tpu.vector_load %arg17[%get3A_44] {strides = array<i32>} : memref<128xf32, #tpu.memory_space<vmem>>, vector<16xf32>,
    %get3A_46 = vector.shape_cast %get3A_45 : vector<16xf32> to vector<16xf32>
    %get3A_47 = arith.constant 64 : index
    %get3A_48 = tpu.vector_load %arg17[%get3A_47] {strides = array<i32>} : memref<128xf32, #tpu.memory_space<vmem>>, vector<16xf32>,
    %get3A_49 = vector.shape_cast %get3A_48 : vector<16xf32> to vector<16xf32>
    %get3A_50 = arith.constant 80 : index
    %get3A_51 = tpu.vector_load %arg17[%get3A_50] {strides = array<i32>} : memref<128xf32, #tpu.memory_space<vmem>>, vector<16xf32>,
    %get3A_52 = vector.shape_cast %get3A_51 : vector<16xf32> to vector<16xf32>
    %get3A_53 = arith.constant 96 : index
    %get3A_54 = tpu.vector_load %arg17[%get3A_53] {strides = array<i32>} : memref<128xf32, #tpu.memory_space<vmem>>, vector<16xf32>,
    %get3A_55 = vector.shape_cast %get3A_54 : vector<16xf32> to vector<16xf32>
    %get3A_56 = arith.constant 112 : index
    %get3A_57 = tpu.vector_load %arg17[%get3A_56] {strides = array<i32>} : memref<128xf32, #tpu.memory_space<vmem>>, vector<16xf32>,
    %get3A_58 = vector.shape_cast %get3A_57 : vector<16xf32> to vector<16xf32>
    %get3A_59 = arith.constant 0 : index
    %get3A_60 = tpu.vector_load %arg18[%get3A_59] {strides = array<i32>} : memref<16xf32, #tpu.memory_space<vmem>>, vector<16xf32>,
    %get3A_61 = vector.shape_cast %get3A_60 : vector<16xf32> to vector<16xf32>
    %add3A_62 = arith.constant 0 : i32
    %add3A_63 = arith.addi %mul3A_2, %add3A_62 : i32
    "tpu.region"() ({
      %run_scoped3A = tpu.sem_alloc : memref<!tpu.dma_semaphore, #tpu.memory_space<semaphore_mem>>
      %dma_start3A_80 = tpu.memref_slice %arg4[%add3A_63] : memref<160000xi32, #tpu.memory_space<hbm>> -> memref<200xi32, #tpu.memory_space<hbm>>
      %dma_start3A_81 = tpu.memref_slice %arg4[%add3A_63] : memref<160000xi32, #tpu.memory_space<hbm>> -> memref<200xi32, #tpu.memory_space<hbm>>
      tpu.enqueue_dma source(%dma_start3A_81 : memref<200xi32, #tpu.memory_space<hbm>>) target(%arg9 : memref<200xi32, #tpu.memory_space<vmem>>) target_semaphore(%run_scoped3A : memref<!tpu.dma_semaphore, #tpu.memory_space<semaphore_mem>>)
      %dma_wait3A_82 = tpu.memref_slice %arg4[%add3A_63] : memref<160000xi32, #tpu.memory_space<hbm>> -> memref<200xi32, #tpu.memory_space<hbm>>
      %dma_wait3A_83 = tpu.memref_slice %arg4[%add3A_63] : memref<160000xi32, #tpu.memory_space<hbm>> -> memref<200xi32, #tpu.memory_space<hbm>>
      tpu.wait_dma2 semaphore(%run_scoped3A : memref<!tpu.dma_semaphore, #tpu.memory_space<semaphore_mem>>) src(%dma_wait3A_83 : memref<200xi32, #tpu.memory_space<hbm>>) dst(%arg9 : memref<200xi32, #tpu.memory_space<vmem>>)
      tpu.yield
    }) : () -> ()
    "tpu.region"() ({
      %run_scoped3A = tpu.sem_alloc : memref<!tpu.dma_semaphore, #tpu.memory_space<semaphore_mem>>
      %dma_start3A_80 = tpu.memref_slice %arg5[%add3A_63] : memref<160000xi32, #tpu.memory_space<hbm>> -> memref<200xi32, #tpu.memory_space<hbm>>
      %dma_start3A_81 = tpu.memref_slice %arg5[%add3A_63] : memref<160000xi32, #tpu.memory_space<hbm>> -> memref<200xi32, #tpu.memory_space<hbm>>
      tpu.enqueue_dma source(%dma_start3A_81 : memref<200xi32, #tpu.memory_space<hbm>>) target(%arg10 : memref<200xi32, #tpu.memory_space<vmem>>) target_semaphore(%run_scoped3A : memref<!tpu.dma_semaphore, #tpu.memory_space<semaphore_mem>>)
      %dma_wait3A_82 = tpu.memref_slice %arg5[%add3A_63] : memref<160000xi32, #tpu.memory_space<hbm>> -> memref<200xi32, #tpu.memory_space<hbm>>
      %dma_wait3A_83 = tpu.memref_slice %arg5[%add3A_63] : memref<160000xi32, #tpu.memory_space<hbm>> -> memref<200xi32, #tpu.memory_space<hbm>>
      tpu.wait_dma2 semaphore(%run_scoped3A : memref<!tpu.dma_semaphore, #tpu.memory_space<semaphore_mem>>) src(%dma_wait3A_83 : memref<200xi32, #tpu.memory_space<hbm>>) dst(%arg10 : memref<200xi32, #tpu.memory_space<vmem>>)
      tpu.yield
    }) : () -> ()
    %dma_start3A = arith.constant 0 : i32
    %dma_start3A_64 = arith.constant 0 : i32
    %dma_start3A_65 = tpu.memref_slice %arg2[%dma_start3A, %dma_start3A_64] : memref<10000x128xf32, #tpu.memory_space<hbm>> -> memref<10000x128xf32, #tpu.memory_space<hbm>>
    tpu.enqueue_indirect_dma source(%dma_start3A_65 : memref<10000x128xf32, #tpu.memory_space<hbm>>) target(%arg13 : memref<200x128xf32, #tpu.memory_space<vmem>>) offsets(%arg9 : memref<200xi32, #tpu.memory_space<vmem>>) semaphore(%arg22 : memref<!tpu.dma_semaphore, #tpu.memory_space<semaphore_mem>>)
    %dma_start3A_66 = arith.constant 0 : i32
    %dma_start3A_67 = arith.constant 0 : i32
    %dma_start3A_68 = tpu.memref_slice %arg3[%dma_start3A_66, %dma_start3A_67] : memref<10000x128xf32, #tpu.memory_space<hbm>> -> memref<10000x128xf32, #tpu.memory_space<hbm>>
    tpu.enqueue_indirect_dma source(%dma_start3A_68 : memref<10000x128xf32, #tpu.memory_space<hbm>>) target(%arg14 : memref<200x128xf32, #tpu.memory_space<vmem>>) offsets(%arg10 : memref<200xi32, #tpu.memory_space<vmem>>) semaphore(%arg22 : memref<!tpu.dma_semaphore, #tpu.memory_space<semaphore_mem>>)
    %scan3A = arith.constant 0 : i32
    %scan3A_69 = arith.constant 13 : i32
    %scan3A_70 = arith.addi %scan3A, %scan3A_69 : i32
    %scan3A_71 = arith.constant 1 : i32
    scf.for %scan3A_80 = %scan3A to %scan3A_70 step %scan3A_71  : i32 {
      %mul3A_81 = arith.constant 2 : i32
      %mul3A_82 = arith.muli %scan3A_80, %mul3A_81 : i32
      %add3A_83 = arith.constant 0 : i32
      %add3A_84 = arith.addi %add3A_83, %mul3A_82 : i32
      %add3A_85 = arith.constant 0 : i32
      %add3A_86 = arith.addi %add3A_84, %add3A_85 : i32
      %lt3A = arith.constant 25 : i32
      %lt3A_87 = arith.cmpi slt, %add3A_86, %lt3A : i32
      %convert_element_type3A = arith.extui %lt3A_87 : i1 to i32
      %cond3A = arith.constant 0 : i32
      %cond3A_88 = arith.cmpi ne, %convert_element_type3A, %cond3A : i32
      scf.if %cond3A_88 {
        %add3A_96 = arith.constant 1 : i32
        %add3A_97 = arith.addi %add3A_86, %add3A_96 : i32
        %lt3A_98 = arith.constant 25 : i32
        %lt3A_99 = arith.cmpi slt, %add3A_97, %lt3A_98 : i32
        %convert_element_type3A_100 = arith.extui %lt3A_99 : i1 to i32
        %cond3A_101 = arith.constant 0 : i32
        %cond3A_102 = arith.cmpi ne, %convert_element_type3A_100, %cond3A_101 : i32
        scf.if %cond3A_102 {
          %add3A_124 = arith.constant 1 : i32
          %add3A_125 = arith.addi %add3A_86, %add3A_124 : i32
          %mul3A_126 = arith.constant 200 : i32
          %mul3A_127 = arith.muli %add3A_125, %mul3A_126 : i32
          %add3A_128 = arith.addi %mul3A_2, %mul3A_127 : i32
          "tpu.region"() ({
            %run_scoped3A = tpu.sem_alloc : memref<!tpu.dma_semaphore, #tpu.memory_space<semaphore_mem>>
            %dma_start3A_135 = tpu.memref_slice %arg4[%add3A_128] : memref<160000xi32, #tpu.memory_space<hbm>> -> memref<200xi32, #tpu.memory_space<hbm>>
            %dma_start3A_136 = tpu.memref_slice %arg4[%add3A_128] : memref<160000xi32, #tpu.memory_space<hbm>> -> memref<200xi32, #tpu.memory_space<hbm>>
            tpu.enqueue_dma source(%dma_start3A_136 : memref<200xi32, #tpu.memory_space<hbm>>) target(%arg11 : memref<200xi32, #tpu.memory_space<vmem>>) target_semaphore(%run_scoped3A : memref<!tpu.dma_semaphore, #tpu.memory_space<semaphore_mem>>)
            %dma_wait3A_137 = tpu.memref_slice %arg4[%add3A_128] : memref<160000xi32, #tpu.memory_space<hbm>> -> memref<200xi32, #tpu.memory_space<hbm>>
            %dma_wait3A_138 = tpu.memref_slice %arg4[%add3A_128] : memref<160000xi32, #tpu.memory_space<hbm>> -> memref<200xi32, #tpu.memory_space<hbm>>
            tpu.wait_dma2 semaphore(%run_scoped3A : memref<!tpu.dma_semaphore, #tpu.memory_space<semaphore_mem>>) src(%dma_wait3A_138 : memref<200xi32, #tpu.memory_space<hbm>>) dst(%arg11 : memref<200xi32, #tpu.memory_space<vmem>>)
            tpu.yield
          }) : () -> ()
          "tpu.region"() ({
            %run_scoped3A = tpu.sem_alloc : memref<!tpu.dma_semaphore, #tpu.memory_space<semaphore_mem>>
            %dma_start3A_135 = tpu.memref_slice %arg5[%add3A_128] : memref<160000xi32, #tpu.memory_space<hbm>> -> memref<200xi32, #tpu.memory_space<hbm>>
            %dma_start3A_136 = tpu.memref_slice %arg5[%add3A_128] : memref<160000xi32, #tpu.memory_space<hbm>> -> memref<200xi32, #tpu.memory_space<hbm>>
            tpu.enqueue_dma source(%dma_start3A_136 : memref<200xi32, #tpu.memory_space<hbm>>) target(%arg12 : memref<200xi32, #tpu.memory_space<vmem>>) target_semaphore(%run_scoped3A : memref<!tpu.dma_semaphore, #tpu.memory_space<semaphore_mem>>)
            %dma_wait3A_137 = tpu.memref_slice %arg5[%add3A_128] : memref<160000xi32, #tpu.memory_space<hbm>> -> memref<200xi32, #tpu.memory_space<hbm>>
            %dma_wait3A_138 = tpu.memref_slice %arg5[%add3A_128] : memref<160000xi32, #tpu.memory_space<hbm>> -> memref<200xi32, #tpu.memory_space<hbm>>
            tpu.wait_dma2 semaphore(%run_scoped3A : memref<!tpu.dma_semaphore, #tpu.memory_space<semaphore_mem>>) src(%dma_wait3A_138 : memref<200xi32, #tpu.memory_space<hbm>>) dst(%arg12 : memref<200xi32, #tpu.memory_space<vmem>>)
            tpu.yield
          }) : () -> ()
          %dma_start3A_129 = arith.constant 0 : i32
          %dma_start3A_130 = arith.constant 0 : i32
          %dma_start3A_131 = tpu.memref_slice %arg2[%dma_start3A_129, %dma_start3A_130] : memref<10000x128xf32, #tpu.memory_space<hbm>> -> memref<10000x128xf32, #tpu.memory_space<hbm>>
          tpu.enqueue_indirect_dma source(%dma_start3A_131 : memref<10000x128xf32, #tpu.memory_space<hbm>>) target(%arg15 : memref<200x128xf32, #tpu.memory_space<vmem>>) offsets(%arg11 : memref<200xi32, #tpu.memory_space<vmem>>) semaphore(%arg23 : memref<!tpu.dma_semaphore, #tpu.memory_space<semaphore_mem>>)
          %dma_start3A_132 = arith.constant 0 : i32
          %dma_start3A_133 = arith.constant 0 : i32
          %dma_start3A_134 = tpu.memref_slice %arg3[%dma_start3A_132, %dma_start3A_133] : memref<10000x128xf32, #tpu.memory_space<hbm>> -> memref<10000x128xf32, #tpu.memory_space<hbm>>
          tpu.enqueue_indirect_dma source(%dma_start3A_134 : memref<10000x128xf32, #tpu.memory_space<hbm>>) target(%arg16 : memref<200x128xf32, #tpu.memory_space<vmem>>) offsets(%arg12 : memref<200xi32, #tpu.memory_space<vmem>>) semaphore(%arg23 : memref<!tpu.dma_semaphore, #tpu.memory_space<semaphore_mem>>)
        } else {
        }
        %dma_wait3A_103 = arith.constant 0 : i32
        %dma_wait3A_104 = arith.constant 0 : i32
        %dma_wait3A_105 = tpu.memref_slice %arg2[%dma_wait3A_103, %dma_wait3A_104] : memref<10000x128xf32, #tpu.memory_space<hbm>> -> memref<10000x128xf32, #tpu.memory_space<hbm>>
        tpu.wait_indirect_dma semaphore(%arg22 : memref<!tpu.dma_semaphore, #tpu.memory_space<semaphore_mem>>) src(%dma_wait3A_105 : memref<10000x128xf32, #tpu.memory_space<hbm>>) dst(%arg13 : memref<200x128xf32, #tpu.memory_space<vmem>>)
        %dma_wait3A_106 = arith.constant 0 : i32
        %dma_wait3A_107 = arith.constant 0 : i32
        %dma_wait3A_108 = tpu.memref_slice %arg3[%dma_wait3A_106, %dma_wait3A_107] : memref<10000x128xf32, #tpu.memory_space<hbm>> -> memref<10000x128xf32, #tpu.memory_space<hbm>>
        tpu.wait_indirect_dma semaphore(%arg22 : memref<!tpu.dma_semaphore, #tpu.memory_space<semaphore_mem>>) src(%dma_wait3A_108 : memref<10000x128xf32, #tpu.memory_space<hbm>>) dst(%arg14 : memref<200x128xf32, #tpu.memory_space<vmem>>)
        %ge3A = arith.constant 2 : i32
        %ge3A_109 = arith.cmpi sge, %add3A_86, %ge3A : i32
        %convert_element_type3A_110 = arith.extui %ge3A_109 : i1 to i32
        %cond3A_111 = arith.constant 0 : i32
        %cond3A_112 = arith.cmpi ne, %convert_element_type3A_110, %cond3A_111 : i32
        scf.if %cond3A_112 {
          %sub3A = arith.constant 2 : i32
          %sub3A_124 = arith.subi %add3A_86, %sub3A : i32
          %mul3A_125 = arith.constant 200 : i32
          %mul3A_126 = arith.muli %sub3A_124, %mul3A_125 : i32
          %add3A_127 = arith.addi %mul3A_2, %mul3A_126 : i32
          %dma_wait3A_128 = tpu.memref_slice %arg8[%add3A_127] : memref<160000xf32, #tpu.memory_space<hbm>> -> memref<200xf32, #tpu.memory_space<hbm>>
          %dma_wait3A_129 = tpu.memref_slice %arg8[%add3A_127] : memref<160000xf32, #tpu.memory_space<hbm>> -> memref<200xf32, #tpu.memory_space<hbm>>
          tpu.wait_dma2 semaphore(%arg24 : memref<!tpu.dma_semaphore, #tpu.memory_space<semaphore_mem>>) src(%arg20 : memref<200xf32, #tpu.memory_space<vmem>>) dst(%dma_wait3A_129 : memref<200xf32, #tpu.memory_space<hbm>>)
        } else {
        }
        %scan3A_113 = arith.constant 0 : i32
        %scan3A_114 = arith.constant 0 : i32
        %scan3A_115 = arith.constant 13 : i32
        %scan3A_116 = arith.addi %scan3A_114, %scan3A_115 : i32
        %scan3A_117 = arith.constant 1 : i32
        scf.for %scan3A_124 = %scan3A_114 to %scan3A_116 step %scan3A_117  : i32 {
          %mul3A_125 = arith.constant 16 : i32
          %mul3A_126 = arith.muli %scan3A_124, %mul3A_125 : i32
          %min3A = arith.constant 184 : i32
          %min3A_127 = arith.minsi %mul3A_126, %min3A : i32
          %parallel_loop3A = arith.constant 0 : i32
          %parallel_loop3A_128 = arith.constant 16 : i32
          %parallel_loop3A_129 = arith.constant 1 : i32
          scf.for %parallel_loop3A_563 = %parallel_loop3A to %parallel_loop3A_128 step %parallel_loop3A_129  : i32 {
            %parallel_loop3A_564 = arith.addi %min3A_127, %parallel_loop3A_563 : i32
            %parallel_loop3A_565 = arith.constant 0.000000e+00 : f32
            %parallel_loop3A_566 = vector.broadcast %parallel_loop3A_565 : f32 to vector<16xf32>
            %parallel_loop3A_567 = arith.index_cast %parallel_loop3A_564 : i32 to index
            %parallel_loop3A_568 = arith.constant 0 : index
            %parallel_loop3A_569 = tpu.vector_load %arg13[%parallel_loop3A_567, %parallel_loop3A_568] {strides = array<i32>} : memref<200x128xf32, #tpu.memory_space<vmem>>, vector<1x16xf32>,
            %parallel_loop3A_570 = vector.shape_cast %parallel_loop3A_569 : vector<1x16xf32> to vector<16xf32>
            %parallel_loop3A_571 = arith.index_cast %parallel_loop3A_564 : i32 to index
            %parallel_loop3A_572 = arith.constant 0 : index
            %parallel_loop3A_573 = tpu.vector_load %arg14[%parallel_loop3A_571, %parallel_loop3A_572] {strides = array<i32>} : memref<200x128xf32, #tpu.memory_space<vmem>>, vector<1x16xf32>,
            %parallel_loop3A_574 = vector.shape_cast %parallel_loop3A_573 : vector<1x16xf32> to vector<16xf32>
            %parallel_loop3A_575 = arith.addf %parallel_loop3A_570, %parallel_loop3A_574 : vector<16xf32>
            %parallel_loop3A_576 = arith.constant 0.000000e+00 : f32
            %parallel_loop3A_577 = vector.broadcast %parallel_loop3A_576 : f32 to vector<16xf32>
            %parallel_loop3A_578 = arith.maximumf %parallel_loop3A_575, %parallel_loop3A_577 : vector<16xf32>
            %parallel_loop3A_579 = arith.mulf %parallel_loop3A_578, %get3A_37 : vector<16xf32>
            %parallel_loop3A_580 = arith.addf %parallel_loop3A_566, %parallel_loop3A_579 : vector<16xf32>
            %parallel_loop3A_581 = arith.index_cast %parallel_loop3A_564 : i32 to index
            %parallel_loop3A_582 = arith.constant 16 : index
            %parallel_loop3A_583 = tpu.vector_load %arg13[%parallel_loop3A_581, %parallel_loop3A_582] {strides = array<i32>} : memref<200x128xf32, #tpu.memory_space<vmem>>, vector<1x16xf32>,
            %parallel_loop3A_584 = vector.shape_cast %parallel_loop3A_583 : vector<1x16xf32> to vector<16xf32>
            %parallel_loop3A_585 = arith.index_cast %parallel_loop3A_564 : i32 to index
            %parallel_loop3A_586 = arith.constant 16 : index
            %parallel_loop3A_587 = tpu.vector_load %arg14[%parallel_loop3A_585, %parallel_loop3A_586] {strides = array<i32>} : memref<200x128xf32, #tpu.memory_space<vmem>>, vector<1x16xf32>,
            %parallel_loop3A_588 = vector.shape_cast %parallel_loop3A_587 : vector<1x16xf32> to vector<16xf32>
            %parallel_loop3A_589 = arith.addf %parallel_loop3A_584, %parallel_loop3A_588 : vector<16xf32>
            %parallel_loop3A_590 = arith.constant 0.000000e+00 : f32
            %parallel_loop3A_591 = vector.broadcast %parallel_loop3A_590 : f32 to vector<16xf32>
            %parallel_loop3A_592 = arith.maximumf %parallel_loop3A_589, %parallel_loop3A_591 : vector<16xf32>
            %parallel_loop3A_593 = arith.mulf %parallel_loop3A_592, %get3A_40 : vector<16xf32>
            %parallel_loop3A_594 = arith.addf %parallel_loop3A_580, %parallel_loop3A_593 : vector<16xf32>
            %parallel_loop3A_595 = arith.index_cast %parallel_loop3A_564 : i32 to index
            %parallel_loop3A_596 = arith.constant 32 : index
            %parallel_loop3A_597 = tpu.vector_load %arg13[%parallel_loop3A_595, %parallel_loop3A_596] {strides = array<i32>} : memref<200x128xf32, #tpu.memory_space<vmem>>, vector<1x16xf32>,
            %parallel_loop3A_598 = vector.shape_cast %parallel_loop3A_597 : vector<1x16xf32> to vector<16xf32>
            %parallel_loop3A_599 = arith.index_cast %parallel_loop3A_564 : i32 to index
            %parallel_loop3A_600 = arith.constant 32 : index
            %parallel_loop3A_601 = tpu.vector_load %arg14[%parallel_loop3A_599, %parallel_loop3A_600] {strides = array<i32>} : memref<200x128xf32, #tpu.memory_space<vmem>>, vector<1x16xf32>,
            %parallel_loop3A_602 = vector.shape_cast %parallel_loop3A_601 : vector<1x16xf32> to vector<16xf32>
            %parallel_loop3A_603 = arith.addf %parallel_loop3A_598, %parallel_loop3A_602 : vector<16xf32>
            %parallel_loop3A_604 = arith.constant 0.000000e+00 : f32
            %parallel_loop3A_605 = vector.broadcast %parallel_loop3A_604 : f32 to vector<16xf32>
            %parallel_loop3A_606 = arith.maximumf %parallel_loop3A_603, %parallel_loop3A_605 : vector<16xf32>
            %parallel_loop3A_607 = arith.mulf %parallel_loop3A_606, %get3A_43 : vector<16xf32>
            %parallel_loop3A_608 = arith.addf %parallel_loop3A_594, %parallel_loop3A_607 : vector<16xf32>
            %parallel_loop3A_609 = arith.index_cast %parallel_loop3A_564 : i32 to index
            %parallel_loop3A_610 = arith.constant 48 : index
            %parallel_loop3A_611 = tpu.vector_load %arg13[%parallel_loop3A_609, %parallel_loop3A_610] {strides = array<i32>} : memref<200x128xf32, #tpu.memory_space<vmem>>, vector<1x16xf32>,
            %parallel_loop3A_612 = vector.shape_cast %parallel_loop3A_611 : vector<1x16xf32> to vector<16xf32>
            %parallel_loop3A_613 = arith.index_cast %parallel_loop3A_564 : i32 to index
            %parallel_loop3A_614 = arith.constant 48 : index
            %parallel_loop3A_615 = tpu.vector_load %arg14[%parallel_loop3A_613, %parallel_loop3A_614] {strides = array<i32>} : memref<200x128xf32, #tpu.memory_space<vmem>>, vector<1x16xf32>,
            %parallel_loop3A_616 = vector.shape_cast %parallel_loop3A_615 : vector<1x16xf32> to vector<16xf32>
            %parallel_loop3A_617 = arith.addf %parallel_loop3A_612, %parallel_loop3A_616 : vector<16xf32>
            %parallel_loop3A_618 = arith.constant 0.000000e+00 : f32
            %parallel_loop3A_619 = vector.broadcast %parallel_loop3A_618 : f32 to vector<16xf32>
            %parallel_loop3A_620 = arith.maximumf %parallel_loop3A_617, %parallel_loop3A_619 : vector<16xf32>
            %parallel_loop3A_621 = arith.mulf %parallel_loop3A_620, %get3A_46 : vector<16xf32>
            %parallel_loop3A_622 = arith.addf %parallel_loop3A_608, %parallel_loop3A_621 : vector<16xf32>
            %parallel_loop3A_623 = arith.index_cast %parallel_loop3A_564 : i32 to index
            %parallel_loop3A_624 = arith.constant 64 : index
            %parallel_loop3A_625 = tpu.vector_load %arg13[%parallel_loop3A_623, %parallel_loop3A_624] {strides = array<i32>} : memref<200x128xf32, #tpu.memory_space<vmem>>, vector<1x16xf32>,
            %parallel_loop3A_626 = vector.shape_cast %parallel_loop3A_625 : vector<1x16xf32> to vector<16xf32>
            %parallel_loop3A_627 = arith.index_cast %parallel_loop3A_564 : i32 to index
            %parallel_loop3A_628 = arith.constant 64 : index
            %parallel_loop3A_629 = tpu.vector_load %arg14[%parallel_loop3A_627, %parallel_loop3A_628] {strides = array<i32>} : memref<200x128xf32, #tpu.memory_space<vmem>>, vector<1x16xf32>,
            %parallel_loop3A_630 = vector.shape_cast %parallel_loop3A_629 : vector<1x16xf32> to vector<16xf32>
            %parallel_loop3A_631 = arith.addf %parallel_loop3A_626, %parallel_loop3A_630 : vector<16xf32>
            %parallel_loop3A_632 = arith.constant 0.000000e+00 : f32
            %parallel_loop3A_633 = vector.broadcast %parallel_loop3A_632 : f32 to vector<16xf32>
            %parallel_loop3A_634 = arith.maximumf %parallel_loop3A_631, %parallel_loop3A_633 : vector<16xf32>
            %parallel_loop3A_635 = arith.mulf %parallel_loop3A_634, %get3A_49 : vector<16xf32>
            %parallel_loop3A_636 = arith.addf %parallel_loop3A_622, %parallel_loop3A_635 : vector<16xf32>
            %parallel_loop3A_637 = arith.index_cast %parallel_loop3A_564 : i32 to index
            %parallel_loop3A_638 = arith.constant 80 : index
            %parallel_loop3A_639 = tpu.vector_load %arg13[%parallel_loop3A_637, %parallel_loop3A_638] {strides = array<i32>} : memref<200x128xf32, #tpu.memory_space<vmem>>, vector<1x16xf32>,
            %parallel_loop3A_640 = vector.shape_cast %parallel_loop3A_639 : vector<1x16xf32> to vector<16xf32>
            %parallel_loop3A_641 = arith.index_cast %parallel_loop3A_564 : i32 to index
            %parallel_loop3A_642 = arith.constant 80 : index
            %parallel_loop3A_643 = tpu.vector_load %arg14[%parallel_loop3A_641, %parallel_loop3A_642] {strides = array<i32>} : memref<200x128xf32, #tpu.memory_space<vmem>>, vector<1x16xf32>,
            %parallel_loop3A_644 = vector.shape_cast %parallel_loop3A_643 : vector<1x16xf32> to vector<16xf32>
            %parallel_loop3A_645 = arith.addf %parallel_loop3A_640, %parallel_loop3A_644 : vector<16xf32>
            %parallel_loop3A_646 = arith.constant 0.000000e+00 : f32
            %parallel_loop3A_647 = vector.broadcast %parallel_loop3A_646 : f32 to vector<16xf32>
            %parallel_loop3A_648 = arith.maximumf %parallel_loop3A_645, %parallel_loop3A_647 : vector<16xf32>
            %parallel_loop3A_649 = arith.mulf %parallel_loop3A_648, %get3A_52 : vector<16xf32>
            %parallel_loop3A_650 = arith.addf %parallel_loop3A_636, %parallel_loop3A_649 : vector<16xf32>
            %parallel_loop3A_651 = arith.index_cast %parallel_loop3A_564 : i32 to index
            %parallel_loop3A_652 = arith.constant 96 : index
            %parallel_loop3A_653 = tpu.vector_load %arg13[%parallel_loop3A_651, %parallel_loop3A_652] {strides = array<i32>} : memref<200x128xf32, #tpu.memory_space<vmem>>, vector<1x16xf32>,
            %parallel_loop3A_654 = vector.shape_cast %parallel_loop3A_653 : vector<1x16xf32> to vector<16xf32>
            %parallel_loop3A_655 = arith.index_cast %parallel_loop3A_564 : i32 to index
            %parallel_loop3A_656 = arith.constant 96 : index
            %parallel_loop3A_657 = tpu.vector_load %arg14[%parallel_loop3A_655, %parallel_loop3A_656] {strides = array<i32>} : memref<200x128xf32, #tpu.memory_space<vmem>>, vector<1x16xf32>,
            %parallel_loop3A_658 = vector.shape_cast %parallel_loop3A_657 : vector<1x16xf32> to vector<16xf32>
            %parallel_loop3A_659 = arith.addf %parallel_loop3A_654, %parallel_loop3A_658 : vector<16xf32>
            %parallel_loop3A_660 = arith.constant 0.000000e+00 : f32
            %parallel_loop3A_661 = vector.broadcast %parallel_loop3A_660 : f32 to vector<16xf32>
            %parallel_loop3A_662 = arith.maximumf %parallel_loop3A_659, %parallel_loop3A_661 : vector<16xf32>
            %parallel_loop3A_663 = arith.mulf %parallel_loop3A_662, %get3A_55 : vector<16xf32>
            %parallel_loop3A_664 = arith.addf %parallel_loop3A_650, %parallel_loop3A_663 : vector<16xf32>
            %parallel_loop3A_665 = arith.index_cast %parallel_loop3A_564 : i32 to index
            %parallel_loop3A_666 = arith.constant 112 : index
            %parallel_loop3A_667 = tpu.vector_load %arg13[%parallel_loop3A_665, %parallel_loop3A_666] {strides = array<i32>} : memref<200x128xf32, #tpu.memory_space<vmem>>, vector<1x16xf32>,
            %parallel_loop3A_668 = vector.shape_cast %parallel_loop3A_667 : vector<1x16xf32> to vector<16xf32>
            %parallel_loop3A_669 = arith.index_cast %parallel_loop3A_564 : i32 to index
            %parallel_loop3A_670 = arith.constant 112 : index
            %parallel_loop3A_671 = tpu.vector_load %arg14[%parallel_loop3A_669, %parallel_loop3A_670] {strides = array<i32>} : memref<200x128xf32, #tpu.memory_space<vmem>>, vector<1x16xf32>,
            %parallel_loop3A_672 = vector.shape_cast %parallel_loop3A_671 : vector<1x16xf32> to vector<16xf32>
            %parallel_loop3A_673 = arith.addf %parallel_loop3A_668, %parallel_loop3A_672 : vector<16xf32>
            %parallel_loop3A_674 = arith.constant 0.000000e+00 : f32
            %parallel_loop3A_675 = vector.broadcast %parallel_loop3A_674 : f32 to vector<16xf32>
            %parallel_loop3A_676 = arith.maximumf %parallel_loop3A_673, %parallel_loop3A_675 : vector<16xf32>
            %parallel_loop3A_677 = arith.mulf %parallel_loop3A_676, %get3A_58 : vector<16xf32>
            %parallel_loop3A_678 = arith.addf %parallel_loop3A_664, %parallel_loop3A_677 : vector<16xf32>
            %parallel_loop3A_679 = arith.index_cast %parallel_loop3A_563 : i32 to index
            %parallel_loop3A_680 = arith.constant 0 : index
            %parallel_loop3A_681 = tpu.vector_load %arg19[%parallel_loop3A_679, %parallel_loop3A_680] {strides = array<i32>} : memref<16x16xf32, #tpu.memory_space<vmem>>, vector<1x16xf32>,
            %parallel_loop3A_682 = vector.shape_cast %parallel_loop3A_681 : vector<1x16xf32> to vector<16xf32>
            %parallel_loop3A_683 = vector.shape_cast %parallel_loop3A_678 : vector<16xf32> to vector<1x16xf32>
            tpu.vector_store %arg19[%parallel_loop3A_679, %parallel_loop3A_680], %parallel_loop3A_683 {strides = array<i32>} : memref<16x16xf32, #tpu.memory_space<vmem>>, vector<1x16xf32>,
          } {sc.loop_unroll_factor = 4 : i64, sc.parallel_access}
          %get3A_130 = arith.constant 0 : i32
          %get3A_131 = arith.index_cast %get3A_130 : i32 to index
          %get3A_132 = arith.constant 0 : index
          %get3A_133 = tpu.vector_load %arg19[%get3A_131, %get3A_132] {strides = array<i32>} : memref<16x16xf32, #tpu.memory_space<vmem>>, vector<1x16xf32>,
          %get3A_134 = vector.shape_cast %get3A_133 : vector<1x16xf32> to vector<16xf32>
          %get3A_135 = arith.constant 1 : i32
          %get3A_136 = arith.index_cast %get3A_135 : i32 to index
          %get3A_137 = arith.constant 0 : index
          %get3A_138 = tpu.vector_load %arg19[%get3A_136, %get3A_137] {strides = array<i32>} : memref<16x16xf32, #tpu.memory_space<vmem>>, vector<1x16xf32>,
          %get3A_139 = vector.shape_cast %get3A_138 : vector<1x16xf32> to vector<16xf32>
          %lt3A_140 = arith.constant 0 : i32
          %lt3A_141 = vector.broadcast %lt3A_140 : i32 to vector<16xi32>
          %lt3A_142 = arith.cmpi slt, %xor3A_4, %lt3A_141 : vector<16xi32>
          %add3A_143 = arith.constant 16 : i32
          %add3A_144 = vector.broadcast %add3A_143 : i32 to vector<16xi32>
          %add3A_145 = arith.addi %xor3A_4, %add3A_144 : vector<16xi32>
          %select_n3A = arith.select %lt3A_142, %add3A_145, %xor3A_4 : vector<16xi1>, vector<16xi32>
          %broadcast_in_dim3A = vector.shape_cast %select_n3A : vector<16xi32> to vector<16x1xi32>
          %gather3A = vector.shape_cast %broadcast_in_dim3A : vector<16x1xi32> to vector<16xi32>
          %gather3A_146 = tpu.dynamic_gather %get3A_134[%gather3A] in [0] : vector<16xf32>, vector<16xi32> -> vector<16xf32>
          %lt3A_147 = arith.constant 0 : i32
          %lt3A_148 = vector.broadcast %lt3A_147 : i32 to vector<16xi32>
          %lt3A_149 = arith.cmpi slt, %xor3A_4, %lt3A_148 : vector<16xi32>
          %add3A_150 = arith.constant 16 : i32
          %add3A_151 = vector.broadcast %add3A_150 : i32 to vector<16xi32>
          %add3A_152 = arith.addi %xor3A_4, %add3A_151 : vector<16xi32>
          %select_n3A_153 = arith.select %lt3A_149, %add3A_152, %xor3A_4 : vector<16xi1>, vector<16xi32>
          %broadcast_in_dim3A_154 = vector.shape_cast %select_n3A_153 : vector<16xi32> to vector<16x1xi32>
          %gather3A_155 = vector.shape_cast %broadcast_in_dim3A_154 : vector<16x1xi32> to vector<16xi32>
          %gather3A_156 = tpu.dynamic_gather %get3A_139[%gather3A_155] in [0] : vector<16xf32>, vector<16xi32> -> vector<16xf32>
          %add3A_157 = arith.addf %get3A_134, %gather3A_146 : vector<16xf32>
          %add3A_158 = arith.addf %get3A_139, %gather3A_156 : vector<16xf32>
          %select_n3A_159 = arith.select %eq3A_8, %add3A_157, %add3A_158 : vector<16xi1>, vector<16xf32>
          %get3A_160 = arith.constant 2 : i32
          %get3A_161 = arith.index_cast %get3A_160 : i32 to index
          %get3A_162 = arith.constant 0 : index
          %get3A_163 = tpu.vector_load %arg19[%get3A_161, %get3A_162] {strides = array<i32>} : memref<16x16xf32, #tpu.memory_space<vmem>>, vector<1x16xf32>,
          %get3A_164 = vector.shape_cast %get3A_163 : vector<1x16xf32> to vector<16xf32>
          %get3A_165 = arith.constant 3 : i32
          %get3A_166 = arith.index_cast %get3A_165 : i32 to index
          %get3A_167 = arith.constant 0 : index
          %get3A_168 = tpu.vector_load %arg19[%get3A_166, %get3A_167] {strides = array<i32>} : memref<16x16xf32, #tpu.memory_space<vmem>>, vector<1x16xf32>,
          %get3A_169 = vector.shape_cast %get3A_168 : vector<1x16xf32> to vector<16xf32>
          %lt3A_170 = arith.constant 0 : i32
          %lt3A_171 = vector.broadcast %lt3A_170 : i32 to vector<16xi32>
          %lt3A_172 = arith.cmpi slt, %xor3A_4, %lt3A_171 : vector<16xi32>
          %add3A_173 = arith.constant 16 : i32
          %add3A_174 = vector.broadcast %add3A_173 : i32 to vector<16xi32>
          %add3A_175 = arith.addi %xor3A_4, %add3A_174 : vector<16xi32>
          %select_n3A_176 = arith.select %lt3A_172, %add3A_175, %xor3A_4 : vector<16xi1>, vector<16xi32>
          %broadcast_in_dim3A_177 = vector.shape_cast %select_n3A_176 : vector<16xi32> to vector<16x1xi32>
          %gather3A_178 = vector.shape_cast %broadcast_in_dim3A_177 : vector<16x1xi32> to vector<16xi32>
          %gather3A_179 = tpu.dynamic_gather %get3A_164[%gather3A_178] in [0] : vector<16xf32>, vector<16xi32> -> vector<16xf32>
          %lt3A_180 = arith.constant 0 : i32
          %lt3A_181 = vector.broadcast %lt3A_180 : i32 to vector<16xi32>
          %lt3A_182 = arith.cmpi slt, %xor3A_4, %lt3A_181 : vector<16xi32>
          %add3A_183 = arith.constant 16 : i32
          %add3A_184 = vector.broadcast %add3A_183 : i32 to vector<16xi32>
          %add3A_185 = arith.addi %xor3A_4, %add3A_184 : vector<16xi32>
          %select_n3A_186 = arith.select %lt3A_182, %add3A_185, %xor3A_4 : vector<16xi1>, vector<16xi32>
          %broadcast_in_dim3A_187 = vector.shape_cast %select_n3A_186 : vector<16xi32> to vector<16x1xi32>
          %gather3A_188 = vector.shape_cast %broadcast_in_dim3A_187 : vector<16x1xi32> to vector<16xi32>
          %gather3A_189 = tpu.dynamic_gather %get3A_169[%gather3A_188] in [0] : vector<16xf32>, vector<16xi32> -> vector<16xf32>
          %add3A_190 = arith.addf %get3A_164, %gather3A_179 : vector<16xf32>
          %add3A_191 = arith.addf %get3A_169, %gather3A_189 : vector<16xf32>
          %select_n3A_192 = arith.select %eq3A_8, %add3A_190, %add3A_191 : vector<16xi1>, vector<16xf32>
          %lt3A_193 = arith.constant 0 : i32
          %lt3A_194 = vector.broadcast %lt3A_193 : i32 to vector<16xi32>
          %lt3A_195 = arith.cmpi slt, %xor3A_11, %lt3A_194 : vector<16xi32>
          %add3A_196 = arith.constant 16 : i32
          %add3A_197 = vector.broadcast %add3A_196 : i32 to vector<16xi32>
          %add3A_198 = arith.addi %xor3A_11, %add3A_197 : vector<16xi32>
          %select_n3A_199 = arith.select %lt3A_195, %add3A_198, %xor3A_11 : vector<16xi1>, vector<16xi32>
          %broadcast_in_dim3A_200 = vector.shape_cast %select_n3A_199 : vector<16xi32> to vector<16x1xi32>
          %gather3A_201 = vector.shape_cast %broadcast_in_dim3A_200 : vector<16x1xi32> to vector<16xi32>
          %gather3A_202 = tpu.dynamic_gather %select_n3A_159[%gather3A_201] in [0] : vector<16xf32>, vector<16xi32> -> vector<16xf32>
          %lt3A_203 = arith.constant 0 : i32
          %lt3A_204 = vector.broadcast %lt3A_203 : i32 to vector<16xi32>
          %lt3A_205 = arith.cmpi slt, %xor3A_11, %lt3A_204 : vector<16xi32>
          %add3A_206 = arith.constant 16 : i32
          %add3A_207 = vector.broadcast %add3A_206 : i32 to vector<16xi32>
          %add3A_208 = arith.addi %xor3A_11, %add3A_207 : vector<16xi32>
          %select_n3A_209 = arith.select %lt3A_205, %add3A_208, %xor3A_11 : vector<16xi1>, vector<16xi32>
          %broadcast_in_dim3A_210 = vector.shape_cast %select_n3A_209 : vector<16xi32> to vector<16x1xi32>
          %gather3A_211 = vector.shape_cast %broadcast_in_dim3A_210 : vector<16x1xi32> to vector<16xi32>
          %gather3A_212 = tpu.dynamic_gather %select_n3A_192[%gather3A_211] in [0] : vector<16xf32>, vector<16xi32> -> vector<16xf32>
          %add3A_213 = arith.addf %select_n3A_159, %gather3A_202 : vector<16xf32>
          %add3A_214 = arith.addf %select_n3A_192, %gather3A_212 : vector<16xf32>
          %select_n3A_215 = arith.select %eq3A_17, %add3A_213, %add3A_214 : vector<16xi1>, vector<16xf32>
          %get3A_216 = arith.constant 4 : i32
          %get3A_217 = arith.index_cast %get3A_216 : i32 to index
          %get3A_218 = arith.constant 0 : index
          %get3A_219 = tpu.vector_load %arg19[%get3A_217, %get3A_218] {strides = array<i32>} : memref<16x16xf32, #tpu.memory_space<vmem>>, vector<1x16xf32>,
          %get3A_220 = vector.shape_cast %get3A_219 : vector<1x16xf32> to vector<16xf32>
          %get3A_221 = arith.constant 5 : i32
          %get3A_222 = arith.index_cast %get3A_221 : i32 to index
          %get3A_223 = arith.constant 0 : index
          %get3A_224 = tpu.vector_load %arg19[%get3A_222, %get3A_223] {strides = array<i32>} : memref<16x16xf32, #tpu.memory_space<vmem>>, vector<1x16xf32>,
          %get3A_225 = vector.shape_cast %get3A_224 : vector<1x16xf32> to vector<16xf32>
          %lt3A_226 = arith.constant 0 : i32
          %lt3A_227 = vector.broadcast %lt3A_226 : i32 to vector<16xi32>
          %lt3A_228 = arith.cmpi slt, %xor3A_4, %lt3A_227 : vector<16xi32>
          %add3A_229 = arith.constant 16 : i32
          %add3A_230 = vector.broadcast %add3A_229 : i32 to vector<16xi32>
          %add3A_231 = arith.addi %xor3A_4, %add3A_230 : vector<16xi32>
          %select_n3A_232 = arith.select %lt3A_228, %add3A_231, %xor3A_4 : vector<16xi1>, vector<16xi32>
          %broadcast_in_dim3A_233 = vector.shape_cast %select_n3A_232 : vector<16xi32> to vector<16x1xi32>
          %gather3A_234 = vector.shape_cast %broadcast_in_dim3A_233 : vector<16x1xi32> to vector<16xi32>
          %gather3A_235 = tpu.dynamic_gather %get3A_220[%gather3A_234] in [0] : vector<16xf32>, vector<16xi32> -> vector<16xf32>
          %lt3A_236 = arith.constant 0 : i32
          %lt3A_237 = vector.broadcast %lt3A_236 : i32 to vector<16xi32>
          %lt3A_238 = arith.cmpi slt, %xor3A_4, %lt3A_237 : vector<16xi32>
          %add3A_239 = arith.constant 16 : i32
          %add3A_240 = vector.broadcast %add3A_239 : i32 to vector<16xi32>
          %add3A_241 = arith.addi %xor3A_4, %add3A_240 : vector<16xi32>
          %select_n3A_242 = arith.select %lt3A_238, %add3A_241, %xor3A_4 : vector<16xi1>, vector<16xi32>
          %broadcast_in_dim3A_243 = vector.shape_cast %select_n3A_242 : vector<16xi32> to vector<16x1xi32>
          %gather3A_244 = vector.shape_cast %broadcast_in_dim3A_243 : vector<16x1xi32> to vector<16xi32>
          %gather3A_245 = tpu.dynamic_gather %get3A_225[%gather3A_244] in [0] : vector<16xf32>, vector<16xi32> -> vector<16xf32>
          %add3A_246 = arith.addf %get3A_220, %gather3A_235 : vector<16xf32>
          %add3A_247 = arith.addf %get3A_225, %gather3A_245 : vector<16xf32>
          %select_n3A_248 = arith.select %eq3A_8, %add3A_246, %add3A_247 : vector<16xi1>, vector<16xf32>
          %get3A_249 = arith.constant 6 : i32
          %get3A_250 = arith.index_cast %get3A_249 : i32 to index
          %get3A_251 = arith.constant 0 : index
          %get3A_252 = tpu.vector_load %arg19[%get3A_250, %get3A_251] {strides = array<i32>} : memref<16x16xf32, #tpu.memory_space<vmem>>, vector<1x16xf32>,
          %get3A_253 = vector.shape_cast %get3A_252 : vector<1x16xf32> to vector<16xf32>
          %get3A_254 = arith.constant 7 : i32
          %get3A_255 = arith.index_cast %get3A_254 : i32 to index
          %get3A_256 = arith.constant 0 : index
          %get3A_257 = tpu.vector_load %arg19[%get3A_255, %get3A_256] {strides = array<i32>} : memref<16x16xf32, #tpu.memory_space<vmem>>, vector<1x16xf32>,
          %get3A_258 = vector.shape_cast %get3A_257 : vector<1x16xf32> to vector<16xf32>
          %lt3A_259 = arith.constant 0 : i32
          %lt3A_260 = vector.broadcast %lt3A_259 : i32 to vector<16xi32>
          %lt3A_261 = arith.cmpi slt, %xor3A_4, %lt3A_260 : vector<16xi32>
          %add3A_262 = arith.constant 16 : i32
          %add3A_263 = vector.broadcast %add3A_262 : i32 to vector<16xi32>
          %add3A_264 = arith.addi %xor3A_4, %add3A_263 : vector<16xi32>
          %select_n3A_265 = arith.select %lt3A_261, %add3A_264, %xor3A_4 : vector<16xi1>, vector<16xi32>
          %broadcast_in_dim3A_266 = vector.shape_cast %select_n3A_265 : vector<16xi32> to vector<16x1xi32>
          %gather3A_267 = vector.shape_cast %broadcast_in_dim3A_266 : vector<16x1xi32> to vector<16xi32>
          %gather3A_268 = tpu.dynamic_gather %get3A_253[%gather3A_267] in [0] : vector<16xf32>, vector<16xi32> -> vector<16xf32>
          %lt3A_269 = arith.constant 0 : i32
          %lt3A_270 = vector.broadcast %lt3A_269 : i32 to vector<16xi32>
          %lt3A_271 = arith.cmpi slt, %xor3A_4, %lt3A_270 : vector<16xi32>
          %add3A_272 = arith.constant 16 : i32
          %add3A_273 = vector.broadcast %add3A_272 : i32 to vector<16xi32>
          %add3A_274 = arith.addi %xor3A_4, %add3A_273 : vector<16xi32>
          %select_n3A_275 = arith.select %lt3A_271, %add3A_274, %xor3A_4 : vector<16xi1>, vector<16xi32>
          %broadcast_in_dim3A_276 = vector.shape_cast %select_n3A_275 : vector<16xi32> to vector<16x1xi32>
          %gather3A_277 = vector.shape_cast %broadcast_in_dim3A_276 : vector<16x1xi32> to vector<16xi32>
          %gather3A_278 = tpu.dynamic_gather %get3A_258[%gather3A_277] in [0] : vector<16xf32>, vector<16xi32> -> vector<16xf32>
          %add3A_279 = arith.addf %get3A_253, %gather3A_268 : vector<16xf32>
          %add3A_280 = arith.addf %get3A_258, %gather3A_278 : vector<16xf32>
          %select_n3A_281 = arith.select %eq3A_8, %add3A_279, %add3A_280 : vector<16xi1>, vector<16xf32>
          %lt3A_282 = arith.constant 0 : i32
          %lt3A_283 = vector.broadcast %lt3A_282 : i32 to vector<16xi32>
          %lt3A_284 = arith.cmpi slt, %xor3A_11, %lt3A_283 : vector<16xi32>
          %add3A_285 = arith.constant 16 : i32
          %add3A_286 = vector.broadcast %add3A_285 : i32 to vector<16xi32>
          %add3A_287 = arith.addi %xor3A_11, %add3A_286 : vector<16xi32>
          %select_n3A_288 = arith.select %lt3A_284, %add3A_287, %xor3A_11 : vector<16xi1>, vector<16xi32>
          %broadcast_in_dim3A_289 = vector.shape_cast %select_n3A_288 : vector<16xi32> to vector<16x1xi32>
          %gather3A_290 = vector.shape_cast %broadcast_in_dim3A_289 : vector<16x1xi32> to vector<16xi32>
          %gather3A_291 = tpu.dynamic_gather %select_n3A_248[%gather3A_290] in [0] : vector<16xf32>, vector<16xi32> -> vector<16xf32>
          %lt3A_292 = arith.constant 0 : i32
          %lt3A_293 = vector.broadcast %lt3A_292 : i32 to vector<16xi32>
          %lt3A_294 = arith.cmpi slt, %xor3A_11, %lt3A_293 : vector<16xi32>
          %add3A_295 = arith.constant 16 : i32
          %add3A_296 = vector.broadcast %add3A_295 : i32 to vector<16xi32>
          %add3A_297 = arith.addi %xor3A_11, %add3A_296 : vector<16xi32>
          %select_n3A_298 = arith.select %lt3A_294, %add3A_297, %xor3A_11 : vector<16xi1>, vector<16xi32>
          %broadcast_in_dim3A_299 = vector.shape_cast %select_n3A_298 : vector<16xi32> to vector<16x1xi32>
          %gather3A_300 = vector.shape_cast %broadcast_in_dim3A_299 : vector<16x1xi32> to vector<16xi32>
          %gather3A_301 = tpu.dynamic_gather %select_n3A_281[%gather3A_300] in [0] : vector<16xf32>, vector<16xi32> -> vector<16xf32>
          %add3A_302 = arith.addf %select_n3A_248, %gather3A_291 : vector<16xf32>
          %add3A_303 = arith.addf %select_n3A_281, %gather3A_301 : vector<16xf32>
          %select_n3A_304 = arith.select %eq3A_17, %add3A_302, %add3A_303 : vector<16xi1>, vector<16xf32>
          %lt3A_305 = arith.constant 0 : i32
          %lt3A_306 = vector.broadcast %lt3A_305 : i32 to vector<16xi32>
          %lt3A_307 = arith.cmpi slt, %xor3A_20, %lt3A_306 : vector<16xi32>
          %add3A_308 = arith.constant 16 : i32
          %add3A_309 = vector.broadcast %add3A_308 : i32 to vector<16xi32>
          %add3A_310 = arith.addi %xor3A_20, %add3A_309 : vector<16xi32>
          %select_n3A_311 = arith.select %lt3A_307, %add3A_310, %xor3A_20 : vector<16xi1>, vector<16xi32>
          %broadcast_in_dim3A_312 = vector.shape_cast %select_n3A_311 : vector<16xi32> to vector<16x1xi32>
          %gather3A_313 = vector.shape_cast %broadcast_in_dim3A_312 : vector<16x1xi32> to vector<16xi32>
          %gather3A_314 = tpu.dynamic_gather %select_n3A_215[%gather3A_313] in [0] : vector<16xf32>, vector<16xi32> -> vector<16xf32>
          %lt3A_315 = arith.constant 0 : i32
          %lt3A_316 = vector.broadcast %lt3A_315 : i32 to vector<16xi32>
          %lt3A_317 = arith.cmpi slt, %xor3A_20, %lt3A_316 : vector<16xi32>
          %add3A_318 = arith.constant 16 : i32
          %add3A_319 = vector.broadcast %add3A_318 : i32 to vector<16xi32>
          %add3A_320 = arith.addi %xor3A_20, %add3A_319 : vector<16xi32>
          %select_n3A_321 = arith.select %lt3A_317, %add3A_320, %xor3A_20 : vector<16xi1>, vector<16xi32>
          %broadcast_in_dim3A_322 = vector.shape_cast %select_n3A_321 : vector<16xi32> to vector<16x1xi32>
          %gather3A_323 = vector.shape_cast %broadcast_in_dim3A_322 : vector<16x1xi32> to vector<16xi32>
          %gather3A_324 = tpu.dynamic_gather %select_n3A_304[%gather3A_323] in [0] : vector<16xf32>, vector<16xi32> -> vector<16xf32>
          %add3A_325 = arith.addf %select_n3A_215, %gather3A_314 : vector<16xf32>
          %add3A_326 = arith.addf %select_n3A_304, %gather3A_324 : vector<16xf32>
          %select_n3A_327 = arith.select %eq3A_26, %add3A_325, %add3A_326 : vector<16xi1>, vector<16xf32>
          %get3A_328 = arith.constant 8 : i32
          %get3A_329 = arith.index_cast %get3A_328 : i32 to index
          %get3A_330 = arith.constant 0 : index
          %get3A_331 = tpu.vector_load %arg19[%get3A_329, %get3A_330] {strides = array<i32>} : memref<16x16xf32, #tpu.memory_space<vmem>>, vector<1x16xf32>,
          %get3A_332 = vector.shape_cast %get3A_331 : vector<1x16xf32> to vector<16xf32>
          %get3A_333 = arith.constant 9 : i32
          %get3A_334 = arith.index_cast %get3A_333 : i32 to index
          %get3A_335 = arith.constant 0 : index
          %get3A_336 = tpu.vector_load %arg19[%get3A_334, %get3A_335] {strides = array<i32>} : memref<16x16xf32, #tpu.memory_space<vmem>>, vector<1x16xf32>,
          %get3A_337 = vector.shape_cast %get3A_336 : vector<1x16xf32> to vector<16xf32>
          %lt3A_338 = arith.constant 0 : i32
          %lt3A_339 = vector.broadcast %lt3A_338 : i32 to vector<16xi32>
          %lt3A_340 = arith.cmpi slt, %xor3A_4, %lt3A_339 : vector<16xi32>
          %add3A_341 = arith.constant 16 : i32
          %add3A_342 = vector.broadcast %add3A_341 : i32 to vector<16xi32>
          %add3A_343 = arith.addi %xor3A_4, %add3A_342 : vector<16xi32>
          %select_n3A_344 = arith.select %lt3A_340, %add3A_343, %xor3A_4 : vector<16xi1>, vector<16xi32>
          %broadcast_in_dim3A_345 = vector.shape_cast %select_n3A_344 : vector<16xi32> to vector<16x1xi32>
          %gather3A_346 = vector.shape_cast %broadcast_in_dim3A_345 : vector<16x1xi32> to vector<16xi32>
          %gather3A_347 = tpu.dynamic_gather %get3A_332[%gather3A_346] in [0] : vector<16xf32>, vector<16xi32> -> vector<16xf32>
          %lt3A_348 = arith.constant 0 : i32
          %lt3A_349 = vector.broadcast %lt3A_348 : i32 to vector<16xi32>
          %lt3A_350 = arith.cmpi slt, %xor3A_4, %lt3A_349 : vector<16xi32>
          %add3A_351 = arith.constant 16 : i32
          %add3A_352 = vector.broadcast %add3A_351 : i32 to vector<16xi32>
          %add3A_353 = arith.addi %xor3A_4, %add3A_352 : vector<16xi32>
          %select_n3A_354 = arith.select %lt3A_350, %add3A_353, %xor3A_4 : vector<16xi1>, vector<16xi32>
          %broadcast_in_dim3A_355 = vector.shape_cast %select_n3A_354 : vector<16xi32> to vector<16x1xi32>
          %gather3A_356 = vector.shape_cast %broadcast_in_dim3A_355 : vector<16x1xi32> to vector<16xi32>
          %gather3A_357 = tpu.dynamic_gather %get3A_337[%gather3A_356] in [0] : vector<16xf32>, vector<16xi32> -> vector<16xf32>
          %add3A_358 = arith.addf %get3A_332, %gather3A_347 : vector<16xf32>
          %add3A_359 = arith.addf %get3A_337, %gather3A_357 : vector<16xf32>
          %select_n3A_360 = arith.select %eq3A_8, %add3A_358, %add3A_359 : vector<16xi1>, vector<16xf32>
          %get3A_361 = arith.constant 10 : i32
          %get3A_362 = arith.index_cast %get3A_361 : i32 to index
          %get3A_363 = arith.constant 0 : index
          %get3A_364 = tpu.vector_load %arg19[%get3A_362, %get3A_363] {strides = array<i32>} : memref<16x16xf32, #tpu.memory_space<vmem>>, vector<1x16xf32>,
          %get3A_365 = vector.shape_cast %get3A_364 : vector<1x16xf32> to vector<16xf32>
          %get3A_366 = arith.constant 11 : i32
          %get3A_367 = arith.index_cast %get3A_366 : i32 to index
          %get3A_368 = arith.constant 0 : index
          %get3A_369 = tpu.vector_load %arg19[%get3A_367, %get3A_368] {strides = array<i32>} : memref<16x16xf32, #tpu.memory_space<vmem>>, vector<1x16xf32>,
          %get3A_370 = vector.shape_cast %get3A_369 : vector<1x16xf32> to vector<16xf32>
          %lt3A_371 = arith.constant 0 : i32
          %lt3A_372 = vector.broadcast %lt3A_371 : i32 to vector<16xi32>
          %lt3A_373 = arith.cmpi slt, %xor3A_4, %lt3A_372 : vector<16xi32>
          %add3A_374 = arith.constant 16 : i32
          %add3A_375 = vector.broadcast %add3A_374 : i32 to vector<16xi32>
          %add3A_376 = arith.addi %xor3A_4, %add3A_375 : vector<16xi32>
          %select_n3A_377 = arith.select %lt3A_373, %add3A_376, %xor3A_4 : vector<16xi1>, vector<16xi32>
          %broadcast_in_dim3A_378 = vector.shape_cast %select_n3A_377 : vector<16xi32> to vector<16x1xi32>
          %gather3A_379 = vector.shape_cast %broadcast_in_dim3A_378 : vector<16x1xi32> to vector<16xi32>
          %gather3A_380 = tpu.dynamic_gather %get3A_365[%gather3A_379] in [0] : vector<16xf32>, vector<16xi32> -> vector<16xf32>
          %lt3A_381 = arith.constant 0 : i32
          %lt3A_382 = vector.broadcast %lt3A_381 : i32 to vector<16xi32>
          %lt3A_383 = arith.cmpi slt, %xor3A_4, %lt3A_382 : vector<16xi32>
          %add3A_384 = arith.constant 16 : i32
          %add3A_385 = vector.broadcast %add3A_384 : i32 to vector<16xi32>
          %add3A_386 = arith.addi %xor3A_4, %add3A_385 : vector<16xi32>
          %select_n3A_387 = arith.select %lt3A_383, %add3A_386, %xor3A_4 : vector<16xi1>, vector<16xi32>
          %broadcast_in_dim3A_388 = vector.shape_cast %select_n3A_387 : vector<16xi32> to vector<16x1xi32>
          %gather3A_389 = vector.shape_cast %broadcast_in_dim3A_388 : vector<16x1xi32> to vector<16xi32>
          %gather3A_390 = tpu.dynamic_gather %get3A_370[%gather3A_389] in [0] : vector<16xf32>, vector<16xi32> -> vector<16xf32>
          %add3A_391 = arith.addf %get3A_365, %gather3A_380 : vector<16xf32>
          %add3A_392 = arith.addf %get3A_370, %gather3A_390 : vector<16xf32>
          %select_n3A_393 = arith.select %eq3A_8, %add3A_391, %add3A_392 : vector<16xi1>, vector<16xf32>
          %lt3A_394 = arith.constant 0 : i32
          %lt3A_395 = vector.broadcast %lt3A_394 : i32 to vector<16xi32>
          %lt3A_396 = arith.cmpi slt, %xor3A_11, %lt3A_395 : vector<16xi32>
          %add3A_397 = arith.constant 16 : i32
          %add3A_398 = vector.broadcast %add3A_397 : i32 to vector<16xi32>
          %add3A_399 = arith.addi %xor3A_11, %add3A_398 : vector<16xi32>
          %select_n3A_400 = arith.select %lt3A_396, %add3A_399, %xor3A_11 : vector<16xi1>, vector<16xi32>
          %broadcast_in_dim3A_401 = vector.shape_cast %select_n3A_400 : vector<16xi32> to vector<16x1xi32>
          %gather3A_402 = vector.shape_cast %broadcast_in_dim3A_401 : vector<16x1xi32> to vector<16xi32>
          %gather3A_403 = tpu.dynamic_gather %select_n3A_360[%gather3A_402] in [0] : vector<16xf32>, vector<16xi32> -> vector<16xf32>
          %lt3A_404 = arith.constant 0 : i32
          %lt3A_405 = vector.broadcast %lt3A_404 : i32 to vector<16xi32>
          %lt3A_406 = arith.cmpi slt, %xor3A_11, %lt3A_405 : vector<16xi32>
          %add3A_407 = arith.constant 16 : i32
          %add3A_408 = vector.broadcast %add3A_407 : i32 to vector<16xi32>
          %add3A_409 = arith.addi %xor3A_11, %add3A_408 : vector<16xi32>
          %select_n3A_410 = arith.select %lt3A_406, %add3A_409, %xor3A_11 : vector<16xi1>, vector<16xi32>
          %broadcast_in_dim3A_411 = vector.shape_cast %select_n3A_410 : vector<16xi32> to vector<16x1xi32>
          %gather3A_412 = vector.shape_cast %broadcast_in_dim3A_411 : vector<16x1xi32> to vector<16xi32>
          %gather3A_413 = tpu.dynamic_gather %select_n3A_393[%gather3A_412] in [0] : vector<16xf32>, vector<16xi32> -> vector<16xf32>
          %add3A_414 = arith.addf %select_n3A_360, %gather3A_403 : vector<16xf32>
          %add3A_415 = arith.addf %select_n3A_393, %gather3A_413 : vector<16xf32>
          %select_n3A_416 = arith.select %eq3A_17, %add3A_414, %add3A_415 : vector<16xi1>, vector<16xf32>
          %get3A_417 = arith.constant 12 : i32
          %get3A_418 = arith.index_cast %get3A_417 : i32 to index
          %get3A_419 = arith.constant 0 : index
          %get3A_420 = tpu.vector_load %arg19[%get3A_418, %get3A_419] {strides = array<i32>} : memref<16x16xf32, #tpu.memory_space<vmem>>, vector<1x16xf32>,
          %get3A_421 = vector.shape_cast %get3A_420 : vector<1x16xf32> to vector<16xf32>
          %get3A_422 = arith.constant 13 : i32
          %get3A_423 = arith.index_cast %get3A_422 : i32 to index
          %get3A_424 = arith.constant 0 : index
          %get3A_425 = tpu.vector_load %arg19[%get3A_423, %get3A_424] {strides = array<i32>} : memref<16x16xf32, #tpu.memory_space<vmem>>, vector<1x16xf32>,
          %get3A_426 = vector.shape_cast %get3A_425 : vector<1x16xf32> to vector<16xf32>
          %lt3A_427 = arith.constant 0 : i32
          %lt3A_428 = vector.broadcast %lt3A_427 : i32 to vector<16xi32>
          %lt3A_429 = arith.cmpi slt, %xor3A_4, %lt3A_428 : vector<16xi32>
          %add3A_430 = arith.constant 16 : i32
          %add3A_431 = vector.broadcast %add3A_430 : i32 to vector<16xi32>
          %add3A_432 = arith.addi %xor3A_4, %add3A_431 : vector<16xi32>
          %select_n3A_433 = arith.select %lt3A_429, %add3A_432, %xor3A_4 : vector<16xi1>, vector<16xi32>
          %broadcast_in_dim3A_434 = vector.shape_cast %select_n3A_433 : vector<16xi32> to vector<16x1xi32>
          %gather3A_435 = vector.shape_cast %broadcast_in_dim3A_434 : vector<16x1xi32> to vector<16xi32>
          %gather3A_436 = tpu.dynamic_gather %get3A_421[%gather3A_435] in [0] : vector<16xf32>, vector<16xi32> -> vector<16xf32>
          %lt3A_437 = arith.constant 0 : i32
          %lt3A_438 = vector.broadcast %lt3A_437 : i32 to vector<16xi32>
          %lt3A_439 = arith.cmpi slt, %xor3A_4, %lt3A_438 : vector<16xi32>
          %add3A_440 = arith.constant 16 : i32
          %add3A_441 = vector.broadcast %add3A_440 : i32 to vector<16xi32>
          %add3A_442 = arith.addi %xor3A_4, %add3A_441 : vector<16xi32>
          %select_n3A_443 = arith.select %lt3A_439, %add3A_442, %xor3A_4 : vector<16xi1>, vector<16xi32>
          %broadcast_in_dim3A_444 = vector.shape_cast %select_n3A_443 : vector<16xi32> to vector<16x1xi32>
          %gather3A_445 = vector.shape_cast %broadcast_in_dim3A_444 : vector<16x1xi32> to vector<16xi32>
          %gather3A_446 = tpu.dynamic_gather %get3A_426[%gather3A_445] in [0] : vector<16xf32>, vector<16xi32> -> vector<16xf32>
          %add3A_447 = arith.addf %get3A_421, %gather3A_436 : vector<16xf32>
          %add3A_448 = arith.addf %get3A_426, %gather3A_446 : vector<16xf32>
          %select_n3A_449 = arith.select %eq3A_8, %add3A_447, %add3A_448 : vector<16xi1>, vector<16xf32>
          %get3A_450 = arith.constant 14 : i32
          %get3A_451 = arith.index_cast %get3A_450 : i32 to index
          %get3A_452 = arith.constant 0 : index
          %get3A_453 = tpu.vector_load %arg19[%get3A_451, %get3A_452] {strides = array<i32>} : memref<16x16xf32, #tpu.memory_space<vmem>>, vector<1x16xf32>,
          %get3A_454 = vector.shape_cast %get3A_453 : vector<1x16xf32> to vector<16xf32>
          %get3A_455 = arith.constant 15 : i32
          %get3A_456 = arith.index_cast %get3A_455 : i32 to index
          %get3A_457 = arith.constant 0 : index
          %get3A_458 = tpu.vector_load %arg19[%get3A_456, %get3A_457] {strides = array<i32>} : memref<16x16xf32, #tpu.memory_space<vmem>>, vector<1x16xf32>,
          %get3A_459 = vector.shape_cast %get3A_458 : vector<1x16xf32> to vector<16xf32>
          %lt3A_460 = arith.constant 0 : i32
          %lt3A_461 = vector.broadcast %lt3A_460 : i32 to vector<16xi32>
          %lt3A_462 = arith.cmpi slt, %xor3A_4, %lt3A_461 : vector<16xi32>
          %add3A_463 = arith.constant 16 : i32
          %add3A_464 = vector.broadcast %add3A_463 : i32 to vector<16xi32>
          %add3A_465 = arith.addi %xor3A_4, %add3A_464 : vector<16xi32>
          %select_n3A_466 = arith.select %lt3A_462, %add3A_465, %xor3A_4 : vector<16xi1>, vector<16xi32>
          %broadcast_in_dim3A_467 = vector.shape_cast %select_n3A_466 : vector<16xi32> to vector<16x1xi32>
          %gather3A_468 = vector.shape_cast %broadcast_in_dim3A_467 : vector<16x1xi32> to vector<16xi32>
          %gather3A_469 = tpu.dynamic_gather %get3A_454[%gather3A_468] in [0] : vector<16xf32>, vector<16xi32> -> vector<16xf32>
          %lt3A_470 = arith.constant 0 : i32
          %lt3A_471 = vector.broadcast %lt3A_470 : i32 to vector<16xi32>
          %lt3A_472 = arith.cmpi slt, %xor3A_4, %lt3A_471 : vector<16xi32>
          %add3A_473 = arith.constant 16 : i32
          %add3A_474 = vector.broadcast %add3A_473 : i32 to vector<16xi32>
          %add3A_475 = arith.addi %xor3A_4, %add3A_474 : vector<16xi32>
          %select_n3A_476 = arith.select %lt3A_472, %add3A_475, %xor3A_4 : vector<16xi1>, vector<16xi32>
          %broadcast_in_dim3A_477 = vector.shape_cast %select_n3A_476 : vector<16xi32> to vector<16x1xi32>
          %gather3A_478 = vector.shape_cast %broadcast_in_dim3A_477 : vector<16x1xi32> to vector<16xi32>
          %gather3A_479 = tpu.dynamic_gather %get3A_459[%gather3A_478] in [0] : vector<16xf32>, vector<16xi32> -> vector<16xf32>
          %add3A_480 = arith.addf %get3A_454, %gather3A_469 : vector<16xf32>
          %add3A_481 = arith.addf %get3A_459, %gather3A_479 : vector<16xf32>
          %select_n3A_482 = arith.select %eq3A_8, %add3A_480, %add3A_481 : vector<16xi1>, vector<16xf32>
          %lt3A_483 = arith.constant 0 : i32
          %lt3A_484 = vector.broadcast %lt3A_483 : i32 to vector<16xi32>
          %lt3A_485 = arith.cmpi slt, %xor3A_11, %lt3A_484 : vector<16xi32>
          %add3A_486 = arith.constant 16 : i32
          %add3A_487 = vector.broadcast %add3A_486 : i32 to vector<16xi32>
          %add3A_488 = arith.addi %xor3A_11, %add3A_487 : vector<16xi32>
          %select_n3A_489 = arith.select %lt3A_485, %add3A_488, %xor3A_11 : vector<16xi1>, vector<16xi32>
          %broadcast_in_dim3A_490 = vector.shape_cast %select_n3A_489 : vector<16xi32> to vector<16x1xi32>
          %gather3A_491 = vector.shape_cast %broadcast_in_dim3A_490 : vector<16x1xi32> to vector<16xi32>
          %gather3A_492 = tpu.dynamic_gather %select_n3A_449[%gather3A_491] in [0] : vector<16xf32>, vector<16xi32> -> vector<16xf32>
          %lt3A_493 = arith.constant 0 : i32
          %lt3A_494 = vector.broadcast %lt3A_493 : i32 to vector<16xi32>
          %lt3A_495 = arith.cmpi slt, %xor3A_11, %lt3A_494 : vector<16xi32>
          %add3A_496 = arith.constant 16 : i32
          %add3A_497 = vector.broadcast %add3A_496 : i32 to vector<16xi32>
          %add3A_498 = arith.addi %xor3A_11, %add3A_497 : vector<16xi32>
          %select_n3A_499 = arith.select %lt3A_495, %add3A_498, %xor3A_11 : vector<16xi1>, vector<16xi32>
          %broadcast_in_dim3A_500 = vector.shape_cast %select_n3A_499 : vector<16xi32> to vector<16x1xi32>
          %gather3A_501 = vector.shape_cast %broadcast_in_dim3A_500 : vector<16x1xi32> to vector<16xi32>
          %gather3A_502 = tpu.dynamic_gather %select_n3A_482[%gather3A_501] in [0] : vector<16xf32>, vector<16xi32> -> vector<16xf32>
          %add3A_503 = arith.addf %select_n3A_449, %gather3A_492 : vector<16xf32>
          %add3A_504 = arith.addf %select_n3A_482, %gather3A_502 : vector<16xf32>
          %select_n3A_505 = arith.select %eq3A_17, %add3A_503, %add3A_504 : vector<16xi1>, vector<16xf32>
          %lt3A_506 = arith.constant 0 : i32
          %lt3A_507 = vector.broadcast %lt3A_506 : i32 to vector<16xi32>
          %lt3A_508 = arith.cmpi slt, %xor3A_20, %lt3A_507 : vector<16xi32>
          %add3A_509 = arith.constant 16 : i32
          %add3A_510 = vector.broadcast %add3A_509 : i32 to vector<16xi32>
          %add3A_511 = arith.addi %xor3A_20, %add3A_510 : vector<16xi32>
          %select_n3A_512 = arith.select %lt3A_508, %add3A_511, %xor3A_20 : vector<16xi1>, vector<16xi32>
          %broadcast_in_dim3A_513 = vector.shape_cast %select_n3A_512 : vector<16xi32> to vector<16x1xi32>
          %gather3A_514 = vector.shape_cast %broadcast_in_dim3A_513 : vector<16x1xi32> to vector<16xi32>
          %gather3A_515 = tpu.dynamic_gather %select_n3A_416[%gather3A_514] in [0] : vector<16xf32>, vector<16xi32> -> vector<16xf32>
          %lt3A_516 = arith.constant 0 : i32
          %lt3A_517 = vector.broadcast %lt3A_516 : i32 to vector<16xi32>
          %lt3A_518 = arith.cmpi slt, %xor3A_20, %lt3A_517 : vector<16xi32>
          %add3A_519 = arith.constant 16 : i32
          %add3A_520 = vector.broadcast %add3A_519 : i32 to vector<16xi32>
          %add3A_521 = arith.addi %xor3A_20, %add3A_520 : vector<16xi32>
          %select_n3A_522 = arith.select %lt3A_518, %add3A_521, %xor3A_20 : vector<16xi1>, vector<16xi32>
          %broadcast_in_dim3A_523 = vector.shape_cast %select_n3A_522 : vector<16xi32> to vector<16x1xi32>
          %gather3A_524 = vector.shape_cast %broadcast_in_dim3A_523 : vector<16x1xi32> to vector<16xi32>
          %gather3A_525 = tpu.dynamic_gather %select_n3A_505[%gather3A_524] in [0] : vector<16xf32>, vector<16xi32> -> vector<16xf32>
          %add3A_526 = arith.addf %select_n3A_416, %gather3A_515 : vector<16xf32>
          %add3A_527 = arith.addf %select_n3A_505, %gather3A_525 : vector<16xf32>
          %select_n3A_528 = arith.select %eq3A_26, %add3A_526, %add3A_527 : vector<16xi1>, vector<16xf32>
          %lt3A_529 = arith.constant 0 : i32
          %lt3A_530 = vector.broadcast %lt3A_529 : i32 to vector<16xi32>
          %lt3A_531 = arith.cmpi slt, %xor3A_29, %lt3A_530 : vector<16xi32>
          %add3A_532 = arith.constant 16 : i32
          %add3A_533 = vector.broadcast %add3A_532 : i32 to vector<16xi32>
          %add3A_534 = arith.addi %xor3A_29, %add3A_533 : vector<16xi32>
          %select_n3A_535 = arith.select %lt3A_531, %add3A_534, %xor3A_29 : vector<16xi1>, vector<16xi32>
          %broadcast_in_dim3A_536 = vector.shape_cast %select_n3A_535 : vector<16xi32> to vector<16x1xi32>
          %gather3A_537 = vector.shape_cast %broadcast_in_dim3A_536 : vector<16x1xi32> to vector<16xi32>
          %gather3A_538 = tpu.dynamic_gather %select_n3A_327[%gather3A_537] in [0] : vector<16xf32>, vector<16xi32> -> vector<16xf32>
          %lt3A_539 = arith.constant 0 : i32
          %lt3A_540 = vector.broadcast %lt3A_539 : i32 to vector<16xi32>
          %lt3A_541 = arith.cmpi slt, %xor3A_29, %lt3A_540 : vector<16xi32>
          %add3A_542 = arith.constant 16 : i32
          %add3A_543 = vector.broadcast %add3A_542 : i32 to vector<16xi32>
          %add3A_544 = arith.addi %xor3A_29, %add3A_543 : vector<16xi32>
          %select_n3A_545 = arith.select %lt3A_541, %add3A_544, %xor3A_29 : vector<16xi1>, vector<16xi32>
          %broadcast_in_dim3A_546 = vector.shape_cast %select_n3A_545 : vector<16xi32> to vector<16x1xi32>
          %gather3A_547 = vector.shape_cast %broadcast_in_dim3A_546 : vector<16x1xi32> to vector<16xi32>
          %gather3A_548 = tpu.dynamic_gather %select_n3A_528[%gather3A_547] in [0] : vector<16xf32>, vector<16xi32> -> vector<16xf32>
          %add3A_549 = arith.addf %select_n3A_327, %gather3A_538 : vector<16xf32>
          %add3A_550 = arith.addf %select_n3A_528, %gather3A_548 : vector<16xf32>
          %select_n3A_551 = arith.select %eq3A_35, %add3A_549, %add3A_550 : vector<16xi1>, vector<16xf32>
          %add3A_552 = arith.addf %select_n3A_551, %get3A_61 : vector<16xf32>
          %neg3A = arith.constant 0.000000e+00 : f32
          %neg3A_553 = vector.broadcast %neg3A : f32 to vector<16xf32>
          %neg3A_554 = arith.subf %neg3A_553, %add3A_552 : vector<16xf32>
          %exp3A = math.exp %neg3A_554 : vector<16xf32>
          %add3A_555 = arith.constant 1.000000e+00 : f32
          %add3A_556 = vector.broadcast %add3A_555 : f32 to vector<16xf32>
          %add3A_557 = arith.addf %add3A_556, %exp3A : vector<16xf32>
          %div3A = arith.constant 1.000000e+00 : f32
          %div3A_558 = vector.broadcast %div3A : f32 to vector<16xf32>
          %div3A_559 = arith.divf %div3A_558, %add3A_557 : vector<16xf32>
          %swap3A = arith.index_cast %min3A_127 : i32 to index
          %swap3A_560 = tpu.vector_load %arg20[%swap3A] {strides = array<i32>} : memref<200xf32, #tpu.memory_space<vmem>>, vector<16xf32>,
          %swap3A_561 = vector.shape_cast %swap3A_560 : vector<16xf32> to vector<16xf32>
          %swap3A_562 = vector.shape_cast %div3A_559 : vector<16xf32> to vector<16xf32>
          tpu.vector_store %arg20[%swap3A], %swap3A_562 {strides = array<i32>} : memref<200xf32, #tpu.memory_space<vmem>>, vector<16xf32>,
        }
        %scan3A_118 = arith.constant 13 : i32
        %mul3A_119 = arith.constant 200 : i32
        %mul3A_120 = arith.muli %add3A_86, %mul3A_119 : i32
        %add3A_121 = arith.addi %mul3A_2, %mul3A_120 : i32
        %dma_start3A_122 = tpu.memref_slice %arg8[%add3A_121] : memref<160000xf32, #tpu.memory_space<hbm>> -> memref<200xf32, #tpu.memory_space<hbm>>
        %dma_start3A_123 = tpu.memref_slice %arg8[%add3A_121] : memref<160000xf32, #tpu.memory_space<hbm>> -> memref<200xf32, #tpu.memory_space<hbm>>
        tpu.enqueue_dma source(%arg20 : memref<200xf32, #tpu.memory_space<vmem>>) target(%dma_start3A_123 : memref<200xf32, #tpu.memory_space<hbm>>) target_semaphore(%arg24 : memref<!tpu.dma_semaphore, #tpu.memory_space<semaphore_mem>>)
      } else {
      }
      %add3A_89 = arith.constant 1 : i32
      %add3A_90 = arith.addi %add3A_84, %add3A_89 : i32
      %lt3A_91 = arith.constant 25 : i32
      %lt3A_92 = arith.cmpi slt, %add3A_90, %lt3A_91 : i32
      %convert_element_type3A_93 = arith.extui %lt3A_92 : i1 to i32
      %cond3A_94 = arith.constant 0 : i32
      %cond3A_95 = arith.cmpi ne, %convert_element_type3A_93, %cond3A_94 : i32
      scf.if %cond3A_95 {
        %add3A_96 = arith.constant 1 : i32
        %add3A_97 = arith.addi %add3A_90, %add3A_96 : i32
        %lt3A_98 = arith.constant 25 : i32
        %lt3A_99 = arith.cmpi slt, %add3A_97, %lt3A_98 : i32
        %convert_element_type3A_100 = arith.extui %lt3A_99 : i1 to i32
        %cond3A_101 = arith.constant 0 : i32
        %cond3A_102 = arith.cmpi ne, %convert_element_type3A_100, %cond3A_101 : i32
        scf.if %cond3A_102 {
          %add3A_124 = arith.constant 1 : i32
          %add3A_125 = arith.addi %add3A_90, %add3A_124 : i32
          %mul3A_126 = arith.constant 200 : i32
          %mul3A_127 = arith.muli %add3A_125, %mul3A_126 : i32
          %add3A_128 = arith.addi %mul3A_2, %mul3A_127 : i32
          "tpu.region"() ({
            %run_scoped3A = tpu.sem_alloc : memref<!tpu.dma_semaphore, #tpu.memory_space<semaphore_mem>>
            %dma_start3A_135 = tpu.memref_slice %arg4[%add3A_128] : memref<160000xi32, #tpu.memory_space<hbm>> -> memref<200xi32, #tpu.memory_space<hbm>>
            %dma_start3A_136 = tpu.memref_slice %arg4[%add3A_128] : memref<160000xi32, #tpu.memory_space<hbm>> -> memref<200xi32, #tpu.memory_space<hbm>>
            tpu.enqueue_dma source(%dma_start3A_136 : memref<200xi32, #tpu.memory_space<hbm>>) target(%arg9 : memref<200xi32, #tpu.memory_space<vmem>>) target_semaphore(%run_scoped3A : memref<!tpu.dma_semaphore, #tpu.memory_space<semaphore_mem>>)
            %dma_wait3A_137 = tpu.memref_slice %arg4[%add3A_128] : memref<160000xi32, #tpu.memory_space<hbm>> -> memref<200xi32, #tpu.memory_space<hbm>>
            %dma_wait3A_138 = tpu.memref_slice %arg4[%add3A_128] : memref<160000xi32, #tpu.memory_space<hbm>> -> memref<200xi32, #tpu.memory_space<hbm>>
            tpu.wait_dma2 semaphore(%run_scoped3A : memref<!tpu.dma_semaphore, #tpu.memory_space<semaphore_mem>>) src(%dma_wait3A_138 : memref<200xi32, #tpu.memory_space<hbm>>) dst(%arg9 : memref<200xi32, #tpu.memory_space<vmem>>)
            tpu.yield
          }) : () -> ()
          "tpu.region"() ({
            %run_scoped3A = tpu.sem_alloc : memref<!tpu.dma_semaphore, #tpu.memory_space<semaphore_mem>>
            %dma_start3A_135 = tpu.memref_slice %arg5[%add3A_128] : memref<160000xi32, #tpu.memory_space<hbm>> -> memref<200xi32, #tpu.memory_space<hbm>>
            %dma_start3A_136 = tpu.memref_slice %arg5[%add3A_128] : memref<160000xi32, #tpu.memory_space<hbm>> -> memref<200xi32, #tpu.memory_space<hbm>>
            tpu.enqueue_dma source(%dma_start3A_136 : memref<200xi32, #tpu.memory_space<hbm>>) target(%arg10 : memref<200xi32, #tpu.memory_space<vmem>>) target_semaphore(%run_scoped3A : memref<!tpu.dma_semaphore, #tpu.memory_space<semaphore_mem>>)
            %dma_wait3A_137 = tpu.memref_slice %arg5[%add3A_128] : memref<160000xi32, #tpu.memory_space<hbm>> -> memref<200xi32, #tpu.memory_space<hbm>>
            %dma_wait3A_138 = tpu.memref_slice %arg5[%add3A_128] : memref<160000xi32, #tpu.memory_space<hbm>> -> memref<200xi32, #tpu.memory_space<hbm>>
            tpu.wait_dma2 semaphore(%run_scoped3A : memref<!tpu.dma_semaphore, #tpu.memory_space<semaphore_mem>>) src(%dma_wait3A_138 : memref<200xi32, #tpu.memory_space<hbm>>) dst(%arg10 : memref<200xi32, #tpu.memory_space<vmem>>)
            tpu.yield
          }) : () -> ()
          %dma_start3A_129 = arith.constant 0 : i32
          %dma_start3A_130 = arith.constant 0 : i32
          %dma_start3A_131 = tpu.memref_slice %arg2[%dma_start3A_129, %dma_start3A_130] : memref<10000x128xf32, #tpu.memory_space<hbm>> -> memref<10000x128xf32, #tpu.memory_space<hbm>>
          tpu.enqueue_indirect_dma source(%dma_start3A_131 : memref<10000x128xf32, #tpu.memory_space<hbm>>) target(%arg13 : memref<200x128xf32, #tpu.memory_space<vmem>>) offsets(%arg9 : memref<200xi32, #tpu.memory_space<vmem>>) semaphore(%arg22 : memref<!tpu.dma_semaphore, #tpu.memory_space<semaphore_mem>>)
          %dma_start3A_132 = arith.constant 0 : i32
          %dma_start3A_133 = arith.constant 0 : i32
          %dma_start3A_134 = tpu.memref_slice %arg3[%dma_start3A_132, %dma_start3A_133] : memref<10000x128xf32, #tpu.memory_space<hbm>> -> memref<10000x128xf32, #tpu.memory_space<hbm>>
          tpu.enqueue_indirect_dma source(%dma_start3A_134 : memref<10000x128xf32, #tpu.memory_space<hbm>>) target(%arg14 : memref<200x128xf32, #tpu.memory_space<vmem>>) offsets(%arg10 : memref<200xi32, #tpu.memory_space<vmem>>) semaphore(%arg22 : memref<!tpu.dma_semaphore, #tpu.memory_space<semaphore_mem>>)
        } else {
        }
        %dma_wait3A_103 = arith.constant 0 : i32
        %dma_wait3A_104 = arith.constant 0 : i32
        %dma_wait3A_105 = tpu.memref_slice %arg2[%dma_wait3A_103, %dma_wait3A_104] : memref<10000x128xf32, #tpu.memory_space<hbm>> -> memref<10000x128xf32, #tpu.memory_space<hbm>>
        tpu.wait_indirect_dma semaphore(%arg23 : memref<!tpu.dma_semaphore, #tpu.memory_space<semaphore_mem>>) src(%dma_wait3A_105 : memref<10000x128xf32, #tpu.memory_space<hbm>>) dst(%arg15 : memref<200x128xf32, #tpu.memory_space<vmem>>)
        %dma_wait3A_106 = arith.constant 0 : i32
        %dma_wait3A_107 = arith.constant 0 : i32
        %dma_wait3A_108 = tpu.memref_slice %arg3[%dma_wait3A_106, %dma_wait3A_107] : memref<10000x128xf32, #tpu.memory_space<hbm>> -> memref<10000x128xf32, #tpu.memory_space<hbm>>
        tpu.wait_indirect_dma semaphore(%arg23 : memref<!tpu.dma_semaphore, #tpu.memory_space<semaphore_mem>>) src(%dma_wait3A_108 : memref<10000x128xf32, #tpu.memory_space<hbm>>) dst(%arg16 : memref<200x128xf32, #tpu.memory_space<vmem>>)
        %ge3A = arith.constant 2 : i32
        %ge3A_109 = arith.cmpi sge, %add3A_90, %ge3A : i32
        %convert_element_type3A_110 = arith.extui %ge3A_109 : i1 to i32
        %cond3A_111 = arith.constant 0 : i32
        %cond3A_112 = arith.cmpi ne, %convert_element_type3A_110, %cond3A_111 : i32
        scf.if %cond3A_112 {
          %sub3A = arith.constant 2 : i32
          %sub3A_124 = arith.subi %add3A_90, %sub3A : i32
          %mul3A_125 = arith.constant 200 : i32
          %mul3A_126 = arith.muli %sub3A_124, %mul3A_125 : i32
          %add3A_127 = arith.addi %mul3A_2, %mul3A_126 : i32
          %dma_wait3A_128 = tpu.memref_slice %arg8[%add3A_127] : memref<160000xf32, #tpu.memory_space<hbm>> -> memref<200xf32, #tpu.memory_space<hbm>>
          %dma_wait3A_129 = tpu.memref_slice %arg8[%add3A_127] : memref<160000xf32, #tpu.memory_space<hbm>> -> memref<200xf32, #tpu.memory_space<hbm>>
          tpu.wait_dma2 semaphore(%arg25 : memref<!tpu.dma_semaphore, #tpu.memory_space<semaphore_mem>>) src(%arg21 : memref<200xf32, #tpu.memory_space<vmem>>) dst(%dma_wait3A_129 : memref<200xf32, #tpu.memory_space<hbm>>)
        } else {
        }
        %scan3A_113 = arith.constant 0 : i32
        %scan3A_114 = arith.constant 0 : i32
        %scan3A_115 = arith.constant 13 : i32
        %scan3A_116 = arith.addi %scan3A_114, %scan3A_115 : i32
        %scan3A_117 = arith.constant 1 : i32
        scf.for %scan3A_124 = %scan3A_114 to %scan3A_116 step %scan3A_117  : i32 {
          %mul3A_125 = arith.constant 16 : i32
          %mul3A_126 = arith.muli %scan3A_124, %mul3A_125 : i32
          %min3A = arith.constant 184 : i32
          %min3A_127 = arith.minsi %mul3A_126, %min3A : i32
          %parallel_loop3A = arith.constant 0 : i32
          %parallel_loop3A_128 = arith.constant 16 : i32
          %parallel_loop3A_129 = arith.constant 1 : i32
          scf.for %parallel_loop3A_563 = %parallel_loop3A to %parallel_loop3A_128 step %parallel_loop3A_129  : i32 {
            %parallel_loop3A_564 = arith.addi %min3A_127, %parallel_loop3A_563 : i32
            %parallel_loop3A_565 = arith.constant 0.000000e+00 : f32
            %parallel_loop3A_566 = vector.broadcast %parallel_loop3A_565 : f32 to vector<16xf32>
            %parallel_loop3A_567 = arith.index_cast %parallel_loop3A_564 : i32 to index
            %parallel_loop3A_568 = arith.constant 0 : index
            %parallel_loop3A_569 = tpu.vector_load %arg15[%parallel_loop3A_567, %parallel_loop3A_568] {strides = array<i32>} : memref<200x128xf32, #tpu.memory_space<vmem>>, vector<1x16xf32>,
            %parallel_loop3A_570 = vector.shape_cast %parallel_loop3A_569 : vector<1x16xf32> to vector<16xf32>
            %parallel_loop3A_571 = arith.index_cast %parallel_loop3A_564 : i32 to index
            %parallel_loop3A_572 = arith.constant 0 : index
            %parallel_loop3A_573 = tpu.vector_load %arg16[%parallel_loop3A_571, %parallel_loop3A_572] {strides = array<i32>} : memref<200x128xf32, #tpu.memory_space<vmem>>, vector<1x16xf32>,
            %parallel_loop3A_574 = vector.shape_cast %parallel_loop3A_573 : vector<1x16xf32> to vector<16xf32>
            %parallel_loop3A_575 = arith.addf %parallel_loop3A_570, %parallel_loop3A_574 : vector<16xf32>
            %parallel_loop3A_576 = arith.constant 0.000000e+00 : f32
            %parallel_loop3A_577 = vector.broadcast %parallel_loop3A_576 : f32 to vector<16xf32>
            %parallel_loop3A_578 = arith.maximumf %parallel_loop3A_575, %parallel_loop3A_577 : vector<16xf32>
            %parallel_loop3A_579 = arith.mulf %parallel_loop3A_578, %get3A_37 : vector<16xf32>
            %parallel_loop3A_580 = arith.addf %parallel_loop3A_566, %parallel_loop3A_579 : vector<16xf32>
            %parallel_loop3A_581 = arith.index_cast %parallel_loop3A_564 : i32 to index
            %parallel_loop3A_582 = arith.constant 16 : index
            %parallel_loop3A_583 = tpu.vector_load %arg15[%parallel_loop3A_581, %parallel_loop3A_582] {strides = array<i32>} : memref<200x128xf32, #tpu.memory_space<vmem>>, vector<1x16xf32>,
            %parallel_loop3A_584 = vector.shape_cast %parallel_loop3A_583 : vector<1x16xf32> to vector<16xf32>
            %parallel_loop3A_585 = arith.index_cast %parallel_loop3A_564 : i32 to index
            %parallel_loop3A_586 = arith.constant 16 : index
            %parallel_loop3A_587 = tpu.vector_load %arg16[%parallel_loop3A_585, %parallel_loop3A_586] {strides = array<i32>} : memref<200x128xf32, #tpu.memory_space<vmem>>, vector<1x16xf32>,
            %parallel_loop3A_588 = vector.shape_cast %parallel_loop3A_587 : vector<1x16xf32> to vector<16xf32>
            %parallel_loop3A_589 = arith.addf %parallel_loop3A_584, %parallel_loop3A_588 : vector<16xf32>
            %parallel_loop3A_590 = arith.constant 0.000000e+00 : f32
            %parallel_loop3A_591 = vector.broadcast %parallel_loop3A_590 : f32 to vector<16xf32>
            %parallel_loop3A_592 = arith.maximumf %parallel_loop3A_589, %parallel_loop3A_591 : vector<16xf32>
            %parallel_loop3A_593 = arith.mulf %parallel_loop3A_592, %get3A_40 : vector<16xf32>
            %parallel_loop3A_594 = arith.addf %parallel_loop3A_580, %parallel_loop3A_593 : vector<16xf32>
            %parallel_loop3A_595 = arith.index_cast %parallel_loop3A_564 : i32 to index
            %parallel_loop3A_596 = arith.constant 32 : index
            %parallel_loop3A_597 = tpu.vector_load %arg15[%parallel_loop3A_595, %parallel_loop3A_596] {strides = array<i32>} : memref<200x128xf32, #tpu.memory_space<vmem>>, vector<1x16xf32>,
            %parallel_loop3A_598 = vector.shape_cast %parallel_loop3A_597 : vector<1x16xf32> to vector<16xf32>
            %parallel_loop3A_599 = arith.index_cast %parallel_loop3A_564 : i32 to index
            %parallel_loop3A_600 = arith.constant 32 : index
            %parallel_loop3A_601 = tpu.vector_load %arg16[%parallel_loop3A_599, %parallel_loop3A_600] {strides = array<i32>} : memref<200x128xf32, #tpu.memory_space<vmem>>, vector<1x16xf32>,
            %parallel_loop3A_602 = vector.shape_cast %parallel_loop3A_601 : vector<1x16xf32> to vector<16xf32>
            %parallel_loop3A_603 = arith.addf %parallel_loop3A_598, %parallel_loop3A_602 : vector<16xf32>
            %parallel_loop3A_604 = arith.constant 0.000000e+00 : f32
            %parallel_loop3A_605 = vector.broadcast %parallel_loop3A_604 : f32 to vector<16xf32>
            %parallel_loop3A_606 = arith.maximumf %parallel_loop3A_603, %parallel_loop3A_605 : vector<16xf32>
            %parallel_loop3A_607 = arith.mulf %parallel_loop3A_606, %get3A_43 : vector<16xf32>
            %parallel_loop3A_608 = arith.addf %parallel_loop3A_594, %parallel_loop3A_607 : vector<16xf32>
            %parallel_loop3A_609 = arith.index_cast %parallel_loop3A_564 : i32 to index
            %parallel_loop3A_610 = arith.constant 48 : index
            %parallel_loop3A_611 = tpu.vector_load %arg15[%parallel_loop3A_609, %parallel_loop3A_610] {strides = array<i32>} : memref<200x128xf32, #tpu.memory_space<vmem>>, vector<1x16xf32>,
            %parallel_loop3A_612 = vector.shape_cast %parallel_loop3A_611 : vector<1x16xf32> to vector<16xf32>
            %parallel_loop3A_613 = arith.index_cast %parallel_loop3A_564 : i32 to index
            %parallel_loop3A_614 = arith.constant 48 : index
            %parallel_loop3A_615 = tpu.vector_load %arg16[%parallel_loop3A_613, %parallel_loop3A_614] {strides = array<i32>} : memref<200x128xf32, #tpu.memory_space<vmem>>, vector<1x16xf32>,
            %parallel_loop3A_616 = vector.shape_cast %parallel_loop3A_615 : vector<1x16xf32> to vector<16xf32>
            %parallel_loop3A_617 = arith.addf %parallel_loop3A_612, %parallel_loop3A_616 : vector<16xf32>
            %parallel_loop3A_618 = arith.constant 0.000000e+00 : f32
            %parallel_loop3A_619 = vector.broadcast %parallel_loop3A_618 : f32 to vector<16xf32>
            %parallel_loop3A_620 = arith.maximumf %parallel_loop3A_617, %parallel_loop3A_619 : vector<16xf32>
            %parallel_loop3A_621 = arith.mulf %parallel_loop3A_620, %get3A_46 : vector<16xf32>
            %parallel_loop3A_622 = arith.addf %parallel_loop3A_608, %parallel_loop3A_621 : vector<16xf32>
            %parallel_loop3A_623 = arith.index_cast %parallel_loop3A_564 : i32 to index
            %parallel_loop3A_624 = arith.constant 64 : index
            %parallel_loop3A_625 = tpu.vector_load %arg15[%parallel_loop3A_623, %parallel_loop3A_624] {strides = array<i32>} : memref<200x128xf32, #tpu.memory_space<vmem>>, vector<1x16xf32>,
            %parallel_loop3A_626 = vector.shape_cast %parallel_loop3A_625 : vector<1x16xf32> to vector<16xf32>
            %parallel_loop3A_627 = arith.index_cast %parallel_loop3A_564 : i32 to index
            %parallel_loop3A_628 = arith.constant 64 : index
            %parallel_loop3A_629 = tpu.vector_load %arg16[%parallel_loop3A_627, %parallel_loop3A_628] {strides = array<i32>} : memref<200x128xf32, #tpu.memory_space<vmem>>, vector<1x16xf32>,
            %parallel_loop3A_630 = vector.shape_cast %parallel_loop3A_629 : vector<1x16xf32> to vector<16xf32>
            %parallel_loop3A_631 = arith.addf %parallel_loop3A_626, %parallel_loop3A_630 : vector<16xf32>
            %parallel_loop3A_632 = arith.constant 0.000000e+00 : f32
            %parallel_loop3A_633 = vector.broadcast %parallel_loop3A_632 : f32 to vector<16xf32>
            %parallel_loop3A_634 = arith.maximumf %parallel_loop3A_631, %parallel_loop3A_633 : vector<16xf32>
            %parallel_loop3A_635 = arith.mulf %parallel_loop3A_634, %get3A_49 : vector<16xf32>
            %parallel_loop3A_636 = arith.addf %parallel_loop3A_622, %parallel_loop3A_635 : vector<16xf32>
            %parallel_loop3A_637 = arith.index_cast %parallel_loop3A_564 : i32 to index
            %parallel_loop3A_638 = arith.constant 80 : index
            %parallel_loop3A_639 = tpu.vector_load %arg15[%parallel_loop3A_637, %parallel_loop3A_638] {strides = array<i32>} : memref<200x128xf32, #tpu.memory_space<vmem>>, vector<1x16xf32>,
            %parallel_loop3A_640 = vector.shape_cast %parallel_loop3A_639 : vector<1x16xf32> to vector<16xf32>
            %parallel_loop3A_641 = arith.index_cast %parallel_loop3A_564 : i32 to index
            %parallel_loop3A_642 = arith.constant 80 : index
            %parallel_loop3A_643 = tpu.vector_load %arg16[%parallel_loop3A_641, %parallel_loop3A_642] {strides = array<i32>} : memref<200x128xf32, #tpu.memory_space<vmem>>, vector<1x16xf32>,
            %parallel_loop3A_644 = vector.shape_cast %parallel_loop3A_643 : vector<1x16xf32> to vector<16xf32>
            %parallel_loop3A_645 = arith.addf %parallel_loop3A_640, %parallel_loop3A_644 : vector<16xf32>
            %parallel_loop3A_646 = arith.constant 0.000000e+00 : f32
            %parallel_loop3A_647 = vector.broadcast %parallel_loop3A_646 : f32 to vector<16xf32>
            %parallel_loop3A_648 = arith.maximumf %parallel_loop3A_645, %parallel_loop3A_647 : vector<16xf32>
            %parallel_loop3A_649 = arith.mulf %parallel_loop3A_648, %get3A_52 : vector<16xf32>
            %parallel_loop3A_650 = arith.addf %parallel_loop3A_636, %parallel_loop3A_649 : vector<16xf32>
            %parallel_loop3A_651 = arith.index_cast %parallel_loop3A_564 : i32 to index
            %parallel_loop3A_652 = arith.constant 96 : index
            %parallel_loop3A_653 = tpu.vector_load %arg15[%parallel_loop3A_651, %parallel_loop3A_652] {strides = array<i32>} : memref<200x128xf32, #tpu.memory_space<vmem>>, vector<1x16xf32>,
            %parallel_loop3A_654 = vector.shape_cast %parallel_loop3A_653 : vector<1x16xf32> to vector<16xf32>
            %parallel_loop3A_655 = arith.index_cast %parallel_loop3A_564 : i32 to index
            %parallel_loop3A_656 = arith.constant 96 : index
            %parallel_loop3A_657 = tpu.vector_load %arg16[%parallel_loop3A_655, %parallel_loop3A_656] {strides = array<i32>} : memref<200x128xf32, #tpu.memory_space<vmem>>, vector<1x16xf32>,
            %parallel_loop3A_658 = vector.shape_cast %parallel_loop3A_657 : vector<1x16xf32> to vector<16xf32>
            %parallel_loop3A_659 = arith.addf %parallel_loop3A_654, %parallel_loop3A_658 : vector<16xf32>
            %parallel_loop3A_660 = arith.constant 0.000000e+00 : f32
            %parallel_loop3A_661 = vector.broadcast %parallel_loop3A_660 : f32 to vector<16xf32>
            %parallel_loop3A_662 = arith.maximumf %parallel_loop3A_659, %parallel_loop3A_661 : vector<16xf32>
            %parallel_loop3A_663 = arith.mulf %parallel_loop3A_662, %get3A_55 : vector<16xf32>
            %parallel_loop3A_664 = arith.addf %parallel_loop3A_650, %parallel_loop3A_663 : vector<16xf32>
            %parallel_loop3A_665 = arith.index_cast %parallel_loop3A_564 : i32 to index
            %parallel_loop3A_666 = arith.constant 112 : index
            %parallel_loop3A_667 = tpu.vector_load %arg15[%parallel_loop3A_665, %parallel_loop3A_666] {strides = array<i32>} : memref<200x128xf32, #tpu.memory_space<vmem>>, vector<1x16xf32>,
            %parallel_loop3A_668 = vector.shape_cast %parallel_loop3A_667 : vector<1x16xf32> to vector<16xf32>
            %parallel_loop3A_669 = arith.index_cast %parallel_loop3A_564 : i32 to index
            %parallel_loop3A_670 = arith.constant 112 : index
            %parallel_loop3A_671 = tpu.vector_load %arg16[%parallel_loop3A_669, %parallel_loop3A_670] {strides = array<i32>} : memref<200x128xf32, #tpu.memory_space<vmem>>, vector<1x16xf32>,
            %parallel_loop3A_672 = vector.shape_cast %parallel_loop3A_671 : vector<1x16xf32> to vector<16xf32>
            %parallel_loop3A_673 = arith.addf %parallel_loop3A_668, %parallel_loop3A_672 : vector<16xf32>
            %parallel_loop3A_674 = arith.constant 0.000000e+00 : f32
            %parallel_loop3A_675 = vector.broadcast %parallel_loop3A_674 : f32 to vector<16xf32>
            %parallel_loop3A_676 = arith.maximumf %parallel_loop3A_673, %parallel_loop3A_675 : vector<16xf32>
            %parallel_loop3A_677 = arith.mulf %parallel_loop3A_676, %get3A_58 : vector<16xf32>
            %parallel_loop3A_678 = arith.addf %parallel_loop3A_664, %parallel_loop3A_677 : vector<16xf32>
            %parallel_loop3A_679 = arith.index_cast %parallel_loop3A_563 : i32 to index
            %parallel_loop3A_680 = arith.constant 0 : index
            %parallel_loop3A_681 = tpu.vector_load %arg19[%parallel_loop3A_679, %parallel_loop3A_680] {strides = array<i32>} : memref<16x16xf32, #tpu.memory_space<vmem>>, vector<1x16xf32>,
            %parallel_loop3A_682 = vector.shape_cast %parallel_loop3A_681 : vector<1x16xf32> to vector<16xf32>
            %parallel_loop3A_683 = vector.shape_cast %parallel_loop3A_678 : vector<16xf32> to vector<1x16xf32>
            tpu.vector_store %arg19[%parallel_loop3A_679, %parallel_loop3A_680], %parallel_loop3A_683 {strides = array<i32>} : memref<16x16xf32, #tpu.memory_space<vmem>>, vector<1x16xf32>,
          } {sc.loop_unroll_factor = 4 : i64, sc.parallel_access}
          %get3A_130 = arith.constant 0 : i32
          %get3A_131 = arith.index_cast %get3A_130 : i32 to index
          %get3A_132 = arith.constant 0 : index
          %get3A_133 = tpu.vector_load %arg19[%get3A_131, %get3A_132] {strides = array<i32>} : memref<16x16xf32, #tpu.memory_space<vmem>>, vector<1x16xf32>,
          %get3A_134 = vector.shape_cast %get3A_133 : vector<1x16xf32> to vector<16xf32>
          %get3A_135 = arith.constant 1 : i32
          %get3A_136 = arith.index_cast %get3A_135 : i32 to index
          %get3A_137 = arith.constant 0 : index
          %get3A_138 = tpu.vector_load %arg19[%get3A_136, %get3A_137] {strides = array<i32>} : memref<16x16xf32, #tpu.memory_space<vmem>>, vector<1x16xf32>,
          %get3A_139 = vector.shape_cast %get3A_138 : vector<1x16xf32> to vector<16xf32>
          %lt3A_140 = arith.constant 0 : i32
          %lt3A_141 = vector.broadcast %lt3A_140 : i32 to vector<16xi32>
          %lt3A_142 = arith.cmpi slt, %xor3A_4, %lt3A_141 : vector<16xi32>
          %add3A_143 = arith.constant 16 : i32
          %add3A_144 = vector.broadcast %add3A_143 : i32 to vector<16xi32>
          %add3A_145 = arith.addi %xor3A_4, %add3A_144 : vector<16xi32>
          %select_n3A = arith.select %lt3A_142, %add3A_145, %xor3A_4 : vector<16xi1>, vector<16xi32>
          %broadcast_in_dim3A = vector.shape_cast %select_n3A : vector<16xi32> to vector<16x1xi32>
          %gather3A = vector.shape_cast %broadcast_in_dim3A : vector<16x1xi32> to vector<16xi32>
          %gather3A_146 = tpu.dynamic_gather %get3A_134[%gather3A] in [0] : vector<16xf32>, vector<16xi32> -> vector<16xf32>
          %lt3A_147 = arith.constant 0 : i32
          %lt3A_148 = vector.broadcast %lt3A_147 : i32 to vector<16xi32>
          %lt3A_149 = arith.cmpi slt, %xor3A_4, %lt3A_148 : vector<16xi32>
          %add3A_150 = arith.constant 16 : i32
          %add3A_151 = vector.broadcast %add3A_150 : i32 to vector<16xi32>
          %add3A_152 = arith.addi %xor3A_4, %add3A_151 : vector<16xi32>
          %select_n3A_153 = arith.select %lt3A_149, %add3A_152, %xor3A_4 : vector<16xi1>, vector<16xi32>
          %broadcast_in_dim3A_154 = vector.shape_cast %select_n3A_153 : vector<16xi32> to vector<16x1xi32>
          %gather3A_155 = vector.shape_cast %broadcast_in_dim3A_154 : vector<16x1xi32> to vector<16xi32>
          %gather3A_156 = tpu.dynamic_gather %get3A_139[%gather3A_155] in [0] : vector<16xf32>, vector<16xi32> -> vector<16xf32>
          %add3A_157 = arith.addf %get3A_134, %gather3A_146 : vector<16xf32>
          %add3A_158 = arith.addf %get3A_139, %gather3A_156 : vector<16xf32>
          %select_n3A_159 = arith.select %eq3A_8, %add3A_157, %add3A_158 : vector<16xi1>, vector<16xf32>
          %get3A_160 = arith.constant 2 : i32
          %get3A_161 = arith.index_cast %get3A_160 : i32 to index
          %get3A_162 = arith.constant 0 : index
          %get3A_163 = tpu.vector_load %arg19[%get3A_161, %get3A_162] {strides = array<i32>} : memref<16x16xf32, #tpu.memory_space<vmem>>, vector<1x16xf32>,
          %get3A_164 = vector.shape_cast %get3A_163 : vector<1x16xf32> to vector<16xf32>
          %get3A_165 = arith.constant 3 : i32
          %get3A_166 = arith.index_cast %get3A_165 : i32 to index
          %get3A_167 = arith.constant 0 : index
          %get3A_168 = tpu.vector_load %arg19[%get3A_166, %get3A_167] {strides = array<i32>} : memref<16x16xf32, #tpu.memory_space<vmem>>, vector<1x16xf32>,
          %get3A_169 = vector.shape_cast %get3A_168 : vector<1x16xf32> to vector<16xf32>
          %lt3A_170 = arith.constant 0 : i32
          %lt3A_171 = vector.broadcast %lt3A_170 : i32 to vector<16xi32>
          %lt3A_172 = arith.cmpi slt, %xor3A_4, %lt3A_171 : vector<16xi32>
          %add3A_173 = arith.constant 16 : i32
          %add3A_174 = vector.broadcast %add3A_173 : i32 to vector<16xi32>
          %add3A_175 = arith.addi %xor3A_4, %add3A_174 : vector<16xi32>
          %select_n3A_176 = arith.select %lt3A_172, %add3A_175, %xor3A_4 : vector<16xi1>, vector<16xi32>
          %broadcast_in_dim3A_177 = vector.shape_cast %select_n3A_176 : vector<16xi32> to vector<16x1xi32>
          %gather3A_178 = vector.shape_cast %broadcast_in_dim3A_177 : vector<16x1xi32> to vector<16xi32>
          %gather3A_179 = tpu.dynamic_gather %get3A_164[%gather3A_178] in [0] : vector<16xf32>, vector<16xi32> -> vector<16xf32>
          %lt3A_180 = arith.constant 0 : i32
          %lt3A_181 = vector.broadcast %lt3A_180 : i32 to vector<16xi32>
          %lt3A_182 = arith.cmpi slt, %xor3A_4, %lt3A_181 : vector<16xi32>
          %add3A_183 = arith.constant 16 : i32
          %add3A_184 = vector.broadcast %add3A_183 : i32 to vector<16xi32>
          %add3A_185 = arith.addi %xor3A_4, %add3A_184 : vector<16xi32>
          %select_n3A_186 = arith.select %lt3A_182, %add3A_185, %xor3A_4 : vector<16xi1>, vector<16xi32>
          %broadcast_in_dim3A_187 = vector.shape_cast %select_n3A_186 : vector<16xi32> to vector<16x1xi32>
          %gather3A_188 = vector.shape_cast %broadcast_in_dim3A_187 : vector<16x1xi32> to vector<16xi32>
          %gather3A_189 = tpu.dynamic_gather %get3A_169[%gather3A_188] in [0] : vector<16xf32>, vector<16xi32> -> vector<16xf32>
          %add3A_190 = arith.addf %get3A_164, %gather3A_179 : vector<16xf32>
          %add3A_191 = arith.addf %get3A_169, %gather3A_189 : vector<16xf32>
          %select_n3A_192 = arith.select %eq3A_8, %add3A_190, %add3A_191 : vector<16xi1>, vector<16xf32>
          %lt3A_193 = arith.constant 0 : i32
          %lt3A_194 = vector.broadcast %lt3A_193 : i32 to vector<16xi32>
          %lt3A_195 = arith.cmpi slt, %xor3A_11, %lt3A_194 : vector<16xi32>
          %add3A_196 = arith.constant 16 : i32
          %add3A_197 = vector.broadcast %add3A_196 : i32 to vector<16xi32>
          %add3A_198 = arith.addi %xor3A_11, %add3A_197 : vector<16xi32>
          %select_n3A_199 = arith.select %lt3A_195, %add3A_198, %xor3A_11 : vector<16xi1>, vector<16xi32>
          %broadcast_in_dim3A_200 = vector.shape_cast %select_n3A_199 : vector<16xi32> to vector<16x1xi32>
          %gather3A_201 = vector.shape_cast %broadcast_in_dim3A_200 : vector<16x1xi32> to vector<16xi32>
          %gather3A_202 = tpu.dynamic_gather %select_n3A_159[%gather3A_201] in [0] : vector<16xf32>, vector<16xi32> -> vector<16xf32>
          %lt3A_203 = arith.constant 0 : i32
          %lt3A_204 = vector.broadcast %lt3A_203 : i32 to vector<16xi32>
          %lt3A_205 = arith.cmpi slt, %xor3A_11, %lt3A_204 : vector<16xi32>
          %add3A_206 = arith.constant 16 : i32
          %add3A_207 = vector.broadcast %add3A_206 : i32 to vector<16xi32>
          %add3A_208 = arith.addi %xor3A_11, %add3A_207 : vector<16xi32>
          %select_n3A_209 = arith.select %lt3A_205, %add3A_208, %xor3A_11 : vector<16xi1>, vector<16xi32>
          %broadcast_in_dim3A_210 = vector.shape_cast %select_n3A_209 : vector<16xi32> to vector<16x1xi32>
          %gather3A_211 = vector.shape_cast %broadcast_in_dim3A_210 : vector<16x1xi32> to vector<16xi32>
          %gather3A_212 = tpu.dynamic_gather %select_n3A_192[%gather3A_211] in [0] : vector<16xf32>, vector<16xi32> -> vector<16xf32>
          %add3A_213 = arith.addf %select_n3A_159, %gather3A_202 : vector<16xf32>
          %add3A_214 = arith.addf %select_n3A_192, %gather3A_212 : vector<16xf32>
          %select_n3A_215 = arith.select %eq3A_17, %add3A_213, %add3A_214 : vector<16xi1>, vector<16xf32>
          %get3A_216 = arith.constant 4 : i32
          %get3A_217 = arith.index_cast %get3A_216 : i32 to index
          %get3A_218 = arith.constant 0 : index
          %get3A_219 = tpu.vector_load %arg19[%get3A_217, %get3A_218] {strides = array<i32>} : memref<16x16xf32, #tpu.memory_space<vmem>>, vector<1x16xf32>,
          %get3A_220 = vector.shape_cast %get3A_219 : vector<1x16xf32> to vector<16xf32>
          %get3A_221 = arith.constant 5 : i32
          %get3A_222 = arith.index_cast %get3A_221 : i32 to index
          %get3A_223 = arith.constant 0 : index
          %get3A_224 = tpu.vector_load %arg19[%get3A_222, %get3A_223] {strides = array<i32>} : memref<16x16xf32, #tpu.memory_space<vmem>>, vector<1x16xf32>,
          %get3A_225 = vector.shape_cast %get3A_224 : vector<1x16xf32> to vector<16xf32>
          %lt3A_226 = arith.constant 0 : i32
          %lt3A_227 = vector.broadcast %lt3A_226 : i32 to vector<16xi32>
          %lt3A_228 = arith.cmpi slt, %xor3A_4, %lt3A_227 : vector<16xi32>
          %add3A_229 = arith.constant 16 : i32
          %add3A_230 = vector.broadcast %add3A_229 : i32 to vector<16xi32>
          %add3A_231 = arith.addi %xor3A_4, %add3A_230 : vector<16xi32>
          %select_n3A_232 = arith.select %lt3A_228, %add3A_231, %xor3A_4 : vector<16xi1>, vector<16xi32>
          %broadcast_in_dim3A_233 = vector.shape_cast %select_n3A_232 : vector<16xi32> to vector<16x1xi32>
          %gather3A_234 = vector.shape_cast %broadcast_in_dim3A_233 : vector<16x1xi32> to vector<16xi32>
          %gather3A_235 = tpu.dynamic_gather %get3A_220[%gather3A_234] in [0] : vector<16xf32>, vector<16xi32> -> vector<16xf32>
          %lt3A_236 = arith.constant 0 : i32
          %lt3A_237 = vector.broadcast %lt3A_236 : i32 to vector<16xi32>
          %lt3A_238 = arith.cmpi slt, %xor3A_4, %lt3A_237 : vector<16xi32>
          %add3A_239 = arith.constant 16 : i32
          %add3A_240 = vector.broadcast %add3A_239 : i32 to vector<16xi32>
          %add3A_241 = arith.addi %xor3A_4, %add3A_240 : vector<16xi32>
          %select_n3A_242 = arith.select %lt3A_238, %add3A_241, %xor3A_4 : vector<16xi1>, vector<16xi32>
          %broadcast_in_dim3A_243 = vector.shape_cast %select_n3A_242 : vector<16xi32> to vector<16x1xi32>
          %gather3A_244 = vector.shape_cast %broadcast_in_dim3A_243 : vector<16x1xi32> to vector<16xi32>
          %gather3A_245 = tpu.dynamic_gather %get3A_225[%gather3A_244] in [0] : vector<16xf32>, vector<16xi32> -> vector<16xf32>
          %add3A_246 = arith.addf %get3A_220, %gather3A_235 : vector<16xf32>
          %add3A_247 = arith.addf %get3A_225, %gather3A_245 : vector<16xf32>
          %select_n3A_248 = arith.select %eq3A_8, %add3A_246, %add3A_247 : vector<16xi1>, vector<16xf32>
          %get3A_249 = arith.constant 6 : i32
          %get3A_250 = arith.index_cast %get3A_249 : i32 to index
          %get3A_251 = arith.constant 0 : index
          %get3A_252 = tpu.vector_load %arg19[%get3A_250, %get3A_251] {strides = array<i32>} : memref<16x16xf32, #tpu.memory_space<vmem>>, vector<1x16xf32>,
          %get3A_253 = vector.shape_cast %get3A_252 : vector<1x16xf32> to vector<16xf32>
          %get3A_254 = arith.constant 7 : i32
          %get3A_255 = arith.index_cast %get3A_254 : i32 to index
          %get3A_256 = arith.constant 0 : index
          %get3A_257 = tpu.vector_load %arg19[%get3A_255, %get3A_256] {strides = array<i32>} : memref<16x16xf32, #tpu.memory_space<vmem>>, vector<1x16xf32>,
          %get3A_258 = vector.shape_cast %get3A_257 : vector<1x16xf32> to vector<16xf32>
          %lt3A_259 = arith.constant 0 : i32
          %lt3A_260 = vector.broadcast %lt3A_259 : i32 to vector<16xi32>
          %lt3A_261 = arith.cmpi slt, %xor3A_4, %lt3A_260 : vector<16xi32>
          %add3A_262 = arith.constant 16 : i32
          %add3A_263 = vector.broadcast %add3A_262 : i32 to vector<16xi32>
          %add3A_264 = arith.addi %xor3A_4, %add3A_263 : vector<16xi32>
          %select_n3A_265 = arith.select %lt3A_261, %add3A_264, %xor3A_4 : vector<16xi1>, vector<16xi32>
          %broadcast_in_dim3A_266 = vector.shape_cast %select_n3A_265 : vector<16xi32> to vector<16x1xi32>
          %gather3A_267 = vector.shape_cast %broadcast_in_dim3A_266 : vector<16x1xi32> to vector<16xi32>
          %gather3A_268 = tpu.dynamic_gather %get3A_253[%gather3A_267] in [0] : vector<16xf32>, vector<16xi32> -> vector<16xf32>
          %lt3A_269 = arith.constant 0 : i32
          %lt3A_270 = vector.broadcast %lt3A_269 : i32 to vector<16xi32>
          %lt3A_271 = arith.cmpi slt, %xor3A_4, %lt3A_270 : vector<16xi32>
          %add3A_272 = arith.constant 16 : i32
          %add3A_273 = vector.broadcast %add3A_272 : i32 to vector<16xi32>
          %add3A_274 = arith.addi %xor3A_4, %add3A_273 : vector<16xi32>
          %select_n3A_275 = arith.select %lt3A_271, %add3A_274, %xor3A_4 : vector<16xi1>, vector<16xi32>
          %broadcast_in_dim3A_276 = vector.shape_cast %select_n3A_275 : vector<16xi32> to vector<16x1xi32>
          %gather3A_277 = vector.shape_cast %broadcast_in_dim3A_276 : vector<16x1xi32> to vector<16xi32>
          %gather3A_278 = tpu.dynamic_gather %get3A_258[%gather3A_277] in [0] : vector<16xf32>, vector<16xi32> -> vector<16xf32>
          %add3A_279 = arith.addf %get3A_253, %gather3A_268 : vector<16xf32>
          %add3A_280 = arith.addf %get3A_258, %gather3A_278 : vector<16xf32>
          %select_n3A_281 = arith.select %eq3A_8, %add3A_279, %add3A_280 : vector<16xi1>, vector<16xf32>
          %lt3A_282 = arith.constant 0 : i32
          %lt3A_283 = vector.broadcast %lt3A_282 : i32 to vector<16xi32>
          %lt3A_284 = arith.cmpi slt, %xor3A_11, %lt3A_283 : vector<16xi32>
          %add3A_285 = arith.constant 16 : i32
          %add3A_286 = vector.broadcast %add3A_285 : i32 to vector<16xi32>
          %add3A_287 = arith.addi %xor3A_11, %add3A_286 : vector<16xi32>
          %select_n3A_288 = arith.select %lt3A_284, %add3A_287, %xor3A_11 : vector<16xi1>, vector<16xi32>
          %broadcast_in_dim3A_289 = vector.shape_cast %select_n3A_288 : vector<16xi32> to vector<16x1xi32>
          %gather3A_290 = vector.shape_cast %broadcast_in_dim3A_289 : vector<16x1xi32> to vector<16xi32>
          %gather3A_291 = tpu.dynamic_gather %select_n3A_248[%gather3A_290] in [0] : vector<16xf32>, vector<16xi32> -> vector<16xf32>
          %lt3A_292 = arith.constant 0 : i32
          %lt3A_293 = vector.broadcast %lt3A_292 : i32 to vector<16xi32>
          %lt3A_294 = arith.cmpi slt, %xor3A_11, %lt3A_293 : vector<16xi32>
          %add3A_295 = arith.constant 16 : i32
          %add3A_296 = vector.broadcast %add3A_295 : i32 to vector<16xi32>
          %add3A_297 = arith.addi %xor3A_11, %add3A_296 : vector<16xi32>
          %select_n3A_298 = arith.select %lt3A_294, %add3A_297, %xor3A_11 : vector<16xi1>, vector<16xi32>
          %broadcast_in_dim3A_299 = vector.shape_cast %select_n3A_298 : vector<16xi32> to vector<16x1xi32>
          %gather3A_300 = vector.shape_cast %broadcast_in_dim3A_299 : vector<16x1xi32> to vector<16xi32>
          %gather3A_301 = tpu.dynamic_gather %select_n3A_281[%gather3A_300] in [0] : vector<16xf32>, vector<16xi32> -> vector<16xf32>
          %add3A_302 = arith.addf %select_n3A_248, %gather3A_291 : vector<16xf32>
          %add3A_303 = arith.addf %select_n3A_281, %gather3A_301 : vector<16xf32>
          %select_n3A_304 = arith.select %eq3A_17, %add3A_302, %add3A_303 : vector<16xi1>, vector<16xf32>
          %lt3A_305 = arith.constant 0 : i32
          %lt3A_306 = vector.broadcast %lt3A_305 : i32 to vector<16xi32>
          %lt3A_307 = arith.cmpi slt, %xor3A_20, %lt3A_306 : vector<16xi32>
          %add3A_308 = arith.constant 16 : i32
          %add3A_309 = vector.broadcast %add3A_308 : i32 to vector<16xi32>
          %add3A_310 = arith.addi %xor3A_20, %add3A_309 : vector<16xi32>
          %select_n3A_311 = arith.select %lt3A_307, %add3A_310, %xor3A_20 : vector<16xi1>, vector<16xi32>
          %broadcast_in_dim3A_312 = vector.shape_cast %select_n3A_311 : vector<16xi32> to vector<16x1xi32>
          %gather3A_313 = vector.shape_cast %broadcast_in_dim3A_312 : vector<16x1xi32> to vector<16xi32>
          %gather3A_314 = tpu.dynamic_gather %select_n3A_215[%gather3A_313] in [0] : vector<16xf32>, vector<16xi32> -> vector<16xf32>
          %lt3A_315 = arith.constant 0 : i32
          %lt3A_316 = vector.broadcast %lt3A_315 : i32 to vector<16xi32>
          %lt3A_317 = arith.cmpi slt, %xor3A_20, %lt3A_316 : vector<16xi32>
          %add3A_318 = arith.constant 16 : i32
          %add3A_319 = vector.broadcast %add3A_318 : i32 to vector<16xi32>
          %add3A_320 = arith.addi %xor3A_20, %add3A_319 : vector<16xi32>
          %select_n3A_321 = arith.select %lt3A_317, %add3A_320, %xor3A_20 : vector<16xi1>, vector<16xi32>
          %broadcast_in_dim3A_322 = vector.shape_cast %select_n3A_321 : vector<16xi32> to vector<16x1xi32>
          %gather3A_323 = vector.shape_cast %broadcast_in_dim3A_322 : vector<16x1xi32> to vector<16xi32>
          %gather3A_324 = tpu.dynamic_gather %select_n3A_304[%gather3A_323] in [0] : vector<16xf32>, vector<16xi32> -> vector<16xf32>
          %add3A_325 = arith.addf %select_n3A_215, %gather3A_314 : vector<16xf32>
          %add3A_326 = arith.addf %select_n3A_304, %gather3A_324 : vector<16xf32>
          %select_n3A_327 = arith.select %eq3A_26, %add3A_325, %add3A_326 : vector<16xi1>, vector<16xf32>
          %get3A_328 = arith.constant 8 : i32
          %get3A_329 = arith.index_cast %get3A_328 : i32 to index
          %get3A_330 = arith.constant 0 : index
          %get3A_331 = tpu.vector_load %arg19[%get3A_329, %get3A_330] {strides = array<i32>} : memref<16x16xf32, #tpu.memory_space<vmem>>, vector<1x16xf32>,
          %get3A_332 = vector.shape_cast %get3A_331 : vector<1x16xf32> to vector<16xf32>
          %get3A_333 = arith.constant 9 : i32
          %get3A_334 = arith.index_cast %get3A_333 : i32 to index
          %get3A_335 = arith.constant 0 : index
          %get3A_336 = tpu.vector_load %arg19[%get3A_334, %get3A_335] {strides = array<i32>} : memref<16x16xf32, #tpu.memory_space<vmem>>, vector<1x16xf32>,
          %get3A_337 = vector.shape_cast %get3A_336 : vector<1x16xf32> to vector<16xf32>
          %lt3A_338 = arith.constant 0 : i32
          %lt3A_339 = vector.broadcast %lt3A_338 : i32 to vector<16xi32>
          %lt3A_340 = arith.cmpi slt, %xor3A_4, %lt3A_339 : vector<16xi32>
          %add3A_341 = arith.constant 16 : i32
          %add3A_342 = vector.broadcast %add3A_341 : i32 to vector<16xi32>
          %add3A_343 = arith.addi %xor3A_4, %add3A_342 : vector<16xi32>
          %select_n3A_344 = arith.select %lt3A_340, %add3A_343, %xor3A_4 : vector<16xi1>, vector<16xi32>
          %broadcast_in_dim3A_345 = vector.shape_cast %select_n3A_344 : vector<16xi32> to vector<16x1xi32>
          %gather3A_346 = vector.shape_cast %broadcast_in_dim3A_345 : vector<16x1xi32> to vector<16xi32>
          %gather3A_347 = tpu.dynamic_gather %get3A_332[%gather3A_346] in [0] : vector<16xf32>, vector<16xi32> -> vector<16xf32>
          %lt3A_348 = arith.constant 0 : i32
          %lt3A_349 = vector.broadcast %lt3A_348 : i32 to vector<16xi32>
          %lt3A_350 = arith.cmpi slt, %xor3A_4, %lt3A_349 : vector<16xi32>
          %add3A_351 = arith.constant 16 : i32
          %add3A_352 = vector.broadcast %add3A_351 : i32 to vector<16xi32>
          %add3A_353 = arith.addi %xor3A_4, %add3A_352 : vector<16xi32>
          %select_n3A_354 = arith.select %lt3A_350, %add3A_353, %xor3A_4 : vector<16xi1>, vector<16xi32>
          %broadcast_in_dim3A_355 = vector.shape_cast %select_n3A_354 : vector<16xi32> to vector<16x1xi32>
          %gather3A_356 = vector.shape_cast %broadcast_in_dim3A_355 : vector<16x1xi32> to vector<16xi32>
          %gather3A_357 = tpu.dynamic_gather %get3A_337[%gather3A_356] in [0] : vector<16xf32>, vector<16xi32> -> vector<16xf32>
          %add3A_358 = arith.addf %get3A_332, %gather3A_347 : vector<16xf32>
          %add3A_359 = arith.addf %get3A_337, %gather3A_357 : vector<16xf32>
          %select_n3A_360 = arith.select %eq3A_8, %add3A_358, %add3A_359 : vector<16xi1>, vector<16xf32>
          %get3A_361 = arith.constant 10 : i32
          %get3A_362 = arith.index_cast %get3A_361 : i32 to index
          %get3A_363 = arith.constant 0 : index
          %get3A_364 = tpu.vector_load %arg19[%get3A_362, %get3A_363] {strides = array<i32>} : memref<16x16xf32, #tpu.memory_space<vmem>>, vector<1x16xf32>,
          %get3A_365 = vector.shape_cast %get3A_364 : vector<1x16xf32> to vector<16xf32>
          %get3A_366 = arith.constant 11 : i32
          %get3A_367 = arith.index_cast %get3A_366 : i32 to index
          %get3A_368 = arith.constant 0 : index
          %get3A_369 = tpu.vector_load %arg19[%get3A_367, %get3A_368] {strides = array<i32>} : memref<16x16xf32, #tpu.memory_space<vmem>>, vector<1x16xf32>,
          %get3A_370 = vector.shape_cast %get3A_369 : vector<1x16xf32> to vector<16xf32>
          %lt3A_371 = arith.constant 0 : i32
          %lt3A_372 = vector.broadcast %lt3A_371 : i32 to vector<16xi32>
          %lt3A_373 = arith.cmpi slt, %xor3A_4, %lt3A_372 : vector<16xi32>
          %add3A_374 = arith.constant 16 : i32
          %add3A_375 = vector.broadcast %add3A_374 : i32 to vector<16xi32>
          %add3A_376 = arith.addi %xor3A_4, %add3A_375 : vector<16xi32>
          %select_n3A_377 = arith.select %lt3A_373, %add3A_376, %xor3A_4 : vector<16xi1>, vector<16xi32>
          %broadcast_in_dim3A_378 = vector.shape_cast %select_n3A_377 : vector<16xi32> to vector<16x1xi32>
          %gather3A_379 = vector.shape_cast %broadcast_in_dim3A_378 : vector<16x1xi32> to vector<16xi32>
          %gather3A_380 = tpu.dynamic_gather %get3A_365[%gather3A_379] in [0] : vector<16xf32>, vector<16xi32> -> vector<16xf32>
          %lt3A_381 = arith.constant 0 : i32
          %lt3A_382 = vector.broadcast %lt3A_381 : i32 to vector<16xi32>
          %lt3A_383 = arith.cmpi slt, %xor3A_4, %lt3A_382 : vector<16xi32>
          %add3A_384 = arith.constant 16 : i32
          %add3A_385 = vector.broadcast %add3A_384 : i32 to vector<16xi32>
          %add3A_386 = arith.addi %xor3A_4, %add3A_385 : vector<16xi32>
          %select_n3A_387 = arith.select %lt3A_383, %add3A_386, %xor3A_4 : vector<16xi1>, vector<16xi32>
          %broadcast_in_dim3A_388 = vector.shape_cast %select_n3A_387 : vector<16xi32> to vector<16x1xi32>
          %gather3A_389 = vector.shape_cast %broadcast_in_dim3A_388 : vector<16x1xi32> to vector<16xi32>
          %gather3A_390 = tpu.dynamic_gather %get3A_370[%gather3A_389] in [0] : vector<16xf32>, vector<16xi32> -> vector<16xf32>
          %add3A_391 = arith.addf %get3A_365, %gather3A_380 : vector<16xf32>
          %add3A_392 = arith.addf %get3A_370, %gather3A_390 : vector<16xf32>
          %select_n3A_393 = arith.select %eq3A_8, %add3A_391, %add3A_392 : vector<16xi1>, vector<16xf32>
          %lt3A_394 = arith.constant 0 : i32
          %lt3A_395 = vector.broadcast %lt3A_394 : i32 to vector<16xi32>
          %lt3A_396 = arith.cmpi slt, %xor3A_11, %lt3A_395 : vector<16xi32>
          %add3A_397 = arith.constant 16 : i32
          %add3A_398 = vector.broadcast %add3A_397 : i32 to vector<16xi32>
          %add3A_399 = arith.addi %xor3A_11, %add3A_398 : vector<16xi32>
          %select_n3A_400 = arith.select %lt3A_396, %add3A_399, %xor3A_11 : vector<16xi1>, vector<16xi32>
          %broadcast_in_dim3A_401 = vector.shape_cast %select_n3A_400 : vector<16xi32> to vector<16x1xi32>
          %gather3A_402 = vector.shape_cast %broadcast_in_dim3A_401 : vector<16x1xi32> to vector<16xi32>
          %gather3A_403 = tpu.dynamic_gather %select_n3A_360[%gather3A_402] in [0] : vector<16xf32>, vector<16xi32> -> vector<16xf32>
          %lt3A_404 = arith.constant 0 : i32
          %lt3A_405 = vector.broadcast %lt3A_404 : i32 to vector<16xi32>
          %lt3A_406 = arith.cmpi slt, %xor3A_11, %lt3A_405 : vector<16xi32>
          %add3A_407 = arith.constant 16 : i32
          %add3A_408 = vector.broadcast %add3A_407 : i32 to vector<16xi32>
          %add3A_409 = arith.addi %xor3A_11, %add3A_408 : vector<16xi32>
          %select_n3A_410 = arith.select %lt3A_406, %add3A_409, %xor3A_11 : vector<16xi1>, vector<16xi32>
          %broadcast_in_dim3A_411 = vector.shape_cast %select_n3A_410 : vector<16xi32> to vector<16x1xi32>
          %gather3A_412 = vector.shape_cast %broadcast_in_dim3A_411 : vector<16x1xi32> to vector<16xi32>
          %gather3A_413 = tpu.dynamic_gather %select_n3A_393[%gather3A_412] in [0] : vector<16xf32>, vector<16xi32> -> vector<16xf32>
          %add3A_414 = arith.addf %select_n3A_360, %gather3A_403 : vector<16xf32>
          %add3A_415 = arith.addf %select_n3A_393, %gather3A_413 : vector<16xf32>
          %select_n3A_416 = arith.select %eq3A_17, %add3A_414, %add3A_415 : vector<16xi1>, vector<16xf32>
          %get3A_417 = arith.constant 12 : i32
          %get3A_418 = arith.index_cast %get3A_417 : i32 to index
          %get3A_419 = arith.constant 0 : index
          %get3A_420 = tpu.vector_load %arg19[%get3A_418, %get3A_419] {strides = array<i32>} : memref<16x16xf32, #tpu.memory_space<vmem>>, vector<1x16xf32>,
          %get3A_421 = vector.shape_cast %get3A_420 : vector<1x16xf32> to vector<16xf32>
          %get3A_422 = arith.constant 13 : i32
          %get3A_423 = arith.index_cast %get3A_422 : i32 to index
          %get3A_424 = arith.constant 0 : index
          %get3A_425 = tpu.vector_load %arg19[%get3A_423, %get3A_424] {strides = array<i32>} : memref<16x16xf32, #tpu.memory_space<vmem>>, vector<1x16xf32>,
          %get3A_426 = vector.shape_cast %get3A_425 : vector<1x16xf32> to vector<16xf32>
          %lt3A_427 = arith.constant 0 : i32
          %lt3A_428 = vector.broadcast %lt3A_427 : i32 to vector<16xi32>
          %lt3A_429 = arith.cmpi slt, %xor3A_4, %lt3A_428 : vector<16xi32>
          %add3A_430 = arith.constant 16 : i32
          %add3A_431 = vector.broadcast %add3A_430 : i32 to vector<16xi32>
          %add3A_432 = arith.addi %xor3A_4, %add3A_431 : vector<16xi32>
          %select_n3A_433 = arith.select %lt3A_429, %add3A_432, %xor3A_4 : vector<16xi1>, vector<16xi32>
          %broadcast_in_dim3A_434 = vector.shape_cast %select_n3A_433 : vector<16xi32> to vector<16x1xi32>
          %gather3A_435 = vector.shape_cast %broadcast_in_dim3A_434 : vector<16x1xi32> to vector<16xi32>
          %gather3A_436 = tpu.dynamic_gather %get3A_421[%gather3A_435] in [0] : vector<16xf32>, vector<16xi32> -> vector<16xf32>
          %lt3A_437 = arith.constant 0 : i32
          %lt3A_438 = vector.broadcast %lt3A_437 : i32 to vector<16xi32>
          %lt3A_439 = arith.cmpi slt, %xor3A_4, %lt3A_438 : vector<16xi32>
          %add3A_440 = arith.constant 16 : i32
          %add3A_441 = vector.broadcast %add3A_440 : i32 to vector<16xi32>
          %add3A_442 = arith.addi %xor3A_4, %add3A_441 : vector<16xi32>
          %select_n3A_443 = arith.select %lt3A_439, %add3A_442, %xor3A_4 : vector<16xi1>, vector<16xi32>
          %broadcast_in_dim3A_444 = vector.shape_cast %select_n3A_443 : vector<16xi32> to vector<16x1xi32>
          %gather3A_445 = vector.shape_cast %broadcast_in_dim3A_444 : vector<16x1xi32> to vector<16xi32>
          %gather3A_446 = tpu.dynamic_gather %get3A_426[%gather3A_445] in [0] : vector<16xf32>, vector<16xi32> -> vector<16xf32>
          %add3A_447 = arith.addf %get3A_421, %gather3A_436 : vector<16xf32>
          %add3A_448 = arith.addf %get3A_426, %gather3A_446 : vector<16xf32>
          %select_n3A_449 = arith.select %eq3A_8, %add3A_447, %add3A_448 : vector<16xi1>, vector<16xf32>
          %get3A_450 = arith.constant 14 : i32
          %get3A_451 = arith.index_cast %get3A_450 : i32 to index
          %get3A_452 = arith.constant 0 : index
          %get3A_453 = tpu.vector_load %arg19[%get3A_451, %get3A_452] {strides = array<i32>} : memref<16x16xf32, #tpu.memory_space<vmem>>, vector<1x16xf32>,
          %get3A_454 = vector.shape_cast %get3A_453 : vector<1x16xf32> to vector<16xf32>
          %get3A_455 = arith.constant 15 : i32
          %get3A_456 = arith.index_cast %get3A_455 : i32 to index
          %get3A_457 = arith.constant 0 : index
          %get3A_458 = tpu.vector_load %arg19[%get3A_456, %get3A_457] {strides = array<i32>} : memref<16x16xf32, #tpu.memory_space<vmem>>, vector<1x16xf32>,
          %get3A_459 = vector.shape_cast %get3A_458 : vector<1x16xf32> to vector<16xf32>
          %lt3A_460 = arith.constant 0 : i32
          %lt3A_461 = vector.broadcast %lt3A_460 : i32 to vector<16xi32>
          %lt3A_462 = arith.cmpi slt, %xor3A_4, %lt3A_461 : vector<16xi32>
          %add3A_463 = arith.constant 16 : i32
          %add3A_464 = vector.broadcast %add3A_463 : i32 to vector<16xi32>
          %add3A_465 = arith.addi %xor3A_4, %add3A_464 : vector<16xi32>
          %select_n3A_466 = arith.select %lt3A_462, %add3A_465, %xor3A_4 : vector<16xi1>, vector<16xi32>
          %broadcast_in_dim3A_467 = vector.shape_cast %select_n3A_466 : vector<16xi32> to vector<16x1xi32>
          %gather3A_468 = vector.shape_cast %broadcast_in_dim3A_467 : vector<16x1xi32> to vector<16xi32>
          %gather3A_469 = tpu.dynamic_gather %get3A_454[%gather3A_468] in [0] : vector<16xf32>, vector<16xi32> -> vector<16xf32>
          %lt3A_470 = arith.constant 0 : i32
          %lt3A_471 = vector.broadcast %lt3A_470 : i32 to vector<16xi32>
          %lt3A_472 = arith.cmpi slt, %xor3A_4, %lt3A_471 : vector<16xi32>
          %add3A_473 = arith.constant 16 : i32
          %add3A_474 = vector.broadcast %add3A_473 : i32 to vector<16xi32>
          %add3A_475 = arith.addi %xor3A_4, %add3A_474 : vector<16xi32>
          %select_n3A_476 = arith.select %lt3A_472, %add3A_475, %xor3A_4 : vector<16xi1>, vector<16xi32>
          %broadcast_in_dim3A_477 = vector.shape_cast %select_n3A_476 : vector<16xi32> to vector<16x1xi32>
          %gather3A_478 = vector.shape_cast %broadcast_in_dim3A_477 : vector<16x1xi32> to vector<16xi32>
          %gather3A_479 = tpu.dynamic_gather %get3A_459[%gather3A_478] in [0] : vector<16xf32>, vector<16xi32> -> vector<16xf32>
          %add3A_480 = arith.addf %get3A_454, %gather3A_469 : vector<16xf32>
          %add3A_481 = arith.addf %get3A_459, %gather3A_479 : vector<16xf32>
          %select_n3A_482 = arith.select %eq3A_8, %add3A_480, %add3A_481 : vector<16xi1>, vector<16xf32>
          %lt3A_483 = arith.constant 0 : i32
          %lt3A_484 = vector.broadcast %lt3A_483 : i32 to vector<16xi32>
          %lt3A_485 = arith.cmpi slt, %xor3A_11, %lt3A_484 : vector<16xi32>
          %add3A_486 = arith.constant 16 : i32
          %add3A_487 = vector.broadcast %add3A_486 : i32 to vector<16xi32>
          %add3A_488 = arith.addi %xor3A_11, %add3A_487 : vector<16xi32>
          %select_n3A_489 = arith.select %lt3A_485, %add3A_488, %xor3A_11 : vector<16xi1>, vector<16xi32>
          %broadcast_in_dim3A_490 = vector.shape_cast %select_n3A_489 : vector<16xi32> to vector<16x1xi32>
          %gather3A_491 = vector.shape_cast %broadcast_in_dim3A_490 : vector<16x1xi32> to vector<16xi32>
          %gather3A_492 = tpu.dynamic_gather %select_n3A_449[%gather3A_491] in [0] : vector<16xf32>, vector<16xi32> -> vector<16xf32>
          %lt3A_493 = arith.constant 0 : i32
          %lt3A_494 = vector.broadcast %lt3A_493 : i32 to vector<16xi32>
          %lt3A_495 = arith.cmpi slt, %xor3A_11, %lt3A_494 : vector<16xi32>
          %add3A_496 = arith.constant 16 : i32
          %add3A_497 = vector.broadcast %add3A_496 : i32 to vector<16xi32>
          %add3A_498 = arith.addi %xor3A_11, %add3A_497 : vector<16xi32>
          %select_n3A_499 = arith.select %lt3A_495, %add3A_498, %xor3A_11 : vector<16xi1>, vector<16xi32>
          %broadcast_in_dim3A_500 = vector.shape_cast %select_n3A_499 : vector<16xi32> to vector<16x1xi32>
          %gather3A_501 = vector.shape_cast %broadcast_in_dim3A_500 : vector<16x1xi32> to vector<16xi32>
          %gather3A_502 = tpu.dynamic_gather %select_n3A_482[%gather3A_501] in [0] : vector<16xf32>, vector<16xi32> -> vector<16xf32>
          %add3A_503 = arith.addf %select_n3A_449, %gather3A_492 : vector<16xf32>
          %add3A_504 = arith.addf %select_n3A_482, %gather3A_502 : vector<16xf32>
          %select_n3A_505 = arith.select %eq3A_17, %add3A_503, %add3A_504 : vector<16xi1>, vector<16xf32>
          %lt3A_506 = arith.constant 0 : i32
          %lt3A_507 = vector.broadcast %lt3A_506 : i32 to vector<16xi32>
          %lt3A_508 = arith.cmpi slt, %xor3A_20, %lt3A_507 : vector<16xi32>
          %add3A_509 = arith.constant 16 : i32
          %add3A_510 = vector.broadcast %add3A_509 : i32 to vector<16xi32>
          %add3A_511 = arith.addi %xor3A_20, %add3A_510 : vector<16xi32>
          %select_n3A_512 = arith.select %lt3A_508, %add3A_511, %xor3A_20 : vector<16xi1>, vector<16xi32>
          %broadcast_in_dim3A_513 = vector.shape_cast %select_n3A_512 : vector<16xi32> to vector<16x1xi32>
          %gather3A_514 = vector.shape_cast %broadcast_in_dim3A_513 : vector<16x1xi32> to vector<16xi32>
          %gather3A_515 = tpu.dynamic_gather %select_n3A_416[%gather3A_514] in [0] : vector<16xf32>, vector<16xi32> -> vector<16xf32>
          %lt3A_516 = arith.constant 0 : i32
          %lt3A_517 = vector.broadcast %lt3A_516 : i32 to vector<16xi32>
          %lt3A_518 = arith.cmpi slt, %xor3A_20, %lt3A_517 : vector<16xi32>
          %add3A_519 = arith.constant 16 : i32
          %add3A_520 = vector.broadcast %add3A_519 : i32 to vector<16xi32>
          %add3A_521 = arith.addi %xor3A_20, %add3A_520 : vector<16xi32>
          %select_n3A_522 = arith.select %lt3A_518, %add3A_521, %xor3A_20 : vector<16xi1>, vector<16xi32>
          %broadcast_in_dim3A_523 = vector.shape_cast %select_n3A_522 : vector<16xi32> to vector<16x1xi32>
          %gather3A_524 = vector.shape_cast %broadcast_in_dim3A_523 : vector<16x1xi32> to vector<16xi32>
          %gather3A_525 = tpu.dynamic_gather %select_n3A_505[%gather3A_524] in [0] : vector<16xf32>, vector<16xi32> -> vector<16xf32>
          %add3A_526 = arith.addf %select_n3A_416, %gather3A_515 : vector<16xf32>
          %add3A_527 = arith.addf %select_n3A_505, %gather3A_525 : vector<16xf32>
          %select_n3A_528 = arith.select %eq3A_26, %add3A_526, %add3A_527 : vector<16xi1>, vector<16xf32>
          %lt3A_529 = arith.constant 0 : i32
          %lt3A_530 = vector.broadcast %lt3A_529 : i32 to vector<16xi32>
          %lt3A_531 = arith.cmpi slt, %xor3A_29, %lt3A_530 : vector<16xi32>
          %add3A_532 = arith.constant 16 : i32
          %add3A_533 = vector.broadcast %add3A_532 : i32 to vector<16xi32>
          %add3A_534 = arith.addi %xor3A_29, %add3A_533 : vector<16xi32>
          %select_n3A_535 = arith.select %lt3A_531, %add3A_534, %xor3A_29 : vector<16xi1>, vector<16xi32>
          %broadcast_in_dim3A_536 = vector.shape_cast %select_n3A_535 : vector<16xi32> to vector<16x1xi32>
          %gather3A_537 = vector.shape_cast %broadcast_in_dim3A_536 : vector<16x1xi32> to vector<16xi32>
          %gather3A_538 = tpu.dynamic_gather %select_n3A_327[%gather3A_537] in [0] : vector<16xf32>, vector<16xi32> -> vector<16xf32>
          %lt3A_539 = arith.constant 0 : i32
          %lt3A_540 = vector.broadcast %lt3A_539 : i32 to vector<16xi32>
          %lt3A_541 = arith.cmpi slt, %xor3A_29, %lt3A_540 : vector<16xi32>
          %add3A_542 = arith.constant 16 : i32
          %add3A_543 = vector.broadcast %add3A_542 : i32 to vector<16xi32>
          %add3A_544 = arith.addi %xor3A_29, %add3A_543 : vector<16xi32>
          %select_n3A_545 = arith.select %lt3A_541, %add3A_544, %xor3A_29 : vector<16xi1>, vector<16xi32>
          %broadcast_in_dim3A_546 = vector.shape_cast %select_n3A_545 : vector<16xi32> to vector<16x1xi32>
          %gather3A_547 = vector.shape_cast %broadcast_in_dim3A_546 : vector<16x1xi32> to vector<16xi32>
          %gather3A_548 = tpu.dynamic_gather %select_n3A_528[%gather3A_547] in [0] : vector<16xf32>, vector<16xi32> -> vector<16xf32>
          %add3A_549 = arith.addf %select_n3A_327, %gather3A_538 : vector<16xf32>
          %add3A_550 = arith.addf %select_n3A_528, %gather3A_548 : vector<16xf32>
          %select_n3A_551 = arith.select %eq3A_35, %add3A_549, %add3A_550 : vector<16xi1>, vector<16xf32>
          %add3A_552 = arith.addf %select_n3A_551, %get3A_61 : vector<16xf32>
          %neg3A = arith.constant 0.000000e+00 : f32
          %neg3A_553 = vector.broadcast %neg3A : f32 to vector<16xf32>
          %neg3A_554 = arith.subf %neg3A_553, %add3A_552 : vector<16xf32>
          %exp3A = math.exp %neg3A_554 : vector<16xf32>
          %add3A_555 = arith.constant 1.000000e+00 : f32
          %add3A_556 = vector.broadcast %add3A_555 : f32 to vector<16xf32>
          %add3A_557 = arith.addf %add3A_556, %exp3A : vector<16xf32>
          %div3A = arith.constant 1.000000e+00 : f32
          %div3A_558 = vector.broadcast %div3A : f32 to vector<16xf32>
          %div3A_559 = arith.divf %div3A_558, %add3A_557 : vector<16xf32>
          %swap3A = arith.index_cast %min3A_127 : i32 to index
          %swap3A_560 = tpu.vector_load %arg21[%swap3A] {strides = array<i32>} : memref<200xf32, #tpu.memory_space<vmem>>, vector<16xf32>,
          %swap3A_561 = vector.shape_cast %swap3A_560 : vector<16xf32> to vector<16xf32>
          %swap3A_562 = vector.shape_cast %div3A_559 : vector<16xf32> to vector<16xf32>
          tpu.vector_store %arg21[%swap3A], %swap3A_562 {strides = array<i32>} : memref<200xf32, #tpu.memory_space<vmem>>, vector<16xf32>,
        }
        %scan3A_118 = arith.constant 13 : i32
        %mul3A_119 = arith.constant 200 : i32
        %mul3A_120 = arith.muli %add3A_90, %mul3A_119 : i32
        %add3A_121 = arith.addi %mul3A_2, %mul3A_120 : i32
        %dma_start3A_122 = tpu.memref_slice %arg8[%add3A_121] : memref<160000xf32, #tpu.memory_space<hbm>> -> memref<200xf32, #tpu.memory_space<hbm>>
        %dma_start3A_123 = tpu.memref_slice %arg8[%add3A_121] : memref<160000xf32, #tpu.memory_space<hbm>> -> memref<200xf32, #tpu.memory_space<hbm>>
        tpu.enqueue_dma source(%arg21 : memref<200xf32, #tpu.memory_space<vmem>>) target(%dma_start3A_123 : memref<200xf32, #tpu.memory_space<hbm>>) target_semaphore(%arg25 : memref<!tpu.dma_semaphore, #tpu.memory_space<semaphore_mem>>)
      } else {
      }
    }
    %scan3A_72 = arith.constant 13 : i32
    %add3A_73 = arith.constant 4600 : i32
    %add3A_74 = arith.addi %mul3A_2, %add3A_73 : i32
    %dma_wait3A = tpu.memref_slice %arg8[%add3A_74] : memref<160000xf32, #tpu.memory_space<hbm>> -> memref<200xf32, #tpu.memory_space<hbm>>
    %dma_wait3A_75 = tpu.memref_slice %arg8[%add3A_74] : memref<160000xf32, #tpu.memory_space<hbm>> -> memref<200xf32, #tpu.memory_space<hbm>>
    tpu.wait_dma2 semaphore(%arg25 : memref<!tpu.dma_semaphore, #tpu.memory_space<semaphore_mem>>) src(%arg21 : memref<200xf32, #tpu.memory_space<vmem>>) dst(%dma_wait3A_75 : memref<200xf32, #tpu.memory_space<hbm>>)
    %add3A_76 = arith.constant 4800 : i32
    %add3A_77 = arith.addi %mul3A_2, %add3A_76 : i32
    %dma_wait3A_78 = tpu.memref_slice %arg8[%add3A_77] : memref<160000xf32, #tpu.memory_space<hbm>> -> memref<200xf32, #tpu.memory_space<hbm>>
    %dma_wait3A_79 = tpu.memref_slice %arg8[%add3A_77] : memref<160000xf32, #tpu.memory_space<hbm>> -> memref<200xf32, #tpu.memory_space<hbm>>
    tpu.wait_dma2 semaphore(%arg24 : memref<!tpu.dma_semaphore, #tpu.memory_space<semaphore_mem>>) src(%arg20 : memref<200xf32, #tpu.memory_space<vmem>>) dst(%dma_wait3A_79 : memref<200xf32, #tpu.memory_space<hbm>>)
    return
  }
}

module attributes {stable_mosaic.version = 14 : i64} {
  func.func @body(%arg0: i32, %arg1: memref<400x10000xf32, #tpu.memory_space<vmem>>, %arg2: memref<400x128xf32, #tpu.memory_space<vmem>>, %arg3: memref<10000x128xf32, #tpu.memory_space<vmem>>, %arg4: memref<128x128xf32, #tpu.memory_space<vmem>>, %arg5: memref<128x128xf32, #tpu.memory_space<vmem>>, %arg6: memref<1x128xf32, #tpu.memory_space<vmem>>, %arg7: memref<400x128xf32, #tpu.memory_space<vmem>>, %arg8: memref<10000x128xf32, #tpu.memory_space<vmem>>) attributes {dimension_semantics = [#tpu.dimension_semantics<arbitrary>], iteration_bounds = array<i64: 25>, scalar_prefetch = 0 : i64, scratch_operands = 1 : i64, tpu.core_type = #tpu.core_type<tc>, window_params = [{transform_indices = @transform_0, window_bounds = array<i64: 400, 10000>}, {transform_indices = @transform_1, window_bounds = array<i64: 400, 128>}, {pipeline_mode = #tpu.pipeline_mode<synchronous>, transform_indices = @transform_2, window_bounds = array<i64: 10000, 128>}, {pipeline_mode = #tpu.pipeline_mode<synchronous>, transform_indices = @transform_3, window_bounds = array<i64: 128, 128>}, {pipeline_mode = #tpu.pipeline_mode<synchronous>, transform_indices = @transform_4, window_bounds = array<i64: 128, 128>}, {pipeline_mode = #tpu.pipeline_mode<synchronous>, transform_indices = @transform_5, window_bounds = array<i64: 1, 128>}, {transform_indices = @transform_6, window_bounds = array<i64: 400, 128>}]} {
    %eq3A = arith.constant 0 : i32
    %eq3A_0 = arith.cmpi eq, %arg0, %eq3A : i32
    %convert_element_type3A = arith.extui %eq3A_0 : i1 to i32
    %cond3A = arith.constant 0 : i32
    %cond3A_1 = arith.cmpi ne, %convert_element_type3A, %cond3A : i32
    scf.if %cond3A_1 {
      %get3A_25 = arith.constant 0 : index
      %get3A_26 = arith.constant 0 : index
      %get3A_27 = vector.load %arg3[%get3A_25, %get3A_26] : memref<10000x128xf32, #tpu.memory_space<vmem>>, vector<10000x128xf32>
      %get3A_28 = arith.constant 0 : index
      %get3A_29 = arith.constant 0 : index
      %get3A_30 = vector.load %arg4[%get3A_28, %get3A_29] : memref<128x128xf32, #tpu.memory_space<vmem>>, vector<128x128xf32>
      %dot_general3A_31 = arith.constant dense<0.000000e+00> : vector<10000x128xf32>
      %dot_general3A_32 = tpu.matmul %get3A_27, %get3A_30, %dot_general3A_31 {dimension_numbers = #tpu.dot_dimension_numbers<[1], [0], [0], [1], [0, 0, 1, 1], [], []>, transpose_lhs_hint = false} : vector<10000x128xf32>, vector<128x128xf32>, vector<10000x128xf32> -> vector<10000x128xf32>
      %swap3A_33 = arith.constant 0 : index
      %swap3A_34 = arith.constant 0 : index
      %swap3A_35 = vector.load %arg8[%swap3A_33, %swap3A_34] : memref<10000x128xf32, #tpu.memory_space<vmem>>, vector<10000x128xf32>
      tpu.vector_store %arg8[%swap3A_33, %swap3A_34], %dot_general3A_32 {strides = array<i32>} : memref<10000x128xf32, #tpu.memory_space<vmem>>, vector<10000x128xf32>,
    } else {
    }
    %get3A = arith.constant 0 : index
    %get3A_2 = arith.constant 0 : index
    %get3A_3 = vector.load %arg1[%get3A, %get3A_2] : memref<400x10000xf32, #tpu.memory_space<vmem>>, vector<400x10000xf32>
    %get3A_4 = arith.constant 0 : index
    %get3A_5 = arith.constant 0 : index
    %get3A_6 = vector.load %arg8[%get3A_4, %get3A_5] : memref<10000x128xf32, #tpu.memory_space<vmem>>, vector<10000x128xf32>
    %dot_general3A = arith.constant dense<0.000000e+00> : vector<400x128xf32>
    %dot_general3A_7 = tpu.matmul %get3A_3, %get3A_6, %dot_general3A {dimension_numbers = #tpu.dot_dimension_numbers<[1], [0], [0], [1], [0, 0, 1, 1], [], []>, transpose_lhs_hint = false} : vector<400x10000xf32>, vector<10000x128xf32>, vector<400x128xf32> -> vector<400x128xf32>
    %get3A_8 = arith.constant 0 : index
    %get3A_9 = arith.constant 0 : index
    %get3A_10 = vector.load %arg2[%get3A_8, %get3A_9] : memref<400x128xf32, #tpu.memory_space<vmem>>, vector<400x128xf32>
    %get3A_11 = arith.constant 0 : index
    %get3A_12 = arith.constant 0 : index
    %get3A_13 = vector.load %arg5[%get3A_11, %get3A_12] : memref<128x128xf32, #tpu.memory_space<vmem>>, vector<128x128xf32>
    %dot_general3A_14 = arith.constant dense<0.000000e+00> : vector<400x128xf32>
    %dot_general3A_15 = tpu.matmul %get3A_10, %get3A_13, %dot_general3A_14 {dimension_numbers = #tpu.dot_dimension_numbers<[1], [0], [0], [1], [0, 0, 1, 1], [], []>, transpose_lhs_hint = false} : vector<400x128xf32>, vector<128x128xf32>, vector<400x128xf32> -> vector<400x128xf32>
    %add3A = arith.addf %dot_general3A_7, %dot_general3A_15 : vector<400x128xf32>
    %get3A_16 = arith.constant 0 : index
    %get3A_17 = arith.constant 0 : index
    %get3A_18 = vector.load %arg6[%get3A_16, %get3A_17] : memref<1x128xf32, #tpu.memory_space<vmem>>, vector<1x128xf32>
    %add3A_19 = vector.broadcast %get3A_18 : vector<1x128xf32> to vector<400x128xf32>
    %add3A_20 = arith.addf %add3A, %add3A_19 : vector<400x128xf32>
    %max3A = arith.constant 0.000000e+00 : f32
    %max3A_21 = vector.broadcast %max3A : f32 to vector<400x128xf32>
    %max3A_22 = arith.maximumf %add3A_20, %max3A_21 : vector<400x128xf32>
    %swap3A = arith.constant 0 : index
    %swap3A_23 = arith.constant 0 : index
    %swap3A_24 = vector.load %arg7[%swap3A, %swap3A_23] : memref<400x128xf32, #tpu.memory_space<vmem>>, vector<400x128xf32>
    tpu.vector_store %arg7[%swap3A, %swap3A_23], %max3A_22 {strides = array<i32>} : memref<400x128xf32, #tpu.memory_space<vmem>>, vector<400x128xf32>,
    return
  }
  func.func @transform_0(%arg0: i32) -> (i32, i32) {
    %c0_i32 = arith.constant 0 : i32
    %c0_i32_0 = arith.constant 0 : i32
    return %arg0, %c0_i32 : i32, i32
  }
  func.func @transform_1(%arg0: i32) -> (i32, i32) {
    %c0_i32 = arith.constant 0 : i32
    %c0_i32_0 = arith.constant 0 : i32
    return %arg0, %c0_i32 : i32, i32
  }
  func.func @transform_2(%arg0: i32) -> (i32, i32) {
    %c0_i32 = arith.constant 0 : i32
    %c0_i32_0 = arith.constant 0 : i32
    %c0_i32_1 = arith.constant 0 : i32
    return %c0_i32, %c0_i32_0 : i32, i32
  }
  func.func @transform_3(%arg0: i32) -> (i32, i32) {
    %c0_i32 = arith.constant 0 : i32
    %c0_i32_0 = arith.constant 0 : i32
    %c0_i32_1 = arith.constant 0 : i32
    return %c0_i32, %c0_i32_0 : i32, i32
  }
  func.func @transform_4(%arg0: i32) -> (i32, i32) {
    %c0_i32 = arith.constant 0 : i32
    %c0_i32_0 = arith.constant 0 : i32
    %c0_i32_1 = arith.constant 0 : i32
    return %c0_i32, %c0_i32_0 : i32, i32
  }
  func.func @transform_5(%arg0: i32) -> (i32, i32) {
    %c0_i32 = arith.constant 0 : i32
    %c0_i32_0 = arith.constant 0 : i32
    %c0_i32_1 = arith.constant 0 : i32
    return %c0_i32, %c0_i32_0 : i32, i32
  }
  func.func @transform_6(%arg0: i32) -> (i32, i32) {
    %c0_i32 = arith.constant 0 : i32
    %c0_i32_0 = arith.constant 0 : i32
    return %arg0, %c0_i32 : i32, i32
  }
}

module attributes {stable_mosaic.version = 14 : i64} {
  func.func @body(%arg0: i32, %arg1: memref<400x10000xf32, #tpu.memory_space<vmem>>, %arg2: memref<400x128xf32, #tpu.memory_space<vmem>>, %arg3: memref<10000x128xf32, #tpu.memory_space<vmem>>, %arg4: memref<128x128xf32, #tpu.memory_space<vmem>>, %arg5: memref<128x128xf32, #tpu.memory_space<vmem>>, %arg6: memref<1x128xf32, #tpu.memory_space<vmem>>, %arg7: memref<128x128xf32, #tpu.memory_space<vmem>>, %arg8: memref<128x128xf32, #tpu.memory_space<vmem>>, %arg9: memref<1x128xf32, #tpu.memory_space<vmem>>, %arg10: memref<400x128xf32, #tpu.memory_space<vmem>>, %arg11: memref<400x128xf32, #tpu.memory_space<vmem>>, %arg12: memref<400x128xf32, #tpu.memory_space<vmem>>, %arg13: memref<10000x128xf32, #tpu.memory_space<vmem>>) attributes {dimension_semantics = [#tpu.dimension_semantics<arbitrary>], iteration_bounds = array<i64: 25>, scalar_prefetch = 0 : i64, scratch_operands = 1 : i64, tpu.core_type = #tpu.core_type<tc>, window_params = [{transform_indices = @transform_0, window_bounds = array<i64: 400, 10000>}, {transform_indices = @transform_1, window_bounds = array<i64: 400, 128>}, {pipeline_mode = #tpu.pipeline_mode<synchronous>, transform_indices = @transform_2, window_bounds = array<i64: 10000, 128>}, {pipeline_mode = #tpu.pipeline_mode<synchronous>, transform_indices = @transform_3, window_bounds = array<i64: 128, 128>}, {pipeline_mode = #tpu.pipeline_mode<synchronous>, transform_indices = @transform_4, window_bounds = array<i64: 128, 128>}, {pipeline_mode = #tpu.pipeline_mode<synchronous>, transform_indices = @transform_5, window_bounds = array<i64: 1, 128>}, {pipeline_mode = #tpu.pipeline_mode<synchronous>, transform_indices = @transform_6, window_bounds = array<i64: 128, 128>}, {pipeline_mode = #tpu.pipeline_mode<synchronous>, transform_indices = @transform_7, window_bounds = array<i64: 128, 128>}, {pipeline_mode = #tpu.pipeline_mode<synchronous>, transform_indices = @transform_8, window_bounds = array<i64: 1, 128>}, {transform_indices = @transform_9, window_bounds = array<i64: 400, 128>}, {transform_indices = @transform_10, window_bounds = array<i64: 400, 128>}, {transform_indices = @transform_11, window_bounds = array<i64: 400, 128>}]} {
    %eq3A = arith.constant 0 : i32
    %eq3A_0 = arith.cmpi eq, %arg0, %eq3A : i32
    %convert_element_type3A = arith.extui %eq3A_0 : i1 to i32
    %cond3A = arith.constant 0 : i32
    %cond3A_1 = arith.cmpi ne, %convert_element_type3A, %cond3A : i32
    scf.if %cond3A_1 {
      %get3A_44 = arith.constant 0 : index
      %get3A_45 = arith.constant 0 : index
      %get3A_46 = vector.load %arg3[%get3A_44, %get3A_45] : memref<10000x128xf32, #tpu.memory_space<vmem>>, vector<10000x128xf32>
      %get3A_47 = arith.constant 0 : index
      %get3A_48 = arith.constant 0 : index
      %get3A_49 = vector.load %arg4[%get3A_47, %get3A_48] : memref<128x128xf32, #tpu.memory_space<vmem>>, vector<128x128xf32>
      %dot_general3A_50 = arith.constant dense<0.000000e+00> : vector<10000x128xf32>
      %dot_general3A_51 = tpu.matmul %get3A_46, %get3A_49, %dot_general3A_50 {dimension_numbers = #tpu.dot_dimension_numbers<[1], [0], [0], [1], [0, 0, 1, 1], [], []>, transpose_lhs_hint = false} : vector<10000x128xf32>, vector<128x128xf32>, vector<10000x128xf32> -> vector<10000x128xf32>
      %swap3A_52 = arith.constant 0 : index
      %swap3A_53 = arith.constant 0 : index
      %swap3A_54 = vector.load %arg13[%swap3A_52, %swap3A_53] : memref<10000x128xf32, #tpu.memory_space<vmem>>, vector<10000x128xf32>
      tpu.vector_store %arg13[%swap3A_52, %swap3A_53], %dot_general3A_51 {strides = array<i32>} : memref<10000x128xf32, #tpu.memory_space<vmem>>, vector<10000x128xf32>,
    } else {
    }
    %get3A = arith.constant 0 : index
    %get3A_2 = arith.constant 0 : index
    %get3A_3 = vector.load %arg1[%get3A, %get3A_2] : memref<400x10000xf32, #tpu.memory_space<vmem>>, vector<400x10000xf32>
    %get3A_4 = arith.constant 0 : index
    %get3A_5 = arith.constant 0 : index
    %get3A_6 = vector.load %arg13[%get3A_4, %get3A_5] : memref<10000x128xf32, #tpu.memory_space<vmem>>, vector<10000x128xf32>
    %dot_general3A = arith.constant dense<0.000000e+00> : vector<400x128xf32>
    %dot_general3A_7 = tpu.matmul %get3A_3, %get3A_6, %dot_general3A {dimension_numbers = #tpu.dot_dimension_numbers<[1], [0], [0], [1], [0, 0, 1, 1], [], []>, transpose_lhs_hint = false} : vector<400x10000xf32>, vector<10000x128xf32>, vector<400x128xf32> -> vector<400x128xf32>
    %get3A_8 = arith.constant 0 : index
    %get3A_9 = arith.constant 0 : index
    %get3A_10 = vector.load %arg2[%get3A_8, %get3A_9] : memref<400x128xf32, #tpu.memory_space<vmem>>, vector<400x128xf32>
    %get3A_11 = arith.constant 0 : index
    %get3A_12 = arith.constant 0 : index
    %get3A_13 = vector.load %arg5[%get3A_11, %get3A_12] : memref<128x128xf32, #tpu.memory_space<vmem>>, vector<128x128xf32>
    %dot_general3A_14 = arith.constant dense<0.000000e+00> : vector<400x128xf32>
    %dot_general3A_15 = tpu.matmul %get3A_10, %get3A_13, %dot_general3A_14 {dimension_numbers = #tpu.dot_dimension_numbers<[1], [0], [0], [1], [0, 0, 1, 1], [], []>, transpose_lhs_hint = false} : vector<400x128xf32>, vector<128x128xf32>, vector<400x128xf32> -> vector<400x128xf32>
    %add3A = arith.addf %dot_general3A_7, %dot_general3A_15 : vector<400x128xf32>
    %get3A_16 = arith.constant 0 : index
    %get3A_17 = arith.constant 0 : index
    %get3A_18 = vector.load %arg6[%get3A_16, %get3A_17] : memref<1x128xf32, #tpu.memory_space<vmem>>, vector<1x128xf32>
    %add3A_19 = vector.broadcast %get3A_18 : vector<1x128xf32> to vector<400x128xf32>
    %add3A_20 = arith.addf %add3A, %add3A_19 : vector<400x128xf32>
    %swap3A = arith.constant 0 : index
    %swap3A_21 = arith.constant 0 : index
    %swap3A_22 = vector.load %arg10[%swap3A, %swap3A_21] : memref<400x128xf32, #tpu.memory_space<vmem>>, vector<400x128xf32>
    tpu.vector_store %arg10[%swap3A, %swap3A_21], %add3A_20 {strides = array<i32>} : memref<400x128xf32, #tpu.memory_space<vmem>>, vector<400x128xf32>,
    %get3A_23 = arith.constant 0 : index
    %get3A_24 = arith.constant 0 : index
    %get3A_25 = vector.load %arg7[%get3A_23, %get3A_24] : memref<128x128xf32, #tpu.memory_space<vmem>>, vector<128x128xf32>
    %dot_general3A_26 = arith.constant dense<0.000000e+00> : vector<400x128xf32>
    %dot_general3A_27 = tpu.matmul %add3A_20, %get3A_25, %dot_general3A_26 {dimension_numbers = #tpu.dot_dimension_numbers<[1], [0], [0], [1], [0, 0, 1, 1], [], []>, transpose_lhs_hint = false} : vector<400x128xf32>, vector<128x128xf32>, vector<400x128xf32> -> vector<400x128xf32>
    %swap3A_28 = arith.constant 0 : index
    %swap3A_29 = arith.constant 0 : index
    %swap3A_30 = vector.load %arg11[%swap3A_28, %swap3A_29] : memref<400x128xf32, #tpu.memory_space<vmem>>, vector<400x128xf32>
    tpu.vector_store %arg11[%swap3A_28, %swap3A_29], %dot_general3A_27 {strides = array<i32>} : memref<400x128xf32, #tpu.memory_space<vmem>>, vector<400x128xf32>,
    %get3A_31 = arith.constant 0 : index
    %get3A_32 = arith.constant 0 : index
    %get3A_33 = vector.load %arg8[%get3A_31, %get3A_32] : memref<128x128xf32, #tpu.memory_space<vmem>>, vector<128x128xf32>
    %dot_general3A_34 = arith.constant dense<0.000000e+00> : vector<400x128xf32>
    %dot_general3A_35 = tpu.matmul %add3A_20, %get3A_33, %dot_general3A_34 {dimension_numbers = #tpu.dot_dimension_numbers<[1], [0], [0], [1], [0, 0, 1, 1], [], []>, transpose_lhs_hint = false} : vector<400x128xf32>, vector<128x128xf32>, vector<400x128xf32> -> vector<400x128xf32>
    %get3A_36 = arith.constant 0 : index
    %get3A_37 = arith.constant 0 : index
    %get3A_38 = vector.load %arg9[%get3A_36, %get3A_37] : memref<1x128xf32, #tpu.memory_space<vmem>>, vector<1x128xf32>
    %add3A_39 = vector.broadcast %get3A_38 : vector<1x128xf32> to vector<400x128xf32>
    %add3A_40 = arith.addf %dot_general3A_35, %add3A_39 : vector<400x128xf32>
    %swap3A_41 = arith.constant 0 : index
    %swap3A_42 = arith.constant 0 : index
    %swap3A_43 = vector.load %arg12[%swap3A_41, %swap3A_42] : memref<400x128xf32, #tpu.memory_space<vmem>>, vector<400x128xf32>
    tpu.vector_store %arg12[%swap3A_41, %swap3A_42], %add3A_40 {strides = array<i32>} : memref<400x128xf32, #tpu.memory_space<vmem>>, vector<400x128xf32>,
    return
  }
  func.func @transform_0(%arg0: i32) -> (i32, i32) {
    %c0_i32 = arith.constant 0 : i32
    %c0_i32_0 = arith.constant 0 : i32
    return %arg0, %c0_i32 : i32, i32
  }
  func.func @transform_1(%arg0: i32) -> (i32, i32) {
    %c0_i32 = arith.constant 0 : i32
    %c0_i32_0 = arith.constant 0 : i32
    return %arg0, %c0_i32 : i32, i32
  }
  func.func @transform_2(%arg0: i32) -> (i32, i32) {
    %c0_i32 = arith.constant 0 : i32
    %c0_i32_0 = arith.constant 0 : i32
    %c0_i32_1 = arith.constant 0 : i32
    return %c0_i32, %c0_i32_0 : i32, i32
  }
  func.func @transform_3(%arg0: i32) -> (i32, i32) {
    %c0_i32 = arith.constant 0 : i32
    %c0_i32_0 = arith.constant 0 : i32
    %c0_i32_1 = arith.constant 0 : i32
    return %c0_i32, %c0_i32_0 : i32, i32
  }
  func.func @transform_4(%arg0: i32) -> (i32, i32) {
    %c0_i32 = arith.constant 0 : i32
    %c0_i32_0 = arith.constant 0 : i32
    %c0_i32_1 = arith.constant 0 : i32
    return %c0_i32, %c0_i32_0 : i32, i32
  }
  func.func @transform_5(%arg0: i32) -> (i32, i32) {
    %c0_i32 = arith.constant 0 : i32
    %c0_i32_0 = arith.constant 0 : i32
    %c0_i32_1 = arith.constant 0 : i32
    return %c0_i32, %c0_i32_0 : i32, i32
  }
  func.func @transform_6(%arg0: i32) -> (i32, i32) {
    %c0_i32 = arith.constant 0 : i32
    %c0_i32_0 = arith.constant 0 : i32
    %c0_i32_1 = arith.constant 0 : i32
    return %c0_i32, %c0_i32_0 : i32, i32
  }
  func.func @transform_7(%arg0: i32) -> (i32, i32) {
    %c0_i32 = arith.constant 0 : i32
    %c0_i32_0 = arith.constant 0 : i32
    %c0_i32_1 = arith.constant 0 : i32
    return %c0_i32, %c0_i32_0 : i32, i32
  }
  func.func @transform_8(%arg0: i32) -> (i32, i32) {
    %c0_i32 = arith.constant 0 : i32
    %c0_i32_0 = arith.constant 0 : i32
    %c0_i32_1 = arith.constant 0 : i32
    return %c0_i32, %c0_i32_0 : i32, i32
  }
  func.func @transform_9(%arg0: i32) -> (i32, i32) {
    %c0_i32 = arith.constant 0 : i32
    %c0_i32_0 = arith.constant 0 : i32
    return %arg0, %c0_i32 : i32, i32
  }
  func.func @transform_10(%arg0: i32) -> (i32, i32) {
    %c0_i32 = arith.constant 0 : i32
    %c0_i32_0 = arith.constant 0 : i32
    return %arg0, %c0_i32 : i32, i32
  }
  func.func @transform_11(%arg0: i32) -> (i32, i32) {
    %c0_i32 = arith.constant 0 : i32
    %c0_i32_0 = arith.constant 0 : i32
    return %arg0, %c0_i32 : i32, i32
  }
}

</mosaic_0001>

<sc_bundles>
// kernel: kernel.6.cloned.1.call-start
scs
__scs_entry_jumppad:
0x0: {  	(pc) =	sbr.rel $0x88, $3  }
0x1: {  	(tag) =	ssettag $0x0;
	lr =	simm.s32 $0x1  }
0x2: {  	[smem:$0x3F90] =	sst lr;
	_ =	strace $0xD0000000  }
0x3: {  	_ = 	snop  }
0x4: {  	_ = 	snop  }
0x5: {  	_ = 	snop  }
0x6: {  	_ = 	snop  }
0x7: {  	_ = 	snop  }
__scs_overlays_trampoline_lowered:
0x8: {  	[smem:$0x3F9F] =	sst s0  }
0x9: {  	[smem:$0x3FA0] =	sst s1  }
0xa: {  	[smem:$0x3FA1] =	sst s2  }
0xb: {  	[smem:$0x3FA2] =	sst s3  }
0xc: {  	[smem:$0x3FA3] =	sst s4  }
0xd: {  	[smem:$0x3FA4] =	sst s5  }
0xe: {  	[smem:$0x3FA5] =	sst s6  }
0xf: {  	[smem:$0x3FA6] =	sst s7  }
0x10: {  	[smem:$0x3FA7] =	sst s8  }
0x11: {  	[smem:$0x3FA8] =	sst s9;
	s0 =	simm.s32 @!p0 $0x0  }
0x12: {  	s1 =	sld [smem:$0x3F8E];
	s0 =	simm.s32 @p0 $0x1  }
0x13: {  	[smem:$0x3FA9] =	sst s0;
	s0 =	simm.s32 @!p1 $0x0  }
0x14: {  	s2 =	sld [smem:$0x3F8D];
	s0 =	simm.s32 @p1 $0x1  }
0x15: {  	[smem:$0x3FAA] =	sst s0;
	s0 =	simm.s32 @!p2 $0x0  }
0x16: {  	s3 =	sld [smem:$0x3FDB];
	s0 =	simm.s32 @p2 $0x1  }
0x17: {  	s4 =	simm.s32 $0x1BF5;
	[smem:$0x3FAC] =	sst s0  }
0x18: {  	s0 =	sld [smem:$0x3F8F];
	_ =	swait.ge [sflag:s4], $0x0  }
0x19: {  	s7 =	sld [smem:$0x3F90]  }
0x1a: {  	s8 =	sadd.s32 $0xFFFFE003, lr  }
0x1b: {  	s9 =	sadd.s32 $0xFFFFFEF7, lr;
	s5 =	simm.s32 $0xFFFFFFFF;
	p2 =	slt.u32 s8, $0xFFFFF086  }
0x1c: {  	p1 =	slt.u32 s9, $0xF7A;
	s5 =	simm.s32 @!p2 $0x0  }
0x1d: {  	s5 =	simm.s32 @p1 $0x1;
	p0 =	seq.s32 s7, s2  }
0x1e: {  	s7 =	smul.u32 @!p0 $0xF7A, s2;
	p2 =	seq.s32 @!p0 s5, $0x0  }
0x1f: {  	s9 =	smul.u32 $0xF7A, s1;
	s8 =	simm.s32 @!p0 $0x1BF5;
	p2 =	por !p2, p0  }
0x20: {  	[sflag:s8] =	ssyncset.s32 @!p0 $0xFFFFF086;
	s6 =	sadd.s32 @!p0 s3, s7;
	s7 =	simm.s32 @!p0 $0x108  }
0x21: {  	s3 =	sadd.s32 s3, s9;
	s6 =	sadd.s32 @!p0 $0x88, s6;
	s7 =	simm.s32 @p2 $0x1082  }
0x22: {  	[simem:s7], [sflag:s8] =	dma.local @!p0 [hbm:s6], $0xF7A  }
0x23: {  	s9 =	sor.u32 $0xD0000000, s2;
	s6 =	simm.s32 $0x108;
	_ =	swait.ge @!p0 [sflag:s8], $0x0  }
0x24: {  	s3 =	sadd.s32 $0x88, s3;
	s6 =	simm.s32 @!p1 $0x1082;
	[sflag:s4] =	ssyncset.s32 $0xFFFFF086  }
0x25: {  	[simem:s6], [sflag:s4] =	dma.local [hbm:s3], $0xF7A  }
0x26: {  	[smem:$0x3F90] =	sst s1;
	(tag) =	ssettag s2;
	_ =	strace s9  }
0x27: {  	s1 =	sld [smem:$0x3FA0]  }
0x28: {  	s2 =	sld [smem:$0x3FA1]  }
0x29: {  	s4 =	sld [smem:$0x3FA3]  }
0x2a: {  	p0 =	seq.s32 s5, $0x0;
	s5 =	sld [smem:$0x3FA4]  }
0x2b: {  	s6 =	sld [smem:$0x3FA5]  }
0x2c: {  	s7 =	sld [smem:$0x3FA6]  }
0x2d: {  	s3 =	simm.s32 $0x108;
	s8 =	sld [smem:$0x3FA7]  }
0x2e: {  	s3 =	simm.s32 @!p0 $0x1082;
	s9 =	sld [smem:$0x3FA8]  }
0x2f: {  	lr =	sadd.s32 s0, s3;
	s0 =	sld [smem:$0x3F9F]  }
0x30: {  	s3 =	sld [smem:$0x3FA2]  }
0x31: {  	[smem:$0x3FAB] =	sst s10  }
0x32: {  	s10 =	sld [smem:$0x3FA9];
	_ =	sdelay $0x3  }
0x33: {  	p0 =	seq.s32 s10, $0x1;
	s10 =	sld [smem:$0x3FAB];
	_ =	sdelay $0x3  }
0x34: {  	[smem:$0x3FAB] =	sst s10  }
0x35: {  	s10 =	sld [smem:$0x3FAA];
	_ =	sdelay $0x3  }
0x36: {  	p1 =	seq.s32 s10, $0x1;
	s10 =	sld [smem:$0x3FAB];
	_ =	sdelay $0x3  }
0x37: {  	[smem:$0x3FAB] =	sst s10  }
0x38: {  	s10 =	sld [smem:$0x3FAC]  }
0x39: {  	_ = 	snop;
	(pc) =	sbr.ind lr, $3  }
0x3a: {  	_ = 	snop  }
0x3b: {  	_ = 	snop  }
0x3c: {  	p2 =	seq.s32 s10, $0x1;
	s10 =	sld [smem:$0x3FAB]  }
0x3d: {  	_ =	shalt  }
0x3e: {  	_ =	shalt  }
0x3f: {  	_ =	shalt  }
0x40: {  	_ =	shalt  }
0x41: {  	_ =	shalt  }
0x42: {  	_ =	shalt  }
0x43: {  	_ =	shalt  }
0x44: {  	_ =	shalt  }
0x45: {  	_ =	shalt  }
0x46: {  	_ =	shalt  }
0x47: {  	_ =	shalt  }
0x48: {  	_ =	shalt  }
0x49: {  	_ =	shalt  }
0x4a: {  	_ =	shalt  }
0x4b: {  	_ =	shalt  }
0x4c: {  	_ =	shalt  }
0x4d: {  	_ =	shalt  }
0x4e: {  	_ =	shalt  }
0x4f: {  	_ =	shalt  }
0x50: {  	_ =	shalt  }
0x51: {  	_ =	shalt  }
0x52: {  	_ =	shalt  }
0x53: {  	_ =	shalt  }
0x54: {  	_ =	shalt  }
0x55: {  	_ =	shalt  }
0x56: {  	_ =	shalt  }
0x57: {  	_ =	shalt  }
0x58: {  	_ =	shalt  }
0x59: {  	_ =	shalt  }
0x5a: {  	_ =	shalt  }
0x5b: {  	_ =	shalt  }
0x5c: {  	_ =	shalt  }
0x5d: {  	_ =	shalt  }
0x5e: {  	_ =	shalt  }
0x5f: {  	_ =	shalt  }
0x60: {  	_ =	shalt  }
0x61: {  	_ =	shalt  }
0x62: {  	_ =	shalt  }
0x63: {  	_ =	shalt  }
0x64: {  	_ =	shalt  }
0x65: {  	_ =	shalt  }
0x66: {  	_ =	shalt  }
0x67: {  	_ =	shalt  }
0x68: {  	_ =	shalt  }
0x69: {  	_ =	shalt  }
0x6a: {  	_ =	shalt  }
0x6b: {  	_ =	shalt  }
0x6c: {  	_ =	shalt  }
0x6d: {  	_ =	shalt  }
0x6e: {  	_ =	shalt  }
0x6f: {  	_ =	shalt  }
0x70: {  	_ =	shalt  }
0x71: {  	_ =	shalt  }
0x72: {  	_ =	shalt  }
0x73: {  	_ =	shalt  }
0x74: {  	_ =	shalt  }
0x75: {  	_ =	shalt  }
0x76: {  	_ =	shalt  }
0x77: {  	_ =	shalt  }
0x78: {  	_ =	shalt  }
0x79: {  	_ =	shalt  }
0x7a: {  	_ =	shalt  }
0x7b: {  	_ =	shalt  }
0x7c: {  	_ =	shalt  }
0x7d: {  	_ =	shalt  }
0x7e: {  	_ =	shalt  }
0x7f: {  	_ =	shalt  }
0x80: {  	_ =	shalt  }
0x81: {  	_ =	shalt  }
0x82: {  	_ =	shalt  }
0x83: {  	_ =	shalt  }
0x84: {  	_ =	shalt  }
0x85: {  	_ =	shalt  }
0x86: {  	_ =	shalt  }
0x87: {  	_ =	shalt  }
.Lfunc_end0:
.L_simem_size_0:
called_computation_lowered:
.L_overlay_start_0:
0x88: {  	s2 =	sld [smem:$0x3FD9]  }
0x89: {  	s3 =	sld [smem:$0x3FFE];
	_ =	sdelay $0x1  }
0x8a: {  	s1 =	srdreg.scid  }
0x8b: {  	s0 =	sand.u32 $0x1, s1  }
0x8c: {  	s14 =	sshll.u32 s0, $0xA;
	s2 =	sadd.s32 s3, s2  }
0x8d: {  	s2 =	sadd.s32 s2, s14  }
0x8e: {  	[smem:$0x3FB7] =	sst s2  }
0x8f: {  	_ = 	snop  }
0x90: {  	s2 =	sld [smem:$0x3FD0]  }
0x91: {  	s15 =	sld [smem:$0x3FC7]  }
0x92: {  	s4 =	sld [smem:$0x3FC6]  }
0x93: {  	s6 =	simm.s32 $0xA;
	s7 =	simm.s32 $0x10;
	s5 =	sld [smem:$0x3FBA]  }
0x94: {  	[smem:s7], [sflag:s6] =	dma.local [hbm:s2], $0x1  }
0x95: {  	_ =	swait.eq [sflag:s6], $0x1  }
0x96: {  	[sflag:s6] =	ssyncset.done $0x0  }
0x97: {  	[sflag:s6] =	ssyncadd.s32 $0xFFFFFFFF  }
0x98: {  	s16 =	sld [smem:$0x10];
	(tm) =	ssettm $0x1  }
0x99: {  	s17 =	sld [smem:$0x3FFB];
	_ =	sdelay $0x3  }
0x9a: {  	_ =	strace s17  }
0x9b: {  	s6 =	sld [smem:$0x3FFC];
	_ =	sdelay $0x3  }
0x9c: {  	_ =	strace s6  }
0x9d: {  	s6 =	sld [smem:$0x3FFD];
	_ =	sdelay $0x3  }
0x9e: {  	_ =	strace s6  }
0x9f: {  	_ =	strace $0x8FFFFFFF  }
0xa0: {  	s18 =	sld [smem:$0x3FDB];
	_ =	sdelay $0x1  }
0xa1: {  	s19 =	simm.s32 $_scs_section_size  }
0xa2: {  	s8 =	simm.s32 $_size__tile_overlayer_lowered;
	s9 =	simm.s32 $_tile_overlayer_lowered  }
0xa3: {  	s22 =	simm.s32 $0x1BFF;
	s21 =	sshll.u32 s9, $0x1;
	s6 =	sadd.s32 s19, s18  }
0xa4: {  	s10 =	simm.s32 $0x0;
	s20 =	sshll.u32 s8, $0x1;
	s8 =	sadd.s32 s21, s6  }
0xa5: {  	[timem:s10], [sflag:s22] =	dma.local [hbm:s8], s20  }
0xa6: {  	_ =	swait.ge [sflag:s22], s20  }
0xa7: {  	s7 =	ssub.s32 $0x0, s20;
	[sflag:s22] =	ssyncset.done $0x0  }
0xa8: {  	[sflag:s22] =	ssyncadd.s32 s7;
	_ =	sdelay $0x1  }
0xa9: {  	s23 =	simm.s32 $0x1B8B  }
0xaa: {  	_ =	swait.ge [sflag:s23], $0x1  }
0xab: {  	[sflag:s23] =	ssyncset.done $0x0  }
0xac: {  	s25 =	simm.s32 $0x1B8E;
	s24 =	sld [smem:$0x3FFE];
	[sflag:s23] =	ssyncadd.s32 $0xFFFFFFFF  }
0xad: {  	s26 =	simm.s32 $execute0_lowered;
	[smem:$0x3FD2] =	sst s25  }
0xae: {  	s8 =	sshll.u32 s26, $0x1;
	_ =	strace $0x80000046;
	[dreg:$0x1] =	wrdreg $0xFFFFFFFF  }
0xaf: {  	s28 =	simm.s32 $_size_execute0_lowered;
	s6 =	sadd.s32 s6, s8;
	[dreg:$0x0] =	wrdreg $0x0  }
0xb0: {  	s8 =	sshll.u32 s28, $0x1;
	[dreg:$0x2] =	wrdreg s6  }
0xb1: {  	[dreg:$0x3] =	wrdreg s8  }
0xb2: {  	[dreg:$0x4] =	wrdreg $0xC0  }
0xb3: {  	_ =	task [dreg:s10], $0x5FFFF  }
0xb4: {  	[dreg:$0x1] =	wrdreg $0xFFFFFFFF  }
0xb5: {  	[dreg:$0x0] =	wrdreg $0x60  }
0xb6: {  	[dreg:$0x2] =	wrdreg s24  }
0xb7: {  	[dreg:$0x3] =	wrdreg s15  }
0xb8: {  	[dreg:$0x4] =	wrdreg s4  }
0xb9: {  	[dreg:$0x5] =	wrdreg s5  }
0xba: {  	[dreg:$0x6] =	wrdreg s16  }
0xbb: {  	[dreg:$0x7] =	wrdreg $0x9  }
0xbc: {  	_ =	task.clear_ibuf [dreg:s10], $0x8FFFF;
	_ =	strace $0x90000046  }
0xbd: {  	s29 =	simm.s32 $0x9;
	_ =	strace $0x80000048  }
0xbe: {  	_ =	swait.ge [sflag:s29], $0x1  }
0xbf: {  	[sflag:s29] =	ssyncadd.s32 $0xFFFFFFFF  }
0xc0: {  	_ =	strace $0x90000048  }
0xc1: {  	_ =	sfence  }
0xc2: {  	s30 =	sld [smem:$0x0];
	_ =	sdelay $0x2  }
0xc3: {  	s31 =	sshll.u32 s1, $0xD;
	s1 =	sshrl.u32 s1, $0x2  }
0xc4: {  	s3 =	sand.u32 $0x4000, s31;
	s1 =	sadd.s32 s1, s30  }
0xc5: {  	s0 =	sor.u32 s3, s0;
	s1 =	sshll.u32 s1, $0x11  }
0xc6: {  	s0 =	sor.u32 s1, s0  }
0xc7: {  	s0 =	sadd.s32 $0x8F2B, s0  }
0xc8: {  	[sflag:s0] =	ssyncadd.remote.s32 $0x1  }
0xc9: {  	_ =	sfence.sel $0xFFFF  }
0xca: {  	[dreg:$0x0] =	wrdreg $0xFFFFFFFF;
	(pc) =	sbr.abs _section_cstart, $3  }
0xcb: {  	[dreg:$0x1] =	wrdreg $0xFFFFFFFF  }
0xcc: {  	_ =	task.clear_ibuf [dreg:s10], $0x2FFFF;
	_ =	strace $0x9FFFFFFF  }
0xcd: {  	(tm) =	ssettm $0x7FFFFFFF  }
tec
execute0_lowered:
.L_overlay_start_1:
0x0: {  	(tag) =	ssettag $0x1  }
0x1: {  	v0 =	vimm.s32 $0xEFCDAB89  }
0x2: {  	vm0 =	vcmask $0xB08;
	vm1 =	vcmask $0x300;
	v1 =	vimm.s32 $0x67452301  }
0x3: {  	v2 =	vimm.s32 $0xDCFE98BA;
	v3 =	vimm.s32 $0x54761032;
	vm2 =	vcmask $0x700  }
0x4: {  	vm3 =	vcmask $0x3B38;
	v4 =	vimm.s32 $0xFEDCBA98;
	v5 =	vimm.s32 $0x76543210  }
0x5: {  	v0 =	vunpack.c.l.s4.s8 v0;
	vm0 =	vmor vm1, vm0;
	vm1 =	vcmask $0x1310  }
0x6: {  	v1 =	vunpack.c.l.s4.s8 v1;
	v2 =	vunpack.c.l.s4.s8 v2;
	v3 =	vunpack.c.l.s4.s8 v3  }
0x7: {  	s2 =	rddreg [dreg:$0x0];
	v4 =	vunpack.c.l.s4.s8 v4;
	vm0 =	vmor vm0, vm1;
	vm1 =	vcmask $0x1B18  }
0x8: {  	s0 =	rddreg [dreg:$0x1];
	v0 =	vunpack.c.0.s8.s32 v0;
	vm0 =	vmor vm0, vm1;
	vm1 =	vcmask $0x2320  }
0x9: {  	s1 =	rddreg [dreg:$0x2];
	s6 =	simm.s32 $0x0;
	v1 =	vunpack.c.0.s8.s32 v1;
	vm0 =	vmor vm0, vm1;
	vm1 =	vcmask $0x2B28  }
0xa: {  	s3 =	srdreg.scid;
	s4 =	stileid.u32;
	s16 =	simm.s32 $0x5;
	v4 =	vunpack.c.0.s8.s32 v4;
	vm0 =	vmor vm0, vm1;
	vm1 =	vcmask $0x3330  }
0xb: {  	s18 =	simm.s32 $0x100;
	s19 =	simm.s32 $0xC8;
	s20 =	simm.s32 $0x400;
	v0 =	vcombine.low v1, v0;
	v1 =	vunpack.c.0.s8.s32 v2;
	v2 =	vunpack.c.0.s8.s32 v3  }
0xc: {  	s21 =	simm.s32 $0x6800;
	s22 =	simm.s32 $0x1;
	s23 =	simm.s32 $0x19D00;
	v3 =	vimm.s32 $0x32107654;
	vm0 =	vmor vm0, vm1;
	vm1 =	vcmask $0x1710  }
0xd: {  	s24 =	simm.s32 $0x2;
	s3 =	sand.u32 $0x1, s3;
	s4 =	sshll.u32 s4, $0x1;
	v3 =	vunpack.c.l.s4.s8 v3;
	v1 =	vcombine.low v2, v1;
	v2 =	vimm.s32 $0xBA98FEDC  }
0xe: {  	s28 =	simm.s32 $0x3;
	s29 =	simm.s32 $0x0;
	s4 =	sor.u32 s3, s4;
	vm1 =	vmor vm2, vm1;
	vm2 =	vcmask $0x2720;
	v2 =	vunpack.c.l.s4.s8 v2  }
0xf: {  	[smem:$0x7FF] =	sst s6;
	s7 =	sadd.s32 $0x28400, s2;
	v5 =	vunpack.c.l.s4.s8 v5;
	s8 =	smul.u32 $0x1388, s4;
	v4 =	vand.u32 $0xF, v4;
	vm1 =	vmor vm1, vm2  }
.Ltmp0:
0x10: {  	s9 =	sadd.s32 $0x4F600, s2;
	s3 =	ssub.s32 $0x2, s3;
	vm2 =	vcmask $0x3730;
	v3 =	vunpack.c.0.s8.s32 v3;
	v2 =	vunpack.c.0.s8.s32 v2;
	(pc) =	sbr.rel .LBB2_1-.Ltmp0, $4  }
0x11: {  	s10 =	sadd.s32 $0x800, s2;
	_ =	strace $0x80000047;
	s25 =	sshrl.u32 s3, $0x1;
	vm0 =	vmor vm0, vm3;
	vm3 =	vcmask $0xF00;
	vm1 =	vmor vm1, vm2  }
0x12: {  	s26 =	ssub.s32 s3, s25;
	s25 =	simm.s32 $0x19E00;
	s30 =	sshrl.u32 s8, $0x3;
	vm2 =	vcmask $0x2F20;
	v2 =	vcombine.low v3, v2;
	v3 =	vunpack.c.0.s8.s32 v5  }
0x13: {  	s13 =	sadd.s32 $0x190, s8;
	s14 =	smax.u32 s26, $0x1;
	s31 =	sadd.s32 s0, s30;
	v0 =	vand.u32 $0xF, v0;
	v1 =	vand.u32 $0xF, v1;
	vm2 =	vmor vm3, vm2  }
0x14: {  	s26 =	simm.s32 $0x4;
	s12 =	sadd.s32 s1, s30;
	[dreg:$0x6] =	wrdreg s31;
	vm3 =	vmmov $0xff;
	v2 =	vand.u32 $0xF, v2;
	v3 =	vcombine.low v4, v3  }
.LBB2_13:
0x15: {  	s29 =	sadd.s32 $0x1, s29  }
0x16: {  	_ =	swait.ge [sflag:s26], $0xC8;
	p0 =	sne.s32 s29, s14  }
.Ltmp1:
0x17: {  	[sflag:s26] =	ssyncset.done $0x0;
	(pc) =	sbr.rel @!p0 .LBB2_14-.Ltmp1, $4  }
0x18: {  	[sflag:s26] =	ssyncadd.s32 $0xFFFFFF38  }
0x19: {  	_ =	swait.ge [sflag:s28], $0xC8  }
0x1a: {  	[sflag:s28] =	ssyncset.done $0x0  }
0x1b: {  	[sflag:s28] =	ssyncadd.s32 $0xFFFFFF38  }
.LBB2_1:
0x1c: {  	s2 =	rddreg [dreg:$0x3];
	s3 =	simm.s32 $0x19400  }
0x1d: {  	[tilespmem:s3], [sflag:$0x5] =	stream.linear.gather [hbm4b:s2+s6], $0x80, $0x38;
	[tilespmem:$0x19F00] =	vst v63  }
0x1e: {  	_ =	swait.ge [sflag:s16], $0x80  }
0x1f: {  	[sflag:s16] =	ssyncset.done $0x0  }
0x20: {  	[sflag:s16] =	ssyncadd.s32 $0xFFFFFF80  }
0x21: {  	s17 =	simm.s32 $0x19480;
	s15 =	rddreg [dreg:$0x4]  }
0x22: {  	[tilespmem:s17], [sflag:$0x5] =	stream.linear.gather [hbm4b:s15+s6], $0x80, $0x38;
	[tilespmem:$0x19F00] =	vst v63  }
0x23: {  	_ =	swait.ge [sflag:s16], $0x80  }
0x24: {  	[sflag:s16] =	ssyncset.done $0x0  }
0x25: {  	[sflag:s16] =	ssyncadd.s32 $0xFFFFFF80  }
0x26: {  	v4 =	vld [tilespmem:$0x19400]  }
0x27: {  	v5 =	vld [tilespmem:$0x19410]  }
0x28: {  	v6 =	vld [tilespmem:$0x19420]  }
0x29: {  	v7 =	vld [tilespmem:$0x19430]  }
0x2a: {  	v8 =	vld [tilespmem:$0x19440]  }
0x2b: {  	v9 =	vld [tilespmem:$0x19450]  }
0x2c: {  	v10 =	vld [tilespmem:$0x19460]  }
0x2d: {  	s31 =	rddreg [dreg:$0x6];
	v11 =	vld [tilespmem:$0x19470]  }
0x2e: {  	v12 =	vld [tilespmem:$0x19480];
	[tilespmem:s6], [sflag:$0x5] =	stream.linear.gather [hbm4b:s31+s6], $0xC8, $0x38  }
0x2f: {  	_ =	swait.ge [sflag:s16], $0xC8  }
0x30: {  	[sflag:s16] =	ssyncset.done $0x0  }
0x31: {  	[sflag:s16] =	ssyncadd.s32 $0xFFFFFF38  }
0x32: {  	[tilespmem:s18], [sflag:$0x5] =	stream.linear.gather [hbm4b:s12+s6], $0xC8, $0x38;
	[tilespmem:$0x19F00] =	vst v63  }
0x33: {  	_ =	swait.ge [sflag:s16], $0xC8  }
.Ltmp2:
0x34: {  	[sflag:s16] =	ssyncset.done $0x0;
	(pc) =	sbr.rel .LBB2_2-.Ltmp2, $4  }
0x35: {  	[sflag:s16] =	ssyncadd.s32 $0xFFFFFF38  }
0x36: {  	[tilespmem:s20], [sflag:$0x1] =	stream.indirect.gather [hbm4b:s7+s19], $0x80, s6, s19, $0xb8;
	[tilespmem:$0x19F00] =	vst v63  }
0x37: {  	s30 =	simm.s32 $0x0  }
0x38: {  	[tilespmem:s21], [sflag:$0x1] =	stream.indirect.gather [hbm4b:s9+s19], $0x80, s18, s19, $0xb8;
	[tilespmem:$0x19F00] =	vst v63  }
.LBB2_12:
0x39: {  	s30 =	sadd.s32 $0x1, s30  }
0x3a: {  	p0 =	sne.s32 s30, $0xD  }
.Ltmp3:
0x3b: {  	_ = 	snop;
	(pc) =	sbr.rel @!p0 .LBB2_13-.Ltmp3, $1  }
0x3c: {  	_ =	sdelay $0x3  }
.LBB2_2:
0x3d: {  	s31 =	sshllo.u32 s30, $0x1  }
0x3e: {  	p0 =	sgt.u32 s31, $0x18  }
0x3f: {  	s2 =	smul.u32 @!p0 $0xC8, s31;
	_ =	sdelay $0x1  }
0x40: {  	s2 =	sadd.s32 @!p0 s8, s2  }
0x41: {  	s2 =	sshrl.u32 @!p0 s2, $0x3  }
0x42: {  	s4 =	simm.s32 @!p0 $0x0;
	s5 =	simm.s32 @!p0 $0x200;
	s3 =	sadd.s32 @!p0 s0, s2  }
0x43: {  	[tilespmem:s5], [sflag:$0x5] =	stream.linear.gather @!p0 [hbm4b:s3+s4], $0xC8, $0x38;
	[tilespmem:$0x19F00] =	vst v63  }
0x44: {  	s3 =	simm.s32 @!p0 $0x5  }
0x45: {  	_ =	swait.ge @!p0 [sflag:s3], $0xC8  }
0x46: {  	[sflag:s3] =	ssyncset.done @!p0 $0x0  }
0x47: {  	s11 =	simm.s32 @!p0 $0x300;
	s2 =	sadd.s32 @!p0 s1, s2;
	[sflag:s3] =	ssyncadd.s32 @!p0 $0xFFFFFF38  }
0x48: {  	[tilespmem:s11], [sflag:$0x5] =	stream.linear.gather @!p0 [hbm4b:s2+s4], $0xC8, $0x38;
	[tilespmem:$0x19F00] =	vst v63  }
0x49: {  	_ =	swait.ge @!p0 [sflag:s3], $0xC8  }
0x4a: {  	[sflag:s3] =	ssyncset.done @!p0 $0x0  }
0x4b: {  	s2 =	simm.s32 @!p0 $0xC8;
	[sflag:s3] =	ssyncadd.s32 @!p0 $0xFFFFFF38;
	s3 =	simm.s32 @!p0 $0xCC00  }
0x4c: {  	[tilespmem:s3], [sflag:$0x2] =	stream.indirect.gather @!p0 [hbm4b:s7+s2], $0x80, s5, s2, $0xb8;
	[tilespmem:$0x19F00] =	vst v63  }
0x4d: {  	s3 =	simm.s32 @!p0 $0x13000  }
0x4e: {  	[tilespmem:s3], [sflag:$0x2] =	stream.indirect.gather @!p0 [hbm4b:s9+s2], $0x80, s11, s2, $0xb8;
	[tilespmem:$0x19F00] =	vst v63  }
0x4f: {  	_ =	swait.ge [sflag:s22], $0x6400  }
0x50: {  	[sflag:s22] =	ssyncset.done $0x0  }
0x51: {  	[sflag:s22] =	ssyncadd.s32 $0xFFFF9C00  }
0x52: {  	_ =	swait.ge [sflag:s22], $0x6400  }
0x53: {  	p1 =	seq.s32 s30, $0x0;
	[sflag:s22] =	ssyncset.done $0x0  }
0x54: {  	s2 =	simm.s32 @!p1 $0x3;
	[sflag:s22] =	ssyncadd.s32 $0xFFFF9C00  }
0x55: {  	_ =	swait.ge @!p1 [sflag:s2], $0xC8  }
0x56: {  	[sflag:s2] =	ssyncset.done @!p1 $0x0  }
0x57: {  	s5 =	simm.s32 $0x0;
	s3 =	simm.s32 $0x0;
	[sflag:s2] =	ssyncadd.s32 @!p1 $0xFFFFFF38  }
.LBB2_3:
0x58: {  	s2 =	smin.u32 s3, $0xB8  }
0x59: {  	s2 =	sshll.u32 s2, $0x7  }
0x5a: {  	s11 =	sadd.s32 $0x500, s2  }
0x5b: {  	s2 =	sadd.s32 $0x6900, s2;
	v13 =	vld [tilespmem:s11+$0x80]  }
0x5c: {  	v14 =	vld [tilespmem:s2+$0x80]  }
0x5d: {  	v15 =	vld [tilespmem:s11+$0x90]  }
0x5e: {  	v16 =	vld [tilespmem:s2+$0x90]  }
0x5f: {  	v17 =	vld [tilespmem:s11+$0xA0]  }
0x60: {  	v18 =	vld [tilespmem:s2+$0xA0]  }
0x61: {  	v19 =	vld [tilespmem:s11+$0xB0]  }
0x62: {  	v20 =	vld [tilespmem:s2+$0xB0]  }
0x63: {  	v21 =	vld [tilespmem:s11+$0xC0]  }
0x64: {  	v22 =	vld [tilespmem:s2+$0xC0]  }
0x65: {  	v23 =	vld [tilespmem:s11+$0xD0]  }
0x66: {  	v24 =	vld [tilespmem:s2+$0xD0]  }
0x67: {  	v25 =	vld [tilespmem:s11+$0xE0]  }
0x68: {  	v26 =	vld [tilespmem:s2+$0xE0]  }
0x69: {  	v27 =	vld [tilespmem:s11+$0xF0]  }
0x6a: {  	v28 =	vld [tilespmem:s2+$0xF0]  }
0x6b: {  	v29 =	vld [tilespmem:s2+$0xFFFFFF00]  }
0x6c: {  	v30 =	vld [tilespmem:s11+$0xFFFFFF80]  }
0x6d: {  	v31 =	vld [tilespmem:s2+$0xFFFFFF80]  }
0x6e: {  	v32 =	vld [tilespmem:s11+$0x0]  }
0x6f: {  	v33 =	vld [tilespmem:s11+$0xFFFFFF00]  }
0x70: {  	v34 =	vld [tilespmem:s2+$0xFFFFFF10]  }
0x71: {  	v35 =	vld [tilespmem:s2+$0xFFFFFF90]  }
0x72: {  	v39 =	vld [tilespmem:s11+$0xFFFFFFA0]  }
0x73: {  	v40 =	vld [tilespmem:s11+$0x20];
	v13 =	vadd.f32 v14, v13  }
0x74: {  	v41 =	vld [tilespmem:s11+$0xFFFFFF30]  }
0x75: {  	v46 =	vld [tilespmem:s11+$0x30];
	v15 =	vadd.f32 v16, v15;
	v13 =	vmax.f32 v13, $0.0e+00  }
0x76: {  	v47 =	vld [tilespmem:s2+$0x30];
	v17 =	vadd.f32 v18, v17;
	v13 =	vmul.f32 v13, v4  }
0x77: {  	v42 =	vld [tilespmem:s2+$0xFFFFFF30];
	v19 =	vadd.f32 v20, v19;
	v21 =	vadd.f32 v22, v21;
	v15 =	vmax.f32 v15, $0.0e+00  }
0x78: {  	v44 =	vld [tilespmem:s11+$0xFFFFFFB0];
	v23 =	vadd.f32 v24, v23;
	v15 =	vmul.f32 v15, v5;
	v13 =	vadd.f32 $0.0e+00, v13  }
0x79: {  	v14 =	vld [tilespmem:s2+$0x0];
	v25 =	vadd.f32 v26, v25;
	v30 =	vadd.f32 v31, v30;
	v17 =	vmax.f32 v17, $0.0e+00  }
0x7a: {  	v16 =	vld [tilespmem:s11+$0xFFFFFF10];
	v27 =	vadd.f32 v28, v27;
	v13 =	vadd.f32 v15, v13;
	v15 =	vmul.f32 v17, v6  }
0x7b: {  	v45 =	vld [tilespmem:s2+$0xFFFFFFB0];
	v29 =	vadd.f32 v29, v33;
	v52 =	vadd.f32 v47, v46;
	v19 =	vmax.f32 v19, $0.0e+00  }
0x7c: {  	v18 =	vld [tilespmem:s11+$0xFFFFFF90];
	v21 =	vmax.f32 v21, $0.0e+00;
	v13 =	vadd.f32 v15, v13;
	v15 =	vmul.f32 v19, v7  }
0x7d: {  	v20 =	vld [tilespmem:s11+$0x10];
	v23 =	vmax.f32 v23, $0.0e+00;
	v25 =	vmax.f32 v25, $0.0e+00;
	v29 =	vmax.f32 v29, $0.0e+00  }
0x7e: {  	v22 =	vld [tilespmem:s11+$0xFFFFFF20];
	v14 =	vadd.f32 v14, v32;
	v13 =	vadd.f32 v15, v13;
	v15 =	vmul.f32 v21, v8  }
0x7f: {  	v43 =	vmax.f32 v30, $0.0e+00;
	v29 =	vmul.f32 v29, v4;
	v16 =	vadd.f32 v34, v16;
	v17 =	vld [tilespmem:s2+$0x10]  }
0x80: {  	v14 =	vmax.f32 v14, $0.0e+00;
	v19 =	vld [tilespmem:s2+$0xFFFFFF20];
	v13 =	vadd.f32 v15, v13;
	v15 =	vmul.f32 v23, v9  }
0x81: {  	v18 =	vadd.f32 v35, v18;
	v29 =	vadd.f32 $0.0e+00, v29;
	v14 =	vmul.f32 v14, v4;
	v21 =	vld [tilespmem:s2+$0xFFFFFFA0]  }
0x82: {  	v16 =	vmax.f32 v16, $0.0e+00;
	v23 =	vld [tilespmem:s2+$0x20];
	v13 =	vadd.f32 v15, v13;
	v15 =	vmul.f32 v25, v10  }
0x83: {  	v48 =	vld [tilespmem:s11+$0xFFFFFFC0];
	v18 =	vmax.f32 v18, $0.0e+00;
	v16 =	vmul.f32 v16, v5;
	v14 =	vadd.f32 $0.0e+00, v14  }
0x84: {  	v49 =	vld [tilespmem:s2+$0xFFFFFFC0];
	v17 =	vadd.f32 v17, v20;
	v15 =	vadd.f32 v15, v13;
	v13 =	vmul.f32 v43, v4  }
0x85: {  	v50 =	vld [tilespmem:s11+$0x40];
	v18 =	vmul.f32 v18, v5;
	v16 =	vadd.f32 v16, v29;
	v19 =	vadd.f32 v19, v22  }
0x86: {  	v20 =	vld [tilespmem:s11+$0xFFFFFF40];
	v17 =	vmax.f32 v17, $0.0e+00;
	v21 =	vadd.f32 v21, v39;
	v13 =	vadd.f32 $0.0e+00, v13  }
0x87: {  	v22 =	vld [tilespmem:s2+$0xFFFFFF40];
	v17 =	vmul.f32 v17, v5;
	v19 =	vmax.f32 v19, $0.0e+00;
	v23 =	vadd.f32 v23, v40  }
0x88: {  	v51 =	vld [tilespmem:s11+$0xFFFFFF50];
	v21 =	vmax.f32 v21, $0.0e+00;
	v13 =	vadd.f32 v18, v13;
	v18 =	vmul.f32 v19, v6  }
0x89: {  	v53 =	vld [tilespmem:s11+$0xFFFFFFD0];
	v14 =	vadd.f32 v17, v14;
	v23 =	vmax.f32 v23, $0.0e+00;
	v19 =	vmul.f32 v21, v6  }
0x8a: {  	v54 =	vld [tilespmem:s11+$0x50];
	v17 =	vadd.f32 v42, v41;
	v16 =	vadd.f32 v18, v16;
	v18 =	vmul.f32 v23, v6  }
0x8b: {  	v21 =	vld [tilespmem:s2+$0x40];
	v13 =	vadd.f32 v19, v13;
	v23 =	vadd.f32 v45, v44  }
0x8c: {  	v17 =	vmax.f32 v17, $0.0e+00;
	v19 =	vld [tilespmem:s2+$0xFFFFFF50];
	v14 =	vadd.f32 v18, v14;
	v18 =	vadd.f32 v22, v20  }
0x8d: {  	v24 =	vadd.f32 v49, v48;
	v17 =	vmul.f32 v17, v7;
	v20 =	vld [tilespmem:s2+$0xFFFFFFD0];
	v22 =	vmax.f32 v23, $0.0e+00  }
0x8e: {  	v55 =	vld [tilespmem:s2+$0x50];
	v23 =	vmax.f32 v52, $0.0e+00;
	v22 =	vmul.f32 v22, v7;
	v18 =	vmax.f32 v18, $0.0e+00  }
0x8f: {  	v56 =	vld [tilespmem:s11+$0xFFFFFF60];
	v16 =	vadd.f32 v17, v16;
	v23 =	vmul.f32 v23, v7;
	v17 =	vmul.f32 v18, v8  }
0x90: {  	v21 =	vadd.f32 v21, v50;
	v18 =	vmax.f32 v24, $0.0e+00;
	v13 =	vadd.f32 v22, v13;
	v22 =	vld [tilespmem:s2+$0xFFFFFF60]  }
0x91: {  	v57 =	vld [tilespmem:s2+$0xFFFFFFE0];
	v14 =	vadd.f32 v23, v14;
	v18 =	vmul.f32 v18, v8;
	v23 =	vadd.f32 v17, v16  }
0x92: {  	v16 =	vld [tilespmem:s11+$0xFFFFFFE0];
	v17 =	vadd.f32 v19, v51;
	v19 =	vmax.f32 v27, $0.0e+00;
	v20 =	vadd.f32 v20, v53  }
0x93: {  	v59 =	vld [tilespmem:s2+$0x60];
	v18 =	vadd.f32 v18, v13;
	v19 =	vmul.f32 v19, v11;
	v13 =	vmax.f32 v21, $0.0e+00  }
0x94: {  	v21 =	vld [tilespmem:s11+$0x60];
	v58 =	vmul.f32 v13, v8;
	v13 =	vmax.f32 v17, $0.0e+00;
	v17 =	vadd.f32 v55, v54  }
0x95: {  	v20 =	vmax.f32 v20, $0.0e+00;
	v60 =	vmul.f32 v13, v9;
	v22 =	vadd.f32 v22, v56;
	v13 =	vld [tilespmem:s11+$0xFFFFFF70]  }
0x96: {  	v20 =	vmul.f32 v20, v9;
	v62 =	vadd.f32 v19, v15;
	v61 =	vmax.f32 v17, $0.0e+00;
	v17 =	vld [tilespmem:s2+$0xFFFFFF70]  }
0x97: {  	v19 =	vld [tilespmem:s2+$0xFFFFFFF0];
	v14 =	vadd.f32 v58, v14;
	v22 =	vmax.f32 v22, $0.0e+00;
	v25 =	vadd.f32 v57, v16  }
0x98: {  	v24 =	vmul.f32 v61, v9;
	v16 =	vld [tilespmem:s11+$0xFFFFFFF0];
	v28 =	vadd.f32 v60, v23;
	v22 =	vmul.f32 v22, v10  }
0x99: {  	s4 =	sshll.u32 s5, $0x4;
	s15 =	simm.s32 $0x19600;
	v15 =	vadd.f32 v20, v18;
	v20 =	vld [tilespmem:s11+$0x70];
	v23 =	vadd.f32 v59, v21;
	v63 =	vmax.f32 v25, $0.0e+00  }
0x9a: {  	s17 =	simm.s32 $0x0;
	s4 =	smin.u32 s4, $0xB8;
	[tilespmem:s15+$0x80] =	vst v62;
	s11 =	sadd.s32 $0x200, s11;
	v21 =	vld [tilespmem:s2+$0x70];
	v14 =	vadd.f32 v24, v14;
	v18 =	vadd.f32 v22, v28;
	v22 =	vmul.f32 v63, v10  }
.LBB2_4:
0x9b: {  	v24 =	vld [tilespmem:s11+$0x80];
	v13 =	vadd.f32 v17, v13;
	v17 =	vmax.f32 v23, $0.0e+00;
	s2 =	sadd.s32 $0x200, s2  }
0x9c: {  	s17 =	sadd.s32 $0x4, s17;
	v23 =	vld [tilespmem:s2+$0x80];
	v15 =	vadd.f32 v22, v15;
	v17 =	vmul.f32 v17, v10  }
0x9d: {  	p2 =	slt.u32 s17, $0xC;
	v22 =	vld [tilespmem:s11+$0x90];
	v13 =	vmax.f32 v13, $0.0e+00;
	v16 =	vadd.f32 v19, v16  }
0x9e: {  	v19 =	vld [tilespmem:s2+$0x90];
	v13 =	vmul.f32 v13, v11;
	v14 =	vadd.f32 v17, v14  }
0x9f: {  	v17 =	vld [tilespmem:s11+$0xA0];
	v16 =	vmax.f32 v16, $0.0e+00;
	v20 =	vadd.f32 v21, v20  }
0xa0: {  	v21 =	vld [tilespmem:s2+$0xA0];
	v13 =	vadd.f32 v13, v18;
	v16 =	vmul.f32 v16, v11  }
0xa1: {  	v18 =	vadd.f32 v23, v24;
	v23 =	vld [tilespmem:s11+$0xB0];
	v20 =	vmax.f32 v20, $0.0e+00  }
0xa2: {  	v24 =	vld [tilespmem:s2+$0xB0];
	[tilespmem:s15+$0xFFFFFF00] =	vst v13;
	v13 =	vadd.f32 v16, v15;
	v15 =	vmul.f32 v20, v11  }
0xa3: {  	v16 =	vmax.f32 v18, $0.0e+00;
	v18 =	vadd.f32 v19, v22;
	v19 =	vld [tilespmem:s11+$0xC0]  }
0xa4: {  	v16 =	vmul.f32 v16, v4;
	v20 =	vld [tilespmem:s2+$0xC0];
	[tilespmem:s15+$0xFFFFFF80] =	vst v13;
	v13 =	vadd.f32 v15, v14  }
0xa5: {  	v14 =	vmax.f32 v18, $0.0e+00;
	v15 =	vadd.f32 v21, v17;
	v17 =	vld [tilespmem:s11+$0xD0]  }
0xa6: {  	v16 =	vadd.f32 $0.0e+00, v16;
	v14 =	vmul.f32 v14, v5;
	v18 =	vld [tilespmem:s2+$0xD0];
	[tilespmem:s15+$0x0] =	vst v13  }
0xa7: {  	v13 =	vmax.f32 v15, $0.0e+00;
	v15 =	vadd.f32 v24, v23;
	v21 =	vld [tilespmem:s11+$0xE0]  }
0xa8: {  	v14 =	vadd.f32 v14, v16;
	v13 =	vmul.f32 v13, v6;
	v16 =	vld [tilespmem:s2+$0xE0]  }
0xa9: {  	v15 =	vmax.f32 v15, $0.0e+00;
	v19 =	vadd.f32 v20, v19;
	v20 =	vld [tilespmem:s11+$0xF0]  }
0xaa: {  	v13 =	vadd.f32 v13, v14;
	v14 =	vmul.f32 v15, v7;
	v15 =	vld [tilespmem:s2+$0xF0]  }
0xab: {  	v22 =	vld [tilespmem:s2+$0xFFFFFF00];
	v19 =	vmax.f32 v19, $0.0e+00;
	v17 =	vadd.f32 v18, v17  }
0xac: {  	v18 =	vld [tilespmem:s11+$0xFFFFFF80];
	v13 =	vadd.f32 v14, v13;
	v14 =	vmul.f32 v19, v8  }
0xad: {  	v19 =	vld [tilespmem:s2+$0xFFFFFF80];
	v17 =	vmax.f32 v17, $0.0e+00;
	v16 =	vadd.f32 v16, v21  }
0xae: {  	v21 =	vld [tilespmem:s11+$0x0];
	v13 =	vadd.f32 v14, v13;
	v14 =	vmul.f32 v17, v9  }
0xaf: {  	v17 =	vld [tilespmem:s2+$0x0];
	v16 =	vmax.f32 v16, $0.0e+00;
	v15 =	vadd.f32 v15, v20  }
0xb0: {  	v20 =	vld [tilespmem:s11+$0xFFFFFF00];
	v13 =	vadd.f32 v14, v13;
	v14 =	vmul.f32 v16, v10  }
0xb1: {  	v16 =	vld [tilespmem:s11+$0xFFFFFF10];
	v15 =	vmax.f32 v15, $0.0e+00  }
0xb2: {  	v23 =	vld [tilespmem:s2+$0xFFFFFF10];
	v18 =	vadd.f32 v19, v18;
	v13 =	vadd.f32 v14, v13;
	v14 =	vmul.f32 v15, v11  }
0xb3: {  	v15 =	vld [tilespmem:s11+$0xFFFFFF90]  }
0xb4: {  	v18 =	vmax.f32 v18, $0.0e+00;
	v19 =	vld [tilespmem:s2+$0xFFFFFF90];
	v17 =	vadd.f32 v17, v21;
	v13 =	vadd.f32 v14, v13  }
0xb5: {  	s15 =	sadd.s32 $0x200, s15;
	v14 =	vadd.f32 v22, v20;
	v18 =	vmul.f32 v18, v4;
	v20 =	vld [tilespmem:s11+$0x10]  }
0xb6: {  	v17 =	vmax.f32 v17, $0.0e+00;
	v21 =	vld [tilespmem:s2+$0x10];
	[tilespmem:s15+$0x80] =	vst v13  }
0xb7: {  	v13 =	vmax.f32 v14, $0.0e+00;
	v14 =	vadd.f32 v23, v16;
	v16 =	vld [tilespmem:s11+$0xFFFFFF20];
	v17 =	vmul.f32 v17, v4  }
0xb8: {  	v18 =	vadd.f32 $0.0e+00, v18;
	v13 =	vmul.f32 v13, v4;
	v22 =	vld [tilespmem:s2+$0xFFFFFF20]  }
0xb9: {  	v14 =	vmax.f32 v14, $0.0e+00;
	v15 =	vadd.f32 v19, v15;
	v19 =	vld [tilespmem:s11+$0xFFFFFFA0];
	v17 =	vadd.f32 $0.0e+00, v17  }
0xba: {  	v13 =	vadd.f32 $0.0e+00, v13;
	v14 =	vmul.f32 v14, v5;
	v23 =	vld [tilespmem:s2+$0xFFFFFFA0]  }
0xbb: {  	v15 =	vmax.f32 v15, $0.0e+00;
	v20 =	vadd.f32 v21, v20;
	v21 =	vld [tilespmem:s11+$0x20]  }
0xbc: {  	v13 =	vadd.f32 v14, v13;
	v14 =	vmul.f32 v15, v5;
	v15 =	vld [tilespmem:s2+$0x20]  }
0xbd: {  	v16 =	vadd.f32 v22, v16;
	v22 =	vld [tilespmem:s11+$0xFFFFFF30];
	v20 =	vmax.f32 v20, $0.0e+00  }
0xbe: {  	v24 =	vld [tilespmem:s2+$0xFFFFFF30];
	v14 =	vadd.f32 v14, v18;
	v18 =	vmul.f32 v20, v5  }
0xbf: {  	v16 =	vmax.f32 v16, $0.0e+00;
	v19 =	vadd.f32 v23, v19;
	v20 =	vld [tilespmem:s11+$0xFFFFFFB0]  }
0xc0: {  	v16 =	vmul.f32 v16, v6;
	v23 =	vld [tilespmem:s2+$0xFFFFFFB0];
	v17 =	vadd.f32 v18, v17  }
0xc1: {  	v18 =	vmax.f32 v19, $0.0e+00;
	v15 =	vadd.f32 v15, v21;
	v19 =	vld [tilespmem:s11+$0x30]  }
0xc2: {  	v13 =	vadd.f32 v16, v13;
	v16 =	vmul.f32 v18, v6;
	v18 =	vld [tilespmem:s2+$0x30]  }
0xc3: {  	v21 =	vadd.f32 v24, v22;
	v22 =	vld [tilespmem:s11+$0xFFFFFF40];
	v15 =	vmax.f32 v15, $0.0e+00  }
0xc4: {  	v24 =	vld [tilespmem:s2+$0xFFFFFF40];
	v14 =	vadd.f32 v16, v14;
	v15 =	vmul.f32 v15, v6  }
0xc5: {  	v16 =	vmax.f32 v21, $0.0e+00;
	v20 =	vadd.f32 v23, v20;
	v21 =	vld [tilespmem:s11+$0xFFFFFFC0]  }
0xc6: {  	v16 =	vmul.f32 v16, v7;
	v23 =	vld [tilespmem:s2+$0xFFFFFFC0];
	v15 =	vadd.f32 v15, v17  }
0xc7: {  	v17 =	vmax.f32 v20, $0.0e+00;
	v18 =	vadd.f32 v18, v19;
	v19 =	vld [tilespmem:s11+$0x40]  }
0xc8: {  	v13 =	vadd.f32 v16, v13;
	v16 =	vmul.f32 v17, v7;
	v17 =	vld [tilespmem:s2+$0x40]  }
0xc9: {  	v20 =	vadd.f32 v24, v22;
	v22 =	vld [tilespmem:s11+$0xFFFFFF50];
	v18 =	vmax.f32 v18, $0.0e+00  }
0xca: {  	v24 =	vld [tilespmem:s2+$0xFFFFFF50];
	v14 =	vadd.f32 v16, v14;
	v16 =	vmul.f32 v18, v7  }
0xcb: {  	v18 =	vmax.f32 v20, $0.0e+00;
	v20 =	vadd.f32 v23, v21;
	v21 =	vld [tilespmem:s11+$0xFFFFFFD0]  }
0xcc: {  	v18 =	vmul.f32 v18, v8;
	v23 =	vld [tilespmem:s2+$0xFFFFFFD0];
	v15 =	vadd.f32 v16, v15  }
0xcd: {  	v16 =	vmax.f32 v20, $0.0e+00;
	v17 =	vadd.f32 v17, v19;
	v19 =	vld [tilespmem:s11+$0x50]  }
0xce: {  	v13 =	vadd.f32 v18, v13;
	v16 =	vmul.f32 v16, v8;
	v18 =	vld [tilespmem:s2+$0x50]  }
0xcf: {  	v20 =	vadd.f32 v24, v22;
	v22 =	vld [tilespmem:s11+$0xFFFFFF60];
	v17 =	vmax.f32 v17, $0.0e+00  }
0xd0: {  	v24 =	vld [tilespmem:s2+$0xFFFFFF60];
	v14 =	vadd.f32 v16, v14;
	v16 =	vmul.f32 v17, v8  }
0xd1: {  	v17 =	vmax.f32 v20, $0.0e+00;
	v20 =	vadd.f32 v23, v21;
	v21 =	vld [tilespmem:s11+$0xFFFFFFE0]  }
0xd2: {  	v17 =	vmul.f32 v17, v9;
	v23 =	vld [tilespmem:s2+$0xFFFFFFE0];
	v25 =	vadd.f32 v16, v15  }
0xd3: {  	v15 =	vmax.f32 v20, $0.0e+00;
	v16 =	vadd.f32 v18, v19;
	v18 =	vld [tilespmem:s11+$0x60]  }
0xd4: {  	v26 =	vadd.f32 v17, v13;
	v15 =	vmul.f32 v15, v9;
	v20 =	vld [tilespmem:s2+$0x60]  }
0xd5: {  	v19 =	vadd.f32 v24, v22;
	v13 =	vld [tilespmem:s11+$0xFFFFFF70];
	v16 =	vmax.f32 v16, $0.0e+00  }
.Ltmp4:
0xd6: {  	v17 =	vld [tilespmem:s2+$0xFFFFFF70];
	v15 =	vadd.f32 v15, v14;
	v14 =	vmul.f32 v16, v9;
	(pc) =	sbr.rel @p2 .LBB2_4-.Ltmp4, $4  }
0xd7: {  	v19 =	vmax.f32 v19, $0.0e+00;
	v21 =	vadd.f32 v23, v21;
	v16 =	vld [tilespmem:s11+$0xFFFFFFF0]  }
0xd8: {  	v22 =	vmul.f32 v19, v10;
	v19 =	vld [tilespmem:s2+$0xFFFFFFF0];
	v14 =	vadd.f32 v14, v25  }
0xd9: {  	v21 =	vmax.f32 v21, $0.0e+00;
	v23 =	vadd.f32 v20, v18;
	v20 =	vld [tilespmem:s11+$0x70]  }
0xda: {  	s11 =	sadd.s32 $0x200, s11;
	v18 =	vadd.f32 v22, v26;
	v22 =	vmul.f32 v21, v10;
	v21 =	vld [tilespmem:s2+$0x70]  }
0xdb: {  	_ =	sdelay $0x1  }
0xdc: {  	v13 =	vadd.f32 v17, v13  }
0xdd: {  	v16 =	vadd.f32 v19, v16  }
0xde: {  	v55 =	vmax.f32 v23, $0.0e+00;
	v13 =	vmax.f32 v13, $0.0e+00;
	v56 =	vadd.f32 v21, v20  }
0xdf: {  	v17 =	vmul.f32 v55, v10;
	v13 =	vmul.f32 v13, v11;
	v16 =	vmax.f32 v16, $0.0e+00  }
0xe0: {  	v15 =	vadd.f32 v22, v15;
	v16 =	vmul.f32 v16, v11;
	v19 =	vmax.f32 v56, $0.0e+00  }
0xe1: {  	v14 =	vadd.f32 v17, v14;
	v13 =	vadd.f32 v13, v18;
	v57 =	vmul.f32 v19, v11  }
0xe2: {  	v15 =	vadd.f32 v16, v15  }
0xe3: {  	[tilespmem:s15+$0xFFFFFF00] =	vst v13;
	v13 =	vadd.f32 v57, v14  }
0xe4: {  	[tilespmem:s15+$0xFFFFFF80] =	vst v15  }
0xe5: {  	[tilespmem:s15+$0x0] =	vst v13  }
0xe6: {  	v13 =	vld [tilespmem:$0x19500]  }
0xe7: {  	v14 =	vld [tilespmem:$0x19580]  }
0xe8: {  	v15 =	vld [tilespmem:$0x19600]  }
0xe9: {  	v58 =	vld [tilespmem:$0x19680]  }
0xea: {  	v59 =	vld [tilespmem:$0x19700]  }
0xeb: {  	v60 =	vld [tilespmem:$0x19780]  }
0xec: {  	v63 =	vld [tilespmem:$0x19800]  }
0xed: {  	v24 =	vld [tilespmem:$0x19880]  }
0xee: {  	v34 =	vld [tilespmem:$0x19900]  }
0xef: {  	v35 =	vld [tilespmem:$0x19980]  }
0xf0: {  	v25 =	vld [tilespmem:$0x19A00];
	v61 =	vperm.xlane v13, v0;
	v62 =	vperm.xlane v14, v0  }
0xf1: {  	v39 =	vld [tilespmem:$0x19B00];
	v32 =	vperm.xlane v15, v0;
	v33 =	vperm.xlane v58, v0  }
0xf2: {  	v26 =	vld [tilespmem:$0x19B80];
	v36 =	vperm.xlane v59, v0;
	v37 =	vperm.xlane v60, v0  }
0xf3: {  	v42 =	vperm.xlane v63, v0;
	v44 =	vperm.xlane v24, v0  }
0xf4: {  	v28 =	vld [tilespmem:$0x19C80];
	v45 =	vperm.xlane v34, v0;
	v29 =	vperm.xlane v35, v0  }
0xf5: {  	v43 =	vld [tilespmem:$0x19C00];
	v46 =	vperm.xlane v25, v0;
	v13 =	vadd.f32 v61, v13;
	v14 =	vadd.f32 v62, v14  }
0xf6: {  	v48 =	vperm.xlane v39, v0;
	v15 =	vadd.f32 v32, v15;
	v16 =	vadd.f32 v33, v58  }
0xf7: {  	v49 =	vperm.xlane v26, v0;
	v17 =	vadd.f32 v36, v59;
	v18 =	vadd.f32 v37, v60  }
0xf8: {  	v23 =	vadd.f32 v44, v24;
	v13 =	vsel vm0, v13, v14;
	v14 =	vsel vm0, v15, v16;
	v15 =	vld [tilespmem:$0x19A80]  }
0xf9: {  	v51 =	vperm.xlane v28, v0;
	v19 =	vadd.f32 v45, v34;
	v20 =	vadd.f32 v29, v35  }
0xfa: {  	v50 =	vperm.xlane v43, v0;
	v24 =	vadd.f32 v46, v25;
	v22 =	vadd.f32 v48, v39  }
0xfb: {  	v52 =	vadd.f32 v49, v26;
	v53 =	vadd.f32 v51, v28;
	v41 =	vsel vm0, v17, v18  }
0xfc: {  	v17 =	vadd.f32 v42, v63;
	v19 =	vsel vm0, v19, v20;
	v38 =	vperm.xlane v13, v1  }
0xfd: {  	v18 =	vadd.f32 v50, v43;
	v40 =	vperm.xlane v14, v1;
	v47 =	vperm.xlane v15, v0  }
0xfe: {  	v22 =	vsel vm0, v22, v52;
	v27 =	vperm.xlane v41, v1;
	v55 =	vperm.xlane v19, v1  }
0xff: {  	v57 =	vperm.xlane v22, v1;
	v17 =	vsel vm0, v17, v23;
	v15 =	vadd.f32 v47, v15  }
0x100: {  	v18 =	vsel vm0, v18, v53;
	v13 =	vadd.f32 v38, v13;
	v14 =	vadd.f32 v40, v14  }
0x101: {  	v16 =	vadd.f32 v27, v41;
	v54 =	vperm.xlane v17, v1;
	v15 =	vsel vm0, v24, v15  }
0x102: {  	v58 =	vperm.xlane v18, v1;
	v19 =	vadd.f32 v55, v19;
	v56 =	vperm.xlane v15, v1  }
0x103: {  	v17 =	vadd.f32 v54, v17;
	v13 =	vsel vm1, v13, v14;
	v14 =	vadd.f32 v57, v22  }
0x104: {  	v18 =	vadd.f32 v58, v18;
	v15 =	vadd.f32 v56, v15  }
0x105: {  	v59 =	vperm.xlane v13, v2;
	v16 =	vsel vm1, v16, v17  }
0x106: {  	v14 =	vsel vm1, v14, v18;
	v60 =	vperm.xlane v16, v2;
	v15 =	vsel vm1, v19, v15  }
0x107: {  	v62 =	vperm.xlane v14, v2;
	v61 =	vperm.xlane v15, v2  }
0x108: {  	v13 =	vadd.f32 v59, v13;
	v16 =	vadd.f32 v60, v16  }
0x109: {  	v14 =	vadd.f32 v62, v14;
	v15 =	vadd.f32 v61, v15;
	_ =	sdelay $0x1  }
0x10a: {  	v13 =	vsel vm2, v13, v16;
	v14 =	vsel vm2, v15, v14  }
0x10b: {  	v15 =	vperm.xlane v13, v3;
	v63 =	vperm.xlane v14, v3;
	_ =	sdelay $0x1  }
0x10c: {  	v13 =	vadd.f32 v15, v13;
	v14 =	vadd.f32 v63, v14;
	_ =	sdelay $0x1  }
0x10d: {  	v13 =	vsel vm3, v13, v14  }
0x10e: {  	v13 =	vadd.f32 v13, v12;
	_ =	sdelay $0x1  }
0x10f: {  	v13 =	vsub.f32 $0.0e+00, v13;
	_ =	sdelay $0x1  }
0x110: {  	v13 =	vmul.f32 $1.442695020e+00, v13;
	_ =	sdelay $0x1  }
0x111: {  	(erf) = vpow2.f32 v13;
	_ =	sdelay $0x8  }
0x112: {  	v13 =	vpop (erf)  }
0x113: {  	v13 =	vadd.f32 $1.000000000e+00, v13;
	_ =	sdelay $0x1  }
0x114: {  	(erf) = vrcp.f32 v13;
	_ =	sdelay $0x3  }
0x115: {  	s5 =	sadd.s32 $0x1, s5  }
0x116: {  	p2 =	sne.s32 s5, $0xD  }
.Ltmp5:
0x117: {  	_ = 	snop;
	(pc) =	sbr.rel @p2 .LBB2_3-.Ltmp5, $3  }
0x118: {  	_ =	sdelay $0x1  }
0x119: {  	v13 =	vpop (erf)  }
0x11a: {  	s3 =	sadd.s32 $0x10, s3;
	[tilespmem:s4+$0x19D00] =	vst v13  }
0x11b: {  	s2 =	smul.u32 $0x190, s30  }
.Ltmp6:
0x11c: {  	_ = 	snop;
	(pc) =	sbr.rel @p0 .LBB2_12-.Ltmp6, $4  }
0x11d: {  	s3 =	sadd.s32 s8, s2  }
0x11e: {  	s3 =	sshrl.u32 s3, $0x3  }
0x11f: {  	s3 =	sadd.s32 s10, s3  }
0x120: {  	[hbm4b:s3+s6] =	stream.linear.scatter [tilespmem:s23], [sflag:$0x3], $0xC8, $0x38;
	[tilespmem:$0x19F00] =	vst v63  }
0x121: {  	s2 =	sadd.s32 s2, s13  }
0x122: {  	s2 =	sshrl.u32 s2, $0x3  }
0x123: {  	s3 =	sadd.s32 s0, s2  }
0x124: {  	[tilespmem:s6], [sflag:$0x5] =	stream.linear.gather [hbm4b:s3+s6], $0xC8, $0x38;
	[tilespmem:$0x19F00] =	vst v63  }
0x125: {  	_ =	swait.ge [sflag:s16], $0xC8  }
0x126: {  	[sflag:s16] =	ssyncset.done $0x0  }
0x127: {  	s2 =	sadd.s32 s1, s2;
	[sflag:s16] =	ssyncadd.s32 $0xFFFFFF38  }
0x128: {  	[tilespmem:s18], [sflag:$0x5] =	stream.linear.gather [hbm4b:s2+s6], $0xC8, $0x38;
	[tilespmem:$0x19F00] =	vst v63  }
0x129: {  	_ =	swait.ge [sflag:s16], $0xC8  }
0x12a: {  	[sflag:s16] =	ssyncset.done $0x0  }
0x12b: {  	[sflag:s16] =	ssyncadd.s32 $0xFFFFFF38  }
0x12c: {  	[tilespmem:s20], [sflag:$0x1] =	stream.indirect.gather [hbm4b:s7+s19], $0x80, s6, s19, $0xb8;
	[tilespmem:$0x19F00] =	vst v63  }
0x12d: {  	_ = 	snop  }
0x12e: {  	[tilespmem:s21], [sflag:$0x1] =	stream.indirect.gather [hbm4b:s9+s19], $0x80, s18, s19, $0xb8;
	[tilespmem:$0x19F00] =	vst v63  }
0x12f: {  	_ =	swait.ge [sflag:s24], $0x6400  }
0x130: {  	[sflag:s24] =	ssyncset.done $0x0  }
0x131: {  	[sflag:s24] =	ssyncadd.s32 $0xFFFF9C00  }
0x132: {  	_ =	swait.ge [sflag:s24], $0x6400  }
0x133: {  	[sflag:s24] =	ssyncset.done $0x0  }
0x134: {  	s2 =	simm.s32 @!p1 $0x4;
	[sflag:s24] =	ssyncadd.s32 $0xFFFF9C00  }
0x135: {  	_ =	swait.ge @!p1 [sflag:s2], $0xC8  }
0x136: {  	[sflag:s2] =	ssyncset.done @!p1 $0x0  }
0x137: {  	s5 =	simm.s32 $0x0;
	s3 =	simm.s32 $0x0;
	[sflag:s2] =	ssyncadd.s32 @!p1 $0xFFFFFF38  }
.LBB2_8:
0x138: {  	s2 =	smin.u32 s3, $0xB8  }
0x139: {  	s2 =	sshll.u32 s2, $0x7  }
0x13a: {  	s11 =	sadd.s32 $0xCD00, s2  }
0x13b: {  	s2 =	sadd.s32 $0x13100, s2;
	v13 =	vld [tilespmem:s11+$0x80]  }
0x13c: {  	v14 =	vld [tilespmem:s2+$0x80]  }
0x13d: {  	v15 =	vld [tilespmem:s11+$0x90]  }
0x13e: {  	v16 =	vld [tilespmem:s2+$0x90]  }
0x13f: {  	v17 =	vld [tilespmem:s11+$0xA0]  }
0x140: {  	v18 =	vld [tilespmem:s2+$0xA0]  }
0x141: {  	v19 =	vld [tilespmem:s11+$0xB0]  }
0x142: {  	v20 =	vld [tilespmem:s2+$0xB0]  }
0x143: {  	v21 =	vld [tilespmem:s11+$0xC0]  }
0x144: {  	v22 =	vld [tilespmem:s2+$0xC0]  }
0x145: {  	v23 =	vld [tilespmem:s11+$0xD0]  }
0x146: {  	v24 =	vld [tilespmem:s2+$0xD0]  }
0x147: {  	v25 =	vld [tilespmem:s11+$0xE0]  }
0x148: {  	v26 =	vld [tilespmem:s2+$0xE0]  }
0x149: {  	v27 =	vld [tilespmem:s11+$0xF0]  }
0x14a: {  	v28 =	vld [tilespmem:s2+$0xF0]  }
0x14b: {  	v29 =	vld [tilespmem:s2+$0xFFFFFF00]  }
0x14c: {  	v30 =	vld [tilespmem:s11+$0xFFFFFF80]  }
0x14d: {  	v31 =	vld [tilespmem:s2+$0xFFFFFF80]  }
0x14e: {  	v32 =	vld [tilespmem:s11+$0x0]  }
0x14f: {  	v33 =	vld [tilespmem:s11+$0xFFFFFF00]  }
0x150: {  	v34 =	vld [tilespmem:s2+$0xFFFFFF10]  }
0x151: {  	v35 =	vld [tilespmem:s2+$0xFFFFFF90]  }
0x152: {  	v39 =	vld [tilespmem:s11+$0xFFFFFFA0]  }
0x153: {  	v40 =	vld [tilespmem:s11+$0x20];
	v13 =	vadd.f32 v14, v13  }
0x154: {  	v41 =	vld [tilespmem:s11+$0xFFFFFF30]  }
0x155: {  	v46 =	vld [tilespmem:s11+$0x30];
	v15 =	vadd.f32 v16, v15;
	v13 =	vmax.f32 v13, $0.0e+00  }
0x156: {  	v47 =	vld [tilespmem:s2+$0x30];
	v17 =	vadd.f32 v18, v17;
	v13 =	vmul.f32 v13, v4  }
0x157: {  	v42 =	vld [tilespmem:s2+$0xFFFFFF30];
	v19 =	vadd.f32 v20, v19;
	v21 =	vadd.f32 v22, v21;
	v15 =	vmax.f32 v15, $0.0e+00  }
0x158: {  	v44 =	vld [tilespmem:s11+$0xFFFFFFB0];
	v23 =	vadd.f32 v24, v23;
	v15 =	vmul.f32 v15, v5;
	v13 =	vadd.f32 $0.0e+00, v13  }
0x159: {  	v14 =	vld [tilespmem:s2+$0x0];
	v25 =	vadd.f32 v26, v25;
	v30 =	vadd.f32 v31, v30;
	v17 =	vmax.f32 v17, $0.0e+00  }
0x15a: {  	v16 =	vld [tilespmem:s11+$0xFFFFFF10];
	v27 =	vadd.f32 v28, v27;
	v13 =	vadd.f32 v15, v13;
	v15 =	vmul.f32 v17, v6  }
0x15b: {  	v45 =	vld [tilespmem:s2+$0xFFFFFFB0];
	v29 =	vadd.f32 v29, v33;
	v52 =	vadd.f32 v47, v46;
	v19 =	vmax.f32 v19, $0.0e+00  }
0x15c: {  	v18 =	vld [tilespmem:s11+$0xFFFFFF90];
	v21 =	vmax.f32 v21, $0.0e+00;
	v13 =	vadd.f32 v15, v13;
	v15 =	vmul.f32 v19, v7  }
0x15d: {  	v20 =	vld [tilespmem:s11+$0x10];
	v23 =	vmax.f32 v23, $0.0e+00;
	v25 =	vmax.f32 v25, $0.0e+00;
	v29 =	vmax.f32 v29, $0.0e+00  }
0x15e: {  	v22 =	vld [tilespmem:s11+$0xFFFFFF20];
	v14 =	vadd.f32 v14, v32;
	v13 =	vadd.f32 v15, v13;
	v15 =	vmul.f32 v21, v8  }
0x15f: {  	v43 =	vmax.f32 v30, $0.0e+00;
	v29 =	vmul.f32 v29, v4;
	v16 =	vadd.f32 v34, v16;
	v17 =	vld [tilespmem:s2+$0x10]  }
0x160: {  	v14 =	vmax.f32 v14, $0.0e+00;
	v19 =	vld [tilespmem:s2+$0xFFFFFF20];
	v13 =	vadd.f32 v15, v13;
	v15 =	vmul.f32 v23, v9  }
0x161: {  	v18 =	vadd.f32 v35, v18;
	v29 =	vadd.f32 $0.0e+00, v29;
	v14 =	vmul.f32 v14, v4;
	v21 =	vld [tilespmem:s2+$0xFFFFFFA0]  }
0x162: {  	v16 =	vmax.f32 v16, $0.0e+00;
	v23 =	vld [tilespmem:s2+$0x20];
	v13 =	vadd.f32 v15, v13;
	v15 =	vmul.f32 v25, v10  }
0x163: {  	v48 =	vld [tilespmem:s11+$0xFFFFFFC0];
	v18 =	vmax.f32 v18, $0.0e+00;
	v16 =	vmul.f32 v16, v5;
	v14 =	vadd.f32 $0.0e+00, v14  }
0x164: {  	v49 =	vld [tilespmem:s2+$0xFFFFFFC0];
	v17 =	vadd.f32 v17, v20;
	v15 =	vadd.f32 v15, v13;
	v13 =	vmul.f32 v43, v4  }
0x165: {  	v50 =	vld [tilespmem:s11+$0x40];
	v18 =	vmul.f32 v18, v5;
	v16 =	vadd.f32 v16, v29;
	v19 =	vadd.f32 v19, v22  }
0x166: {  	v20 =	vld [tilespmem:s11+$0xFFFFFF40];
	v17 =	vmax.f32 v17, $0.0e+00;
	v21 =	vadd.f32 v21, v39;
	v13 =	vadd.f32 $0.0e+00, v13  }
0x167: {  	v22 =	vld [tilespmem:s2+$0xFFFFFF40];
	v17 =	vmul.f32 v17, v5;
	v19 =	vmax.f32 v19, $0.0e+00;
	v23 =	vadd.f32 v23, v40  }
0x168: {  	v51 =	vld [tilespmem:s11+$0xFFFFFF50];
	v21 =	vmax.f32 v21, $0.0e+00;
	v13 =	vadd.f32 v18, v13;
	v18 =	vmul.f32 v19, v6  }
0x169: {  	v53 =	vld [tilespmem:s11+$0xFFFFFFD0];
	v14 =	vadd.f32 v17, v14;
	v23 =	vmax.f32 v23, $0.0e+00;
	v19 =	vmul.f32 v21, v6  }
0x16a: {  	v54 =	vld [tilespmem:s11+$0x50];
	v17 =	vadd.f32 v42, v41;
	v16 =	vadd.f32 v18, v16;
	v18 =	vmul.f32 v23, v6  }
0x16b: {  	v21 =	vld [tilespmem:s2+$0x40];
	v13 =	vadd.f32 v19, v13;
	v23 =	vadd.f32 v45, v44  }
0x16c: {  	v17 =	vmax.f32 v17, $0.0e+00;
	v19 =	vld [tilespmem:s2+$0xFFFFFF50];
	v14 =	vadd.f32 v18, v14;
	v18 =	vadd.f32 v22, v20  }
0x16d: {  	v24 =	vadd.f32 v49, v48;
	v17 =	vmul.f32 v17, v7;
	v20 =	vld [tilespmem:s2+$0xFFFFFFD0];
	v22 =	vmax.f32 v23, $0.0e+00  }
0x16e: {  	v55 =	vld [tilespmem:s2+$0x50];
	v23 =	vmax.f32 v52, $0.0e+00;
	v22 =	vmul.f32 v22, v7;
	v18 =	vmax.f32 v18, $0.0e+00  }
0x16f: {  	v56 =	vld [tilespmem:s11+$0xFFFFFF60];
	v16 =	vadd.f32 v17, v16;
	v23 =	vmul.f32 v23, v7;
	v17 =	vmul.f32 v18, v8  }
0x170: {  	v21 =	vadd.f32 v21, v50;
	v18 =	vmax.f32 v24, $0.0e+00;
	v13 =	vadd.f32 v22, v13;
	v22 =	vld [tilespmem:s2+$0xFFFFFF60]  }
0x171: {  	v57 =	vld [tilespmem:s2+$0xFFFFFFE0];
	v14 =	vadd.f32 v23, v14;
	v18 =	vmul.f32 v18, v8;
	v23 =	vadd.f32 v17, v16  }
0x172: {  	v16 =	vld [tilespmem:s11+$0xFFFFFFE0];
	v17 =	vadd.f32 v19, v51;
	v19 =	vmax.f32 v27, $0.0e+00;
	v20 =	vadd.f32 v20, v53  }
0x173: {  	v59 =	vld [tilespmem:s2+$0x60];
	v18 =	vadd.f32 v18, v13;
	v19 =	vmul.f32 v19, v11;
	v13 =	vmax.f32 v21, $0.0e+00  }
0x174: {  	v21 =	vld [tilespmem:s11+$0x60];
	v58 =	vmul.f32 v13, v8;
	v13 =	vmax.f32 v17, $0.0e+00;
	v17 =	vadd.f32 v55, v54  }
0x175: {  	v20 =	vmax.f32 v20, $0.0e+00;
	v60 =	vmul.f32 v13, v9;
	v22 =	vadd.f32 v22, v56;
	v13 =	vld [tilespmem:s11+$0xFFFFFF70]  }
0x176: {  	v20 =	vmul.f32 v20, v9;
	v62 =	vadd.f32 v19, v15;
	v61 =	vmax.f32 v17, $0.0e+00;
	v17 =	vld [tilespmem:s2+$0xFFFFFF70]  }
0x177: {  	v19 =	vld [tilespmem:s2+$0xFFFFFFF0];
	v14 =	vadd.f32 v58, v14;
	v22 =	vmax.f32 v22, $0.0e+00;
	v25 =	vadd.f32 v57, v16  }
0x178: {  	v24 =	vmul.f32 v61, v9;
	v16 =	vld [tilespmem:s11+$0xFFFFFFF0];
	v28 =	vadd.f32 v60, v23;
	v22 =	vmul.f32 v22, v10  }
0x179: {  	s4 =	sshll.u32 s5, $0x4;
	s15 =	simm.s32 $0x19600;
	v15 =	vadd.f32 v20, v18;
	v20 =	vld [tilespmem:s11+$0x70];
	v23 =	vadd.f32 v59, v21;
	v63 =	vmax.f32 v25, $0.0e+00  }
0x17a: {  	s17 =	simm.s32 $0x0;
	s4 =	smin.u32 s4, $0xB8;
	[tilespmem:s15+$0x80] =	vst v62;
	s11 =	sadd.s32 $0x200, s11;
	v21 =	vld [tilespmem:s2+$0x70];
	v14 =	vadd.f32 v24, v14;
	v18 =	vadd.f32 v22, v28;
	v22 =	vmul.f32 v63, v10  }
.LBB2_9:
0x17b: {  	v24 =	vld [tilespmem:s11+$0x80];
	v13 =	vadd.f32 v17, v13;
	v17 =	vmax.f32 v23, $0.0e+00;
	s2 =	sadd.s32 $0x200, s2  }
0x17c: {  	s17 =	sadd.s32 $0x4, s17;
	v23 =	vld [tilespmem:s2+$0x80];
	v15 =	vadd.f32 v22, v15;
	v17 =	vmul.f32 v17, v10  }
0x17d: {  	p0 =	slt.u32 s17, $0xC;
	v22 =	vld [tilespmem:s11+$0x90];
	v13 =	vmax.f32 v13, $0.0e+00;
	v16 =	vadd.f32 v19, v16  }
0x17e: {  	v19 =	vld [tilespmem:s2+$0x90];
	v13 =	vmul.f32 v13, v11;
	v14 =	vadd.f32 v17, v14  }
0x17f: {  	v17 =	vld [tilespmem:s11+$0xA0];
	v16 =	vmax.f32 v16, $0.0e+00;
	v20 =	vadd.f32 v21, v20  }
0x180: {  	v21 =	vld [tilespmem:s2+$0xA0];
	v13 =	vadd.f32 v13, v18;
	v16 =	vmul.f32 v16, v11  }
0x181: {  	v18 =	vadd.f32 v23, v24;
	v23 =	vld [tilespmem:s11+$0xB0];
	v20 =	vmax.f32 v20, $0.0e+00  }
0x182: {  	v24 =	vld [tilespmem:s2+$0xB0];
	[tilespmem:s15+$0xFFFFFF00] =	vst v13;
	v13 =	vadd.f32 v16, v15;
	v15 =	vmul.f32 v20, v11  }
0x183: {  	v16 =	vmax.f32 v18, $0.0e+00;
	v18 =	vadd.f32 v19, v22;
	v19 =	vld [tilespmem:s11+$0xC0]  }
0x184: {  	v16 =	vmul.f32 v16, v4;
	v20 =	vld [tilespmem:s2+$0xC0];
	[tilespmem:s15+$0xFFFFFF80] =	vst v13;
	v13 =	vadd.f32 v15, v14  }
0x185: {  	v14 =	vmax.f32 v18, $0.0e+00;
	v15 =	vadd.f32 v21, v17;
	v17 =	vld [tilespmem:s11+$0xD0]  }
0x186: {  	v16 =	vadd.f32 $0.0e+00, v16;
	v14 =	vmul.f32 v14, v5;
	v18 =	vld [tilespmem:s2+$0xD0];
	[tilespmem:s15+$0x0] =	vst v13  }
0x187: {  	v13 =	vmax.f32 v15, $0.0e+00;
	v15 =	vadd.f32 v24, v23;
	v21 =	vld [tilespmem:s11+$0xE0]  }
0x188: {  	v14 =	vadd.f32 v14, v16;
	v13 =	vmul.f32 v13, v6;
	v16 =	vld [tilespmem:s2+$0xE0]  }
0x189: {  	v15 =	vmax.f32 v15, $0.0e+00;
	v19 =	vadd.f32 v20, v19;
	v20 =	vld [tilespmem:s11+$0xF0]  }
0x18a: {  	v13 =	vadd.f32 v13, v14;
	v14 =	vmul.f32 v15, v7;
	v15 =	vld [tilespmem:s2+$0xF0]  }
0x18b: {  	v22 =	vld [tilespmem:s2+$0xFFFFFF00];
	v19 =	vmax.f32 v19, $0.0e+00;
	v17 =	vadd.f32 v18, v17  }
0x18c: {  	v18 =	vld [tilespmem:s11+$0xFFFFFF80];
	v13 =	vadd.f32 v14, v13;
	v14 =	vmul.f32 v19, v8  }
0x18d: {  	v19 =	vld [tilespmem:s2+$0xFFFFFF80];
	v17 =	vmax.f32 v17, $0.0e+00;
	v16 =	vadd.f32 v16, v21  }
0x18e: {  	v21 =	vld [tilespmem:s11+$0x0];
	v13 =	vadd.f32 v14, v13;
	v14 =	vmul.f32 v17, v9  }
0x18f: {  	v17 =	vld [tilespmem:s2+$0x0];
	v16 =	vmax.f32 v16, $0.0e+00;
	v15 =	vadd.f32 v15, v20  }
0x190: {  	v20 =	vld [tilespmem:s11+$0xFFFFFF00];
	v13 =	vadd.f32 v14, v13;
	v14 =	vmul.f32 v16, v10  }
0x191: {  	v16 =	vld [tilespmem:s11+$0xFFFFFF10];
	v15 =	vmax.f32 v15, $0.0e+00  }
0x192: {  	v23 =	vld [tilespmem:s2+$0xFFFFFF10];
	v18 =	vadd.f32 v19, v18;
	v13 =	vadd.f32 v14, v13;
	v14 =	vmul.f32 v15, v11  }
0x193: {  	v15 =	vld [tilespmem:s11+$0xFFFFFF90]  }
0x194: {  	v18 =	vmax.f32 v18, $0.0e+00;
	v19 =	vld [tilespmem:s2+$0xFFFFFF90];
	v17 =	vadd.f32 v17, v21;
	v13 =	vadd.f32 v14, v13  }
0x195: {  	s15 =	sadd.s32 $0x200, s15;
	v14 =	vadd.f32 v22, v20;
	v18 =	vmul.f32 v18, v4;
	v20 =	vld [tilespmem:s11+$0x10]  }
0x196: {  	v17 =	vmax.f32 v17, $0.0e+00;
	v21 =	vld [tilespmem:s2+$0x10];
	[tilespmem:s15+$0x80] =	vst v13  }
0x197: {  	v13 =	vmax.f32 v14, $0.0e+00;
	v14 =	vadd.f32 v23, v16;
	v16 =	vld [tilespmem:s11+$0xFFFFFF20];
	v17 =	vmul.f32 v17, v4  }
0x198: {  	v18 =	vadd.f32 $0.0e+00, v18;
	v13 =	vmul.f32 v13, v4;
	v22 =	vld [tilespmem:s2+$0xFFFFFF20]  }
0x199: {  	v14 =	vmax.f32 v14, $0.0e+00;
	v15 =	vadd.f32 v19, v15;
	v19 =	vld [tilespmem:s11+$0xFFFFFFA0];
	v17 =	vadd.f32 $0.0e+00, v17  }
0x19a: {  	v13 =	vadd.f32 $0.0e+00, v13;
	v14 =	vmul.f32 v14, v5;
	v23 =	vld [tilespmem:s2+$0xFFFFFFA0]  }
0x19b: {  	v15 =	vmax.f32 v15, $0.0e+00;
	v20 =	vadd.f32 v21, v20;
	v21 =	vld [tilespmem:s11+$0x20]  }
0x19c: {  	v13 =	vadd.f32 v14, v13;
	v14 =	vmul.f32 v15, v5;
	v15 =	vld [tilespmem:s2+$0x20]  }
0x19d: {  	v16 =	vadd.f32 v22, v16;
	v22 =	vld [tilespmem:s11+$0xFFFFFF30];
	v20 =	vmax.f32 v20, $0.0e+00  }
0x19e: {  	v24 =	vld [tilespmem:s2+$0xFFFFFF30];
	v14 =	vadd.f32 v14, v18;
	v18 =	vmul.f32 v20, v5  }
0x19f: {  	v16 =	vmax.f32 v16, $0.0e+00;
	v19 =	vadd.f32 v23, v19;
	v20 =	vld [tilespmem:s11+$0xFFFFFFB0]  }
0x1a0: {  	v16 =	vmul.f32 v16, v6;
	v23 =	vld [tilespmem:s2+$0xFFFFFFB0];
	v17 =	vadd.f32 v18, v17  }
0x1a1: {  	v18 =	vmax.f32 v19, $0.0e+00;
	v15 =	vadd.f32 v15, v21;
	v19 =	vld [tilespmem:s11+$0x30]  }
0x1a2: {  	v13 =	vadd.f32 v16, v13;
	v16 =	vmul.f32 v18, v6;
	v18 =	vld [tilespmem:s2+$0x30]  }
0x1a3: {  	v21 =	vadd.f32 v24, v22;
	v22 =	vld [tilespmem:s11+$0xFFFFFF40];
	v15 =	vmax.f32 v15, $0.0e+00  }
0x1a4: {  	v24 =	vld [tilespmem:s2+$0xFFFFFF40];
	v14 =	vadd.f32 v16, v14;
	v15 =	vmul.f32 v15, v6  }
0x1a5: {  	v16 =	vmax.f32 v21, $0.0e+00;
	v20 =	vadd.f32 v23, v20;
	v21 =	vld [tilespmem:s11+$0xFFFFFFC0]  }
0x1a6: {  	v16 =	vmul.f32 v16, v7;
	v23 =	vld [tilespmem:s2+$0xFFFFFFC0];
	v15 =	vadd.f32 v15, v17  }
0x1a7: {  	v17 =	vmax.f32 v20, $0.0e+00;
	v18 =	vadd.f32 v18, v19;
	v19 =	vld [tilespmem:s11+$0x40]  }
0x1a8: {  	v13 =	vadd.f32 v16, v13;
	v16 =	vmul.f32 v17, v7;
	v17 =	vld [tilespmem:s2+$0x40]  }
0x1a9: {  	v20 =	vadd.f32 v24, v22;
	v22 =	vld [tilespmem:s11+$0xFFFFFF50];
	v18 =	vmax.f32 v18, $0.0e+00  }
0x1aa: {  	v24 =	vld [tilespmem:s2+$0xFFFFFF50];
	v14 =	vadd.f32 v16, v14;
	v16 =	vmul.f32 v18, v7  }
0x1ab: {  	v18 =	vmax.f32 v20, $0.0e+00;
	v20 =	vadd.f32 v23, v21;
	v21 =	vld [tilespmem:s11+$0xFFFFFFD0]  }
0x1ac: {  	v18 =	vmul.f32 v18, v8;
	v23 =	vld [tilespmem:s2+$0xFFFFFFD0];
	v15 =	vadd.f32 v16, v15  }
0x1ad: {  	v16 =	vmax.f32 v20, $0.0e+00;
	v17 =	vadd.f32 v17, v19;
	v19 =	vld [tilespmem:s11+$0x50]  }
0x1ae: {  	v13 =	vadd.f32 v18, v13;
	v16 =	vmul.f32 v16, v8;
	v18 =	vld [tilespmem:s2+$0x50]  }
0x1af: {  	v20 =	vadd.f32 v24, v22;
	v22 =	vld [tilespmem:s11+$0xFFFFFF60];
	v17 =	vmax.f32 v17, $0.0e+00  }
0x1b0: {  	v24 =	vld [tilespmem:s2+$0xFFFFFF60];
	v14 =	vadd.f32 v16, v14;
	v16 =	vmul.f32 v17, v8  }
0x1b1: {  	v17 =	vmax.f32 v20, $0.0e+00;
	v20 =	vadd.f32 v23, v21;
	v21 =	vld [tilespmem:s11+$0xFFFFFFE0]  }
0x1b2: {  	v17 =	vmul.f32 v17, v9;
	v23 =	vld [tilespmem:s2+$0xFFFFFFE0];
	v25 =	vadd.f32 v16, v15  }
0x1b3: {  	v15 =	vmax.f32 v20, $0.0e+00;
	v16 =	vadd.f32 v18, v19;
	v18 =	vld [tilespmem:s11+$0x60]  }
0x1b4: {  	v26 =	vadd.f32 v17, v13;
	v15 =	vmul.f32 v15, v9;
	v20 =	vld [tilespmem:s2+$0x60]  }
0x1b5: {  	v19 =	vadd.f32 v24, v22;
	v13 =	vld [tilespmem:s11+$0xFFFFFF70];
	v16 =	vmax.f32 v16, $0.0e+00  }
.Ltmp7:
0x1b6: {  	v17 =	vld [tilespmem:s2+$0xFFFFFF70];
	v15 =	vadd.f32 v15, v14;
	v14 =	vmul.f32 v16, v9;
	(pc) =	sbr.rel @p0 .LBB2_9-.Ltmp7, $4  }
0x1b7: {  	v19 =	vmax.f32 v19, $0.0e+00;
	v21 =	vadd.f32 v23, v21;
	v16 =	vld [tilespmem:s11+$0xFFFFFFF0]  }
0x1b8: {  	v22 =	vmul.f32 v19, v10;
	v19 =	vld [tilespmem:s2+$0xFFFFFFF0];
	v14 =	vadd.f32 v14, v25  }
0x1b9: {  	v21 =	vmax.f32 v21, $0.0e+00;
	v23 =	vadd.f32 v20, v18;
	v20 =	vld [tilespmem:s11+$0x70]  }
0x1ba: {  	s11 =	sadd.s32 $0x200, s11;
	v18 =	vadd.f32 v22, v26;
	v22 =	vmul.f32 v21, v10;
	v21 =	vld [tilespmem:s2+$0x70]  }
0x1bb: {  	_ =	sdelay $0x1  }
0x1bc: {  	v13 =	vadd.f32 v17, v13  }
0x1bd: {  	v16 =	vadd.f32 v19, v16  }
0x1be: {  	v55 =	vmax.f32 v23, $0.0e+00;
	v13 =	vmax.f32 v13, $0.0e+00;
	v56 =	vadd.f32 v21, v20  }
0x1bf: {  	v17 =	vmul.f32 v55, v10;
	v13 =	vmul.f32 v13, v11;
	v16 =	vmax.f32 v16, $0.0e+00  }
0x1c0: {  	v15 =	vadd.f32 v22, v15;
	v16 =	vmul.f32 v16, v11;
	v19 =	vmax.f32 v56, $0.0e+00  }
0x1c1: {  	v14 =	vadd.f32 v17, v14;
	v13 =	vadd.f32 v13, v18;
	v57 =	vmul.f32 v19, v11  }
0x1c2: {  	v15 =	vadd.f32 v16, v15  }
0x1c3: {  	[tilespmem:s15+$0xFFFFFF00] =	vst v13;
	v13 =	vadd.f32 v57, v14  }
0x1c4: {  	[tilespmem:s15+$0xFFFFFF80] =	vst v15  }
0x1c5: {  	[tilespmem:s15+$0x0] =	vst v13  }
0x1c6: {  	v13 =	vld [tilespmem:$0x19500]  }
0x1c7: {  	v14 =	vld [tilespmem:$0x19580]  }
0x1c8: {  	v15 =	vld [tilespmem:$0x19600]  }
0x1c9: {  	v58 =	vld [tilespmem:$0x19680]  }
0x1ca: {  	v59 =	vld [tilespmem:$0x19700]  }
0x1cb: {  	v60 =	vld [tilespmem:$0x19780]  }
0x1cc: {  	v63 =	vld [tilespmem:$0x19800]  }
0x1cd: {  	v24 =	vld [tilespmem:$0x19880]  }
0x1ce: {  	v34 =	vld [tilespmem:$0x19900]  }
0x1cf: {  	v35 =	vld [tilespmem:$0x19980]  }
0x1d0: {  	v25 =	vld [tilespmem:$0x19A00];
	v61 =	vperm.xlane v13, v0;
	v62 =	vperm.xlane v14, v0  }
0x1d1: {  	v39 =	vld [tilespmem:$0x19B00];
	v32 =	vperm.xlane v15, v0;
	v33 =	vperm.xlane v58, v0  }
0x1d2: {  	v26 =	vld [tilespmem:$0x19B80];
	v36 =	vperm.xlane v59, v0;
	v37 =	vperm.xlane v60, v0  }
0x1d3: {  	v42 =	vperm.xlane v63, v0;
	v44 =	vperm.xlane v24, v0  }
0x1d4: {  	v28 =	vld [tilespmem:$0x19C80];
	v45 =	vperm.xlane v34, v0;
	v29 =	vperm.xlane v35, v0  }
0x1d5: {  	v43 =	vld [tilespmem:$0x19C00];
	v46 =	vperm.xlane v25, v0;
	v13 =	vadd.f32 v61, v13;
	v14 =	vadd.f32 v62, v14  }
0x1d6: {  	v48 =	vperm.xlane v39, v0;
	v15 =	vadd.f32 v32, v15;
	v16 =	vadd.f32 v33, v58  }
0x1d7: {  	v49 =	vperm.xlane v26, v0;
	v17 =	vadd.f32 v36, v59;
	v18 =	vadd.f32 v37, v60  }
0x1d8: {  	v23 =	vadd.f32 v44, v24;
	v13 =	vsel vm0, v13, v14;
	v14 =	vsel vm0, v15, v16;
	v15 =	vld [tilespmem:$0x19A80]  }
0x1d9: {  	v51 =	vperm.xlane v28, v0;
	v19 =	vadd.f32 v45, v34;
	v20 =	vadd.f32 v29, v35  }
0x1da: {  	v50 =	vperm.xlane v43, v0;
	v24 =	vadd.f32 v46, v25;
	v22 =	vadd.f32 v48, v39  }
0x1db: {  	v52 =	vadd.f32 v49, v26;
	v53 =	vadd.f32 v51, v28;
	v41 =	vsel vm0, v17, v18  }
0x1dc: {  	v17 =	vadd.f32 v42, v63;
	v19 =	vsel vm0, v19, v20;
	v38 =	vperm.xlane v13, v1  }
0x1dd: {  	v18 =	vadd.f32 v50, v43;
	v40 =	vperm.xlane v14, v1;
	v47 =	vperm.xlane v15, v0  }
0x1de: {  	v22 =	vsel vm0, v22, v52;
	v27 =	vperm.xlane v41, v1;
	v55 =	vperm.xlane v19, v1  }
0x1df: {  	v57 =	vperm.xlane v22, v1;
	v17 =	vsel vm0, v17, v23;
	v15 =	vadd.f32 v47, v15  }
0x1e0: {  	v18 =	vsel vm0, v18, v53;
	v13 =	vadd.f32 v38, v13;
	v14 =	vadd.f32 v40, v14  }
0x1e1: {  	v16 =	vadd.f32 v27, v41;
	v54 =	vperm.xlane v17, v1;
	v15 =	vsel vm0, v24, v15  }
0x1e2: {  	v58 =	vperm.xlane v18, v1;
	v19 =	vadd.f32 v55, v19;
	v56 =	vperm.xlane v15, v1  }
0x1e3: {  	v17 =	vadd.f32 v54, v17;
	v13 =	vsel vm1, v13, v14;
	v14 =	vadd.f32 v57, v22  }
0x1e4: {  	v18 =	vadd.f32 v58, v18;
	v15 =	vadd.f32 v56, v15  }
0x1e5: {  	v59 =	vperm.xlane v13, v2;
	v16 =	vsel vm1, v16, v17  }
0x1e6: {  	v14 =	vsel vm1, v14, v18;
	v60 =	vperm.xlane v16, v2;
	v15 =	vsel vm1, v19, v15  }
0x1e7: {  	v62 =	vperm.xlane v14, v2;
	v61 =	vperm.xlane v15, v2  }
0x1e8: {  	v13 =	vadd.f32 v59, v13;
	v16 =	vadd.f32 v60, v16  }
0x1e9: {  	v14 =	vadd.f32 v62, v14;
	v15 =	vadd.f32 v61, v15;
	_ =	sdelay $0x1  }
0x1ea: {  	v13 =	vsel vm2, v13, v16;
	v14 =	vsel vm2, v15, v14  }
0x1eb: {  	v15 =	vperm.xlane v13, v3;
	v63 =	vperm.xlane v14, v3;
	_ =	sdelay $0x1  }
0x1ec: {  	v13 =	vadd.f32 v15, v13;
	v14 =	vadd.f32 v63, v14;
	_ =	sdelay $0x1  }
0x1ed: {  	v13 =	vsel vm3, v13, v14  }
0x1ee: {  	v13 =	vadd.f32 v13, v12;
	_ =	sdelay $0x1  }
0x1ef: {  	v13 =	vsub.f32 $0.0e+00, v13;
	_ =	sdelay $0x1  }
0x1f0: {  	v13 =	vmul.f32 $1.442695020e+00, v13;
	_ =	sdelay $0x1  }
0x1f1: {  	(erf) = vpow2.f32 v13;
	_ =	sdelay $0x8  }
0x1f2: {  	v13 =	vpop (erf)  }
0x1f3: {  	v13 =	vadd.f32 $1.000000000e+00, v13;
	_ =	sdelay $0x1  }
0x1f4: {  	(erf) = vrcp.f32 v13;
	_ =	sdelay $0x3  }
0x1f5: {  	s5 =	sadd.s32 $0x1, s5  }
0x1f6: {  	p0 =	sne.s32 s5, $0xD  }
.Ltmp8:
0x1f7: {  	_ = 	snop;
	(pc) =	sbr.rel @p0 .LBB2_8-.Ltmp8, $3  }
0x1f8: {  	_ =	sdelay $0x1  }
0x1f9: {  	v13 =	vpop (erf)  }
0x1fa: {  	s3 =	sadd.s32 $0x10, s3;
	[tilespmem:s4+$0x19E00] =	vst v13  }
0x1fb: {  	s2 =	smul.u32 $0xC8, s31  }
.Ltmp9:
0x1fc: {  	_ = 	snop;
	(pc) =	sbr.rel .LBB2_12-.Ltmp9, $4  }
0x1fd: {  	s2 =	sadd.s32 s8, s2  }
0x1fe: {  	s2 =	sshrl.u32 s2, $0x3  }
0x1ff: {  	s2 =	sadd.s32 s10, s2  }
0x200: {  	[hbm4b:s2+s6] =	stream.linear.scatter [tilespmem:s25], [sflag:$0x4], $0xC8, $0x38;
	[tilespmem:$0x19F00] =	vst v63  }
.LBB2_14:
0x201: {  	_ =	sfence.sel $0x180000  }
0x202: {  	[bflag:$0x0] =	sbarrier.arrive $0xFFFF  }
0x203: {  	_ =	strace $0x90000047  }
0x204: {  	s0 =	stileid.u32;
	[bflag:$0x2] =	sbarrier.arrive $0xFFFF  }
0x205: {  	p0 =	sne.s32 s0, $0x0;
	s0 =	rddreg [dreg:$0x5]  }
0x206: {  	s0 =	sadd.s32 @!p0 $0x100000, s0  }
0x207: {  	[sflag:s0] =	ssyncadd.tile.s32 @!p0 $0x1;
	_ =	shalt  }
.Lfunc_end2:
_tile_overlayer_lowered:
.L_overlay_start_2:
0x208: {  	(tag) =	ssettag $0x2  }
0x209: {  	s0 =	rddreg [dreg:$0x0];
	s2 =	stileid.u32  }
0x20a: {  	s1 =	rddreg [dreg:$0x1];
	p0 =	sne.s32 s2, $0x0  }
0x20b: {  	s3 =	rddreg [dreg:$0x2];
	[bflag:$0x3] =	sbarrier.arrive $0xFFFF;
	s2 =	simm.s32 @!p0 $0x1C05  }
0x20c: {  	[timem:s3], [sflag:s2] =	dma.local @!p0 [hbm:s0], s1  }
0x20d: {  	s0 =	simm.s32 @!p0 $0x5  }
0x20e: {  	_ =	swait.ge @!p0 [sflag:s0], s1  }
0x20f: {  	s1 =	ssub.s32 @!p0 $0x0, s1;
	[sflag:s0] =	ssyncset.done @!p0 $0x0  }
0x210: {  	[sflag:s0] =	ssyncadd.s32 @!p0 s1  }
0x211: {  	[bflag:$0x3] =	sbarrier.arrive $0xFFFF  }
0x212: {  	_ =	shalt  }

</sc_bundles>
